<compile_context>
chip_gen: v7x
topology: tpu7x:2x2x1
jax: 0.10.2.dev20260603
libtpu: 0.0.44.dev20260713+nightly
codegen_flags: <defaults>
</compile_context>

<pallas_src>
import jax
import jax.numpy as jnp
from jax import lax
from jax.experimental import pallas as pl
from jax.experimental.pallas import tpu as pltpu
from jax.experimental.pallas import tpu_sc as plsc

T = 4
U = 32
B = 8192
E_PER = 131072
NUM_SRC = 50000
ESIZE = 256
TU = T * U

NC, NS, L = 2, 16, 16
NW = NC * NS
W_PER_TYPE = NW // T
EDGES_PER_TYPE_W = E_PER // W_PER_TYPE
K = 512
CH = K // 128
N_ITERS = EDGES_PER_TYPE_W // K
ACC_ROWS = B * T
ACC_PER_SUB = ACC_ROWS // NS
BASE_PER_W = B // NW


def _base_body(outnodes_hbm, ne_hbm, base_hbm, bidx_v, brows_v, sem):
    cid = lax.axis_index("c")
    sid = lax.axis_index("s")
    wid = sid * NC + cid
    for r in range(BASE_PER_W // 128):
        boff = wid * BASE_PER_W + r * 128
        pltpu.sync_copy(outnodes_hbm.at[pl.ds(boff, 128)], bidx_v)
        pltpu.async_copy(ne_hbm.at[bidx_v], brows_v, sem).wait()
        pltpu.sync_copy(brows_v, base_hbm.at[pl.ds(boff, 128)])


def _make_base_kernel():
    mesh = plsc.VectorSubcoreMesh(core_axis_name="c", subcore_axis_name="s")
    return pl.kernel(
        _base_body,
        out_type=jax.ShapeDtypeStruct((B, ESIZE), jnp.float32),
        mesh=mesh,
        compiler_params=pltpu.CompilerParams(
            needs_layout_passes=False, use_tc_tiling_on_sc=True),
        scratch_types=[
            pltpu.VMEM((128,), jnp.int32),
            pltpu.VMEM((128, ESIZE), jnp.float32),
            pltpu.SemaphoreType.DMA,
        ],
    )


def _sc_body(innodes_hbm, esrc_hbm, edst_hbm, nte_hbm,
             partials_hbm,
             esrc_v, edst_v, nvals_v,
             rowidx_0, rowidx_1, rowidx_2, rowidx_3,
             accidx_0, accidx_1, accidx_2, accidx_3,
             rows_0, rows_1, rows_2, rows_3,
             innodes_sh, acc_sh, sem):
    rowidx = (rowidx_0, rowidx_1, rowidx_2, rowidx_3)
    accidx = (accidx_0, accidx_1, accidx_2, accidx_3)
    rows = (rows_0, rows_1, rows_2, rows_3)
    cid = lax.axis_index("c")
    sid = lax.axis_index("s")
    wid = sid * NC + cid
    t = wid // W_PER_TYPE
    estart = wid * EDGES_PER_TYPE_W

    @pl.when(sid == 0)
    def _():
        pltpu.sync_copy(innodes_hbm, innodes_sh)

    zero16 = jnp.zeros((L,), jnp.float32)
    lanes = lax.iota(jnp.int32, L)

    def _zrow(i, carry):
        w = i * L + lanes
        plsc.store_scatter(rows_0, [w // U, w % U], zero16)
        return carry

    lax.fori_loop(0, (128 * U) // L, _zrow, 0)
    for j in range(ACC_PER_SUB // 128):
        pltpu.sync_copy(rows_0, acc_sh.at[pl.ds(sid * ACC_PER_SUB + j * 128, 128)])
    plsc.subcore_barrier()

    def _edge_iter(g, carry):
        off = estart + g * K
        pltpu.sync_copy(esrc_hbm.at[pl.ds(off, K)], esrc_v)
        pltpu.sync_copy(edst_hbm.at[pl.ds(off, K)], edst_v)
        for c in range(CH):
            pltpu.sync_copy(innodes_sh.at[esrc_v.at[pl.ds(c * 128, 128)]],
                            nvals_v.at[pl.ds(c * 128, 128)])
        for j in range(K // L):
            n = nvals_v[pl.ds(j * L, L)]
            rowidx[j // 8][pl.ds((j % 8) * L, L)] = n * T + t
            d = edst_v[pl.ds(j * L, L)]
            accidx[j // 8][pl.ds((j % 8) * L, L)] = d * T + t
        cps = [
            pltpu.async_copy(nte_hbm.at[rowidx[c]], rows[c], sem)
            for c in range(CH)
        ]
        for cp in cps:
            cp.wait()
        for c in range(CH):
            pltpu.sync_copy(rows[c], acc_sh.at[accidx[c]], add=True)
        return carry

    lax.fori_loop(0, N_ITERS, _edge_iter, 0)
    plsc.subcore_barrier()

    pltpu.sync_copy(
        acc_sh.at[pl.ds(sid * ACC_PER_SUB, ACC_PER_SUB)],
        partials_hbm.at[cid, pl.ds(sid * ACC_PER_SUB, ACC_PER_SUB)])


def _make_sc_kernel():
    mesh = plsc.VectorSubcoreMesh(core_axis_name="c", subcore_axis_name="s")
    return pl.kernel(
        _sc_body,
        out_type=jax.ShapeDtypeStruct((NC, ACC_ROWS, U), jnp.float32),
        mesh=mesh,
        compiler_params=pltpu.CompilerParams(
            needs_layout_passes=False, use_tc_tiling_on_sc=False),
        scratch_types=[
            pltpu.VMEM((K,), jnp.int32),
            pltpu.VMEM((K,), jnp.int32),
            pltpu.VMEM((K,), jnp.int32),
            pltpu.VMEM((128,), jnp.int32),
            pltpu.VMEM((128,), jnp.int32),
            pltpu.VMEM((128,), jnp.int32),
            pltpu.VMEM((128,), jnp.int32),
            pltpu.VMEM((128,), jnp.int32),
            pltpu.VMEM((128,), jnp.int32),
            pltpu.VMEM((128,), jnp.int32),
            pltpu.VMEM((128,), jnp.int32),
            pltpu.VMEM((128, U), jnp.float32),
            pltpu.VMEM((128, U), jnp.float32),
            pltpu.VMEM((128, U), jnp.float32),
            pltpu.VMEM((128, U), jnp.float32),
            pltpu.VMEM_SHARED((NUM_SRC,), jnp.int32),
            pltpu.VMEM_SHARED((ACC_ROWS, U), jnp.float32),
            pltpu.SemaphoreType.DMA,
        ],
    )



BLK = 1024
NEG = -1e9


def _dense_body(p_ref, base_ref, w1_ref, w2_ref, r_ref, wbig_ref, out_ref):
    nte = p_ref[0] + p_ref[1]
    h = jnp.tanh(jnp.dot(nte, w1_ref[:], preferred_element_type=jnp.float32))
    mask = jnp.where(lax.broadcasted_iota(jnp.int32, (1, TU), 1) < T, 0.0, NEG)
    logits = jnp.dot(h, w2_ref[:], preferred_element_type=jnp.float32) + mask
    m = jnp.max(logits, axis=1, keepdims=True)
    e = jnp.exp(logits - m)
    att = e / jnp.sum(e, axis=1, keepdims=True)
    a128 = jnp.dot(att, r_ref[:], preferred_element_type=jnp.float32) * nte
    proj = jnp.dot(a128, wbig_ref[:], preferred_element_type=jnp.float32)
    for tt in range(T):
        v = base_ref[:] + proj[:, tt * ESIZE:(tt + 1) * ESIZE]
        ss = jnp.sum(v * v, axis=1, keepdims=True)
        inv = 1.0 / jnp.maximum(jnp.sqrt(ss), 1e-12)
        out_ref[:, tt, :] = v * inv


def _dense_call(partials, base, w1bd, w2bd, rmat, wbig):
    return pl.pallas_call(
        _dense_body,
        grid=(B // BLK,),
        in_specs=[
            pl.BlockSpec((NC, BLK, TU), lambda i: (0, i, 0)),
            pl.BlockSpec((BLK, ESIZE), lambda i: (i, 0)),
            pl.BlockSpec((TU, TU), lambda i: (0, 0)),
            pl.BlockSpec((TU, TU), lambda i: (0, 0)),
            pl.BlockSpec((TU, TU), lambda i: (0, 0)),
            pl.BlockSpec((TU, T * ESIZE), lambda i: (0, 0)),
        ],
        out_specs=pl.BlockSpec((BLK, T, ESIZE), lambda i: (i, 0, 0)),
        out_shape=jax.ShapeDtypeStruct((B, T, ESIZE), jnp.float32),
    )(partials, base, w1bd, w2bd, rmat, wbig)


def kernel(input_nodes, output_nodes, edge_src, edge_dst, node_embeddings,
           node_type_embeddings, trans_weights, trans_weights_s1,
           trans_weights_s2):
    input_nodes = input_nodes.astype(jnp.int32)
    output_nodes = output_nodes.astype(jnp.int32)
    edge_src = edge_src.astype(jnp.int32)
    edge_dst = edge_dst.astype(jnp.int32)

    partials = _make_sc_kernel()(
        input_nodes, edge_src.reshape(-1), edge_dst.reshape(-1),
        node_type_embeddings)
    base = _make_base_kernel()(output_nodes, node_embeddings)

    w1bd = jax.scipy.linalg.block_diag(*[trans_weights_s1[i] for i in range(T)])
    w2cols = jax.scipy.linalg.block_diag(*[trans_weights_s2[i] for i in range(T)])
    w2bd = jnp.pad(w2cols, ((0, 0), (0, TU - T)))
    rmat = jnp.pad(jnp.repeat(jnp.eye(T, dtype=jnp.float32), U, axis=1),
                   ((0, TU - T), (0, 0)))
    wcat = jnp.concatenate([trans_weights[i] for i in range(T)], axis=1)
    wbig = jnp.tile(wcat, (T, 1))

    return _dense_call(partials.reshape(NC, B, TU), base,
                       w1bd, w2bd, rmat, wbig)

# --- scband reference (transcript-rebuilt; emitter-appended) ---
"""Pipeline reference for scband-dglgatne-79207786873167 (READ-ONLY COPY).

The authoritative reference and input builder live on the scoring server;
editing this copy changes nothing except your own understanding.
"""

import jax, jax.numpy as jnp
import numpy as np

NUM_NODES = 100000
E_SIZE = 256
U_SIZE = 32
T = 4
DIM_A = 32
NUM_SRC = 50000
NUM_DST = 8192
E_PER = 131072


def setup_inputs(seed: int = 0) -> dict:
    key = jax.random.key(seed)
    ks = jax.random.split(key, 10)
    input_nodes = jax.random.randint(ks[0], (NUM_SRC,), 0, NUM_NODES)
    output_nodes = jax.random.randint(ks[1], (NUM_DST,), 0, NUM_NODES)
    edge_src = jax.random.randint(ks[2], (T, E_PER), 0, NUM_SRC)
    edge_dst = jax.random.randint(ks[3], (T, E_PER), 0, NUM_DST)
    node_embeddings = jax.random.uniform(ks[4], (NUM_NODES, E_SIZE), minval=-1.0, maxval=1.0, dtype=jnp.float32)
    node_type_embeddings = jax.random.uniform(ks[5], (NUM_NODES * T, U_SIZE), minval=-1.0, maxval=1.0, dtype=jnp.float32)
    std = 1.0 / np.sqrt(E_SIZE)
    trans_weights = jax.random.normal(ks[6], (T, U_SIZE, E_SIZE), dtype=jnp.float32) * std
    trans_weights_s1 = jax.random.normal(ks[7], (T, U_SIZE, DIM_A), dtype=jnp.float32) * std
    trans_weights_s2 = jax.random.normal(ks[8], (T, DIM_A, 1), dtype=jnp.float32) * std
    return {
        'input_nodes': input_nodes,
        'output_nodes': output_nodes,
        'edge_src': edge_src,
        'edge_dst': edge_dst,
        'node_embeddings': node_embeddings,
        'node_type_embeddings': node_type_embeddings,
        'trans_weights': trans_weights,
        'trans_weights_s1': trans_weights_s1,
        'trans_weights_s2': trans_weights_s2,
    }


def reference(input_nodes, output_nodes, edge_src, edge_dst,
              node_embeddings, node_type_embeddings,
              trans_weights, trans_weights_s1, trans_weights_s2):
    t = trans_weights.shape[0]
    batch_size = output_nodes.shape[0]
    # per-edge-type message passing: copy_u + sum (segment_sum onto dst nodes)
    per_type = []
    for i in range(t):
        src_e = node_type_embeddings[input_nodes * t + i]          # [NUM_SRC, U]
        msgs = src_e[edge_src[i]]                                   # [E_PER, U] gather
        agg = jax.ops.segment_sum(msgs, edge_dst[i], num_segments=batch_size)  # [B, U]
        per_type.append(agg)
    node_type_embed = jnp.stack(per_type, axis=1)                   # [B, T, U]
    # attention over edge types (batched small matmuls, same math as torch repeat+bmm)
    h = jnp.tanh(jnp.einsum('btu,tua->bta', node_type_embed, trans_weights_s1))  # [B, T, A]
    logits = jnp.einsum('bta,tao->bto', h, trans_weights_s2)[..., 0]             # [B, T]
    attention = jax.nn.softmax(logits, axis=1)                                    # [B, T]
    # attention.unsqueeze(1).repeat(1,T,1) @ node_type_embed -> each type row identical
    attended = jnp.einsum('bt,btu->bu', attention, node_type_embed)               # [B, U]
    proj = jnp.einsum('bu,tue->bte', attended, trans_weights)                     # [B, T, E]
    base = node_embeddings[output_nodes][:, None, :]                              # [B, 1, E]
    node_embed = base + proj                                                      # [B, T, E]
    norm = jnp.linalg.norm(node_embed, axis=2, keepdims=True)
    last_node_embed = node_embed / jnp.clip(norm, 1e-12)                          # F.normalize(dim=2)
    return last_node_embed

if __name__ == "__main__":
    import jax
    _d = setup_inputs()
    print(jax.jit(kernel)(*tuple(_d.values())))

</pallas_src>

<mosaic_0001>
#map = affine_map<(d0, d1) -> (0)>
#map1 = affine_map<(d0, d1) -> (0, 0)>
module attributes {stable_mosaic.version = 14 : i64} {
  func.func @_base_body(%arg0: i32, %arg1: i32, %arg2: memref<8192xi32, #tpu.memory_space<hbm>>, %arg3: memref<100000x256xf32, #tpu.memory_space<hbm>>, %arg4: memref<8192x256xf32, #tpu.memory_space<hbm>>, %arg5: memref<128xi32, #tpu.memory_space<vmem>>, %arg6: memref<128x256xf32, #tpu.memory_space<vmem>>, %arg7: memref<!tpu.dma_semaphore, #tpu.memory_space<semaphore_mem>>) attributes {dimension_semantics = [#tpu.dimension_semantics<core_parallel>, #tpu.dimension_semantics<subcore_parallel>], iteration_bounds = array<i64: 2, 16>, scalar_prefetch = 0 : i64, scratch_operands = 3 : i64, tpu.core_type = #tpu.core_type<sc_vector_subcore>, window_params = [{transform_indices = #map}, {transform_indices = #map1}, {transform_indices = #map1}]} {
    %mul3A = arith.constant 2 : i32
    %mul3A_0 = arith.muli %arg1, %mul3A : i32
    %add3A = arith.addi %mul3A_0, %arg0 : i32
    %mul3A_1 = arith.constant 256 : i32
    %mul3A_2 = arith.muli %add3A, %mul3A_1 : i32
    %add3A_3 = arith.constant 0 : i32
    %add3A_4 = arith.addi %mul3A_2, %add3A_3 : i32
    "tpu.region"() ({
      %run_scoped3A = tpu.sem_alloc : memref<!tpu.dma_semaphore, #tpu.memory_space<semaphore_mem>>
      %dma_start3A_19 = tpu.memref_slice %arg2[%add3A_4] : memref<8192xi32, #tpu.memory_space<hbm>> -> memref<128xi32, #tpu.memory_space<hbm>>
      %dma_start3A_20 = tpu.memref_slice %arg2[%add3A_4] : memref<8192xi32, #tpu.memory_space<hbm>> -> memref<128xi32, #tpu.memory_space<hbm>>
      tpu.enqueue_dma source(%dma_start3A_20 : memref<128xi32, #tpu.memory_space<hbm>>) target(%arg5 : memref<128xi32, #tpu.memory_space<vmem>>) target_semaphore(%run_scoped3A : memref<!tpu.dma_semaphore, #tpu.memory_space<semaphore_mem>>)
      %dma_wait3A_21 = tpu.memref_slice %arg2[%add3A_4] : memref<8192xi32, #tpu.memory_space<hbm>> -> memref<128xi32, #tpu.memory_space<hbm>>
      %dma_wait3A_22 = tpu.memref_slice %arg2[%add3A_4] : memref<8192xi32, #tpu.memory_space<hbm>> -> memref<128xi32, #tpu.memory_space<hbm>>
      tpu.wait_dma2 semaphore(%run_scoped3A : memref<!tpu.dma_semaphore, #tpu.memory_space<semaphore_mem>>) src(%dma_wait3A_22 : memref<128xi32, #tpu.memory_space<hbm>>) dst(%arg5 : memref<128xi32, #tpu.memory_space<vmem>>)
      tpu.yield
    }) : () -> ()
    %dma_start3A = arith.constant 0 : i32
    %dma_start3A_5 = arith.constant 0 : i32
    %dma_start3A_6 = tpu.memref_slice %arg3[%dma_start3A, %dma_start3A_5] : memref<100000x256xf32, #tpu.memory_space<hbm>> -> memref<100000x256xf32, #tpu.memory_space<hbm>>
    tpu.enqueue_indirect_dma source(%dma_start3A_6 : memref<100000x256xf32, #tpu.memory_space<hbm>>) target(%arg6 : memref<128x256xf32, #tpu.memory_space<vmem>>) offsets(%arg5 : memref<128xi32, #tpu.memory_space<vmem>>) semaphore(%arg7 : memref<!tpu.dma_semaphore, #tpu.memory_space<semaphore_mem>>)
    %dma_wait3A = arith.constant 0 : i32
    %dma_wait3A_7 = arith.constant 0 : i32
    %dma_wait3A_8 = tpu.memref_slice %arg3[%dma_wait3A, %dma_wait3A_7] : memref<100000x256xf32, #tpu.memory_space<hbm>> -> memref<100000x256xf32, #tpu.memory_space<hbm>>
    tpu.wait_indirect_dma semaphore(%arg7 : memref<!tpu.dma_semaphore, #tpu.memory_space<semaphore_mem>>) src(%dma_wait3A_8 : memref<100000x256xf32, #tpu.memory_space<hbm>>) dst(%arg6 : memref<128x256xf32, #tpu.memory_space<vmem>>)
    "tpu.region"() ({
      %run_scoped3A = tpu.sem_alloc : memref<!tpu.dma_semaphore, #tpu.memory_space<semaphore_mem>>
      %dma_start3A_19 = arith.constant 0 : i32
      %dma_start3A_20 = tpu.memref_slice %arg4[%add3A_4, %dma_start3A_19] : memref<8192x256xf32, #tpu.memory_space<hbm>> -> memref<128x256xf32, #tpu.memory_space<hbm>>
      %dma_start3A_21 = arith.constant 0 : i32
      %dma_start3A_22 = tpu.memref_slice %arg4[%add3A_4, %dma_start3A_21] : memref<8192x256xf32, #tpu.memory_space<hbm>> -> memref<128x256xf32, #tpu.memory_space<hbm>>
      tpu.enqueue_dma source(%arg6 : memref<128x256xf32, #tpu.memory_space<vmem>>) target(%dma_start3A_22 : memref<128x256xf32, #tpu.memory_space<hbm>>) target_semaphore(%run_scoped3A : memref<!tpu.dma_semaphore, #tpu.memory_space<semaphore_mem>>)
      %dma_wait3A_23 = arith.constant 0 : i32
      %dma_wait3A_24 = tpu.memref_slice %arg4[%add3A_4, %dma_wait3A_23] : memref<8192x256xf32, #tpu.memory_space<hbm>> -> memref<128x256xf32, #tpu.memory_space<hbm>>
      %dma_wait3A_25 = arith.constant 0 : i32
      %dma_wait3A_26 = tpu.memref_slice %arg4[%add3A_4, %dma_wait3A_25] : memref<8192x256xf32, #tpu.memory_space<hbm>> -> memref<128x256xf32, #tpu.memory_space<hbm>>
      tpu.wait_dma2 semaphore(%run_scoped3A : memref<!tpu.dma_semaphore, #tpu.memory_space<semaphore_mem>>) src(%arg6 : memref<128x256xf32, #tpu.memory_space<vmem>>) dst(%dma_wait3A_26 : memref<128x256xf32, #tpu.memory_space<hbm>>)
      tpu.yield
    }) : () -> ()
    %mul3A_9 = arith.constant 256 : i32
    %mul3A_10 = arith.muli %add3A, %mul3A_9 : i32
    %add3A_11 = arith.constant 128 : i32
    %add3A_12 = arith.addi %mul3A_10, %add3A_11 : i32
    "tpu.region"() ({
      %run_scoped3A = tpu.sem_alloc : memref<!tpu.dma_semaphore, #tpu.memory_space<semaphore_mem>>
      %dma_start3A_19 = tpu.memref_slice %arg2[%add3A_12] : memref<8192xi32, #tpu.memory_space<hbm>> -> memref<128xi32, #tpu.memory_space<hbm>>
      %dma_start3A_20 = tpu.memref_slice %arg2[%add3A_12] : memref<8192xi32, #tpu.memory_space<hbm>> -> memref<128xi32, #tpu.memory_space<hbm>>
      tpu.enqueue_dma source(%dma_start3A_20 : memref<128xi32, #tpu.memory_space<hbm>>) target(%arg5 : memref<128xi32, #tpu.memory_space<vmem>>) target_semaphore(%run_scoped3A : memref<!tpu.dma_semaphore, #tpu.memory_space<semaphore_mem>>)
      %dma_wait3A_21 = tpu.memref_slice %arg2[%add3A_12] : memref<8192xi32, #tpu.memory_space<hbm>> -> memref<128xi32, #tpu.memory_space<hbm>>
      %dma_wait3A_22 = tpu.memref_slice %arg2[%add3A_12] : memref<8192xi32, #tpu.memory_space<hbm>> -> memref<128xi32, #tpu.memory_space<hbm>>
      tpu.wait_dma2 semaphore(%run_scoped3A : memref<!tpu.dma_semaphore, #tpu.memory_space<semaphore_mem>>) src(%dma_wait3A_22 : memref<128xi32, #tpu.memory_space<hbm>>) dst(%arg5 : memref<128xi32, #tpu.memory_space<vmem>>)
      tpu.yield
    }) : () -> ()
    %dma_start3A_13 = arith.constant 0 : i32
    %dma_start3A_14 = arith.constant 0 : i32
    %dma_start3A_15 = tpu.memref_slice %arg3[%dma_start3A_13, %dma_start3A_14] : memref<100000x256xf32, #tpu.memory_space<hbm>> -> memref<100000x256xf32, #tpu.memory_space<hbm>>
    tpu.enqueue_indirect_dma source(%dma_start3A_15 : memref<100000x256xf32, #tpu.memory_space<hbm>>) target(%arg6 : memref<128x256xf32, #tpu.memory_space<vmem>>) offsets(%arg5 : memref<128xi32, #tpu.memory_space<vmem>>) semaphore(%arg7 : memref<!tpu.dma_semaphore, #tpu.memory_space<semaphore_mem>>)
    %dma_wait3A_16 = arith.constant 0 : i32
    %dma_wait3A_17 = arith.constant 0 : i32
    %dma_wait3A_18 = tpu.memref_slice %arg3[%dma_wait3A_16, %dma_wait3A_17] : memref<100000x256xf32, #tpu.memory_space<hbm>> -> memref<100000x256xf32, #tpu.memory_space<hbm>>
    tpu.wait_indirect_dma semaphore(%arg7 : memref<!tpu.dma_semaphore, #tpu.memory_space<semaphore_mem>>) src(%dma_wait3A_18 : memref<100000x256xf32, #tpu.memory_space<hbm>>) dst(%arg6 : memref<128x256xf32, #tpu.memory_space<vmem>>)
    "tpu.region"() ({
      %run_scoped3A = tpu.sem_alloc : memref<!tpu.dma_semaphore, #tpu.memory_space<semaphore_mem>>
      %dma_start3A_19 = arith.constant 0 : i32
      %dma_start3A_20 = tpu.memref_slice %arg4[%add3A_12, %dma_start3A_19] : memref<8192x256xf32, #tpu.memory_space<hbm>> -> memref<128x256xf32, #tpu.memory_space<hbm>>
      %dma_start3A_21 = arith.constant 0 : i32
      %dma_start3A_22 = tpu.memref_slice %arg4[%add3A_12, %dma_start3A_21] : memref<8192x256xf32, #tpu.memory_space<hbm>> -> memref<128x256xf32, #tpu.memory_space<hbm>>
      tpu.enqueue_dma source(%arg6 : memref<128x256xf32, #tpu.memory_space<vmem>>) target(%dma_start3A_22 : memref<128x256xf32, #tpu.memory_space<hbm>>) target_semaphore(%run_scoped3A : memref<!tpu.dma_semaphore, #tpu.memory_space<semaphore_mem>>)
      %dma_wait3A_23 = arith.constant 0 : i32
      %dma_wait3A_24 = tpu.memref_slice %arg4[%add3A_12, %dma_wait3A_23] : memref<8192x256xf32, #tpu.memory_space<hbm>> -> memref<128x256xf32, #tpu.memory_space<hbm>>
      %dma_wait3A_25 = arith.constant 0 : i32
      %dma_wait3A_26 = tpu.memref_slice %arg4[%add3A_12, %dma_wait3A_25] : memref<8192x256xf32, #tpu.memory_space<hbm>> -> memref<128x256xf32, #tpu.memory_space<hbm>>
      tpu.wait_dma2 semaphore(%run_scoped3A : memref<!tpu.dma_semaphore, #tpu.memory_space<semaphore_mem>>) src(%arg6 : memref<128x256xf32, #tpu.memory_space<vmem>>) dst(%dma_wait3A_26 : memref<128x256xf32, #tpu.memory_space<hbm>>)
      tpu.yield
    }) : () -> ()
    return
  }
}

#map = affine_map<(d0, d1) -> (0)>
#map1 = affine_map<(d0, d1) -> (0, 0)>
#map2 = affine_map<(d0, d1) -> (0, 0, 0)>
module attributes {stable_mosaic.version = 14 : i64} {
  func.func @_sc_body(%arg0: i32, %arg1: i32, %arg2: memref<50000xi32, #tpu.memory_space<hbm>>, %arg3: memref<524288xi32, #tpu.memory_space<hbm>>, %arg4: memref<524288xi32, #tpu.memory_space<hbm>>, %arg5: memref<400000x32xf32, #tpu.memory_space<hbm>>, %arg6: memref<2x32768x32xf32, #tpu.memory_space<hbm>>, %arg7: memref<512xi32, #tpu.memory_space<vmem>>, %arg8: memref<512xi32, #tpu.memory_space<vmem>>, %arg9: memref<512xi32, #tpu.memory_space<vmem>>, %arg10: memref<128xi32, #tpu.memory_space<vmem>>, %arg11: memref<128xi32, #tpu.memory_space<vmem>>, %arg12: memref<128xi32, #tpu.memory_space<vmem>>, %arg13: memref<128xi32, #tpu.memory_space<vmem>>, %arg14: memref<128xi32, #tpu.memory_space<vmem>>, %arg15: memref<128xi32, #tpu.memory_space<vmem>>, %arg16: memref<128xi32, #tpu.memory_space<vmem>>, %arg17: memref<128xi32, #tpu.memory_space<vmem>>, %arg18: memref<128x32xf32, #tpu.memory_space<vmem>>, %arg19: memref<128x32xf32, #tpu.memory_space<vmem>>, %arg20: memref<128x32xf32, #tpu.memory_space<vmem>>, %arg21: memref<128x32xf32, #tpu.memory_space<vmem>>, %arg22: memref<50000xi32, #tpu.memory_space<vmem_shared>>, %arg23: memref<32768x32xf32, #tpu.memory_space<vmem_shared>>, %arg24: memref<!tpu.dma_semaphore, #tpu.memory_space<semaphore_mem>>) attributes {dimension_semantics = [#tpu.dimension_semantics<core_parallel>, #tpu.dimension_semantics<subcore_parallel>], iteration_bounds = array<i64: 2, 16>, scalar_prefetch = 0 : i64, scratch_operands = 18 : i64, tpu.core_type = #tpu.core_type<sc_vector_subcore>, window_params = [{transform_indices = #map}, {transform_indices = #map}, {transform_indices = #map}, {transform_indices = #map1}, {transform_indices = #map2}]} {
    %mul3A = arith.constant 2 : i32
    %mul3A_0 = arith.muli %arg1, %mul3A : i32
    %add3A = arith.addi %mul3A_0, %arg0 : i32
    %jit3A = arith.constant 8 : i32
    %div3A = arith.divsi %add3A, %jit3A : i32
    %sign3A = arith.constant 0 : i32
    %sign3A_1 = arith.cmpi sgt, %add3A, %sign3A : i32
    %sign3A_2 = arith.extui %sign3A_1 : i1 to i32
    %sign3A_3 = arith.constant 0 : i32
    %sign3A_4 = arith.cmpi slt, %add3A, %sign3A_3 : i32
    %sign3A_5 = arith.extui %sign3A_4 : i1 to i32
    %sign3A_6 = arith.subi %sign3A_2, %sign3A_5 : i32
    %sign3A_7 = arith.constant 0 : i32
    %sign3A_8 = arith.cmpi sgt, %jit3A, %sign3A_7 : i32
    %sign3A_9 = arith.extui %sign3A_8 : i1 to i32
    %sign3A_10 = arith.constant 0 : i32
    %sign3A_11 = arith.cmpi slt, %jit3A, %sign3A_10 : i32
    %sign3A_12 = arith.extui %sign3A_11 : i1 to i32
    %sign3A_13 = arith.subi %sign3A_9, %sign3A_12 : i32
    %ne3A = arith.cmpi ne, %sign3A_6, %sign3A_13 : i32
    %rem3A = arith.remsi %add3A, %jit3A : i32
    %ne3A_14 = arith.constant 0 : i32
    %ne3A_15 = arith.cmpi ne, %rem3A, %ne3A_14 : i32
    %and3A = arith.andi %ne3A, %ne3A_15 : i1
    %sub3A = arith.constant 1 : i32
    %sub3A_16 = arith.subi %div3A, %sub3A : i32
    %select_n3A = arith.select %and3A, %sub3A_16, %div3A : i32
    %mul3A_17 = arith.constant 16384 : i32
    %mul3A_18 = arith.muli %add3A, %mul3A_17 : i32
    %eq3A = arith.constant 0 : i32
    %eq3A_19 = arith.cmpi eq, %arg1, %eq3A : i32
    %convert_element_type3A = arith.extui %eq3A_19 : i1 to i32
    %cond3A = arith.constant 0 : i32
    %cond3A_20 = arith.cmpi ne, %convert_element_type3A, %cond3A : i32
    scf.if %cond3A_20 {
      "tpu.region"() ({
        %run_scoped3A = tpu.sem_alloc : memref<!tpu.dma_semaphore, #tpu.memory_space<semaphore_mem>>
        tpu.enqueue_dma source(%arg2 : memref<50000xi32, #tpu.memory_space<hbm>>) target(%arg22 : memref<50000xi32, #tpu.memory_space<vmem_shared>>) target_semaphore(%run_scoped3A : memref<!tpu.dma_semaphore, #tpu.memory_space<semaphore_mem>>)
        tpu.wait_dma2 semaphore(%run_scoped3A : memref<!tpu.dma_semaphore, #tpu.memory_space<semaphore_mem>>) src(%arg2 : memref<50000xi32, #tpu.memory_space<hbm>>) dst(%arg22 : memref<50000xi32, #tpu.memory_space<vmem_shared>>)
        tpu.yield
      }) : () -> ()
    } else {
    }
    %broadcast_in_dim3A = arith.constant 0.000000e+00 : f32
    %broadcast_in_dim3A_21 = vector.broadcast %broadcast_in_dim3A : f32 to vector<16xf32>
    %iota3A = tpu.iota {dimensions = array<i32: 0>} : vector<16xi32>
    %scan3A = arith.constant 0 : i32
    %scan3A_22 = arith.constant 0 : i32
    %scan3A_23 = arith.constant 256 : i32
    %scan3A_24 = arith.addi %scan3A_22, %scan3A_23 : i32
    %scan3A_25 = arith.constant 1 : i32
    scf.for %scan3A_102 = %scan3A_22 to %scan3A_24 step %scan3A_25  : i32 {
      %mul3A_103 = arith.constant 16 : i32
      %mul3A_104 = arith.muli %scan3A_102, %mul3A_103 : i32
      %add3A_105 = vector.broadcast %mul3A_104 : i32 to vector<16xi32>
      %add3A_106 = arith.addi %add3A_105, %iota3A : vector<16xi32>
      %jit3A_107 = arith.constant 32 : i32
      %div3A_108 = vector.broadcast %jit3A_107 : i32 to vector<16xi32>
      %div3A_109 = arith.divsi %add3A_106, %div3A_108 : vector<16xi32>
      %sign3A_110 = arith.constant 0 : i32
      %sign3A_111 = vector.broadcast %sign3A_110 : i32 to vector<16xi32>
      %sign3A_112 = arith.cmpi sgt, %add3A_106, %sign3A_111 : vector<16xi32>
      %sign3A_113 = arith.extui %sign3A_112 : vector<16xi1> to vector<16xi32>
      %sign3A_114 = arith.constant 0 : i32
      %sign3A_115 = vector.broadcast %sign3A_114 : i32 to vector<16xi32>
      %sign3A_116 = arith.cmpi slt, %add3A_106, %sign3A_115 : vector<16xi32>
      %sign3A_117 = arith.extui %sign3A_116 : vector<16xi1> to vector<16xi32>
      %sign3A_118 = arith.subi %sign3A_113, %sign3A_117 : vector<16xi32>
      %sign3A_119 = arith.constant 0 : i32
      %sign3A_120 = arith.cmpi sgt, %jit3A_107, %sign3A_119 : i32
      %sign3A_121 = arith.extui %sign3A_120 : i1 to i32
      %sign3A_122 = arith.constant 0 : i32
      %sign3A_123 = arith.cmpi slt, %jit3A_107, %sign3A_122 : i32
      %sign3A_124 = arith.extui %sign3A_123 : i1 to i32
      %sign3A_125 = arith.subi %sign3A_121, %sign3A_124 : i32
      %ne3A_126 = vector.broadcast %sign3A_125 : i32 to vector<16xi32>
      %ne3A_127 = arith.cmpi ne, %sign3A_118, %ne3A_126 : vector<16xi32>
      %rem3A_128 = vector.broadcast %jit3A_107 : i32 to vector<16xi32>
      %rem3A_129 = arith.remsi %add3A_106, %rem3A_128 : vector<16xi32>
      %ne3A_130 = arith.constant 0 : i32
      %ne3A_131 = vector.broadcast %ne3A_130 : i32 to vector<16xi32>
      %ne3A_132 = arith.cmpi ne, %rem3A_129, %ne3A_131 : vector<16xi32>
      %and3A_133 = arith.andi %ne3A_127, %ne3A_132 : vector<16xi1>
      %sub3A_134 = arith.constant 1 : i32
      %sub3A_135 = vector.broadcast %sub3A_134 : i32 to vector<16xi32>
      %sub3A_136 = arith.subi %div3A_109, %sub3A_135 : vector<16xi32>
      %select_n3A_137 = arith.select %and3A_133, %sub3A_136, %div3A_109 : vector<16xi1>, vector<16xi32>
      %jit3A_138 = arith.constant 32 : i32
      %eq3A_139 = arith.constant 0 : i32
      %eq3A_140 = arith.cmpi eq, %jit3A_138, %eq3A_139 : i32
      %jit3A_141 = arith.constant 1 : i32
      %select_n3A_142 = arith.select %eq3A_140, %jit3A_141, %jit3A_138 : i32
      %rem3A_143 = vector.broadcast %select_n3A_142 : i32 to vector<16xi32>
      %rem3A_144 = arith.remsi %add3A_106, %rem3A_143 : vector<16xi32>
      %ne3A_145 = arith.constant 0 : i32
      %ne3A_146 = vector.broadcast %ne3A_145 : i32 to vector<16xi32>
      %ne3A_147 = arith.cmpi ne, %rem3A_144, %ne3A_146 : vector<16xi32>
      %lt3A = arith.constant 0 : i32
      %lt3A_148 = vector.broadcast %lt3A : i32 to vector<16xi32>
      %lt3A_149 = arith.cmpi slt, %rem3A_144, %lt3A_148 : vector<16xi32>
      %lt3A_150 = arith.constant 0 : i32
      %lt3A_151 = arith.cmpi slt, %select_n3A_142, %lt3A_150 : i32
      %ne3A_152 = vector.broadcast %lt3A_151 : i1 to vector<16xi1>
      %ne3A_153 = vector.broadcast %ne3A_152 : vector<16xi1> to vector<16xi1>
      %ne3A_154 = arith.xori %lt3A_149, %ne3A_153 : vector<16xi1>
      %and3A_155 = arith.andi %ne3A_154, %ne3A_147 : vector<16xi1>
      %add3A_156 = vector.broadcast %select_n3A_142 : i32 to vector<16xi32>
      %add3A_157 = arith.addi %rem3A_144, %add3A_156 : vector<16xi32>
      %select_n3A_158 = arith.select %and3A_155, %add3A_157, %rem3A_144 : vector<16xi1>, vector<16xi32>
      tpu.vector_store_idx %arg18[%select_n3A_137, %select_n3A_158], %broadcast_in_dim3A_21 : memref<128x32xf32, #tpu.memory_space<vmem>>[vector<16xi32>, vector<16xi32>], vector<16xf32>,
    }
    %scan3A_26 = arith.constant 256 : i32
    %mul3A_27 = arith.constant 2048 : i32
    %mul3A_28 = arith.muli %arg1, %mul3A_27 : i32
    %add3A_29 = arith.constant 0 : i32
    %add3A_30 = arith.addi %mul3A_28, %add3A_29 : i32
    "tpu.region"() ({
      %run_scoped3A = tpu.sem_alloc : memref<!tpu.dma_semaphore, #tpu.memory_space<semaphore_mem>>
      %dma_start3A = arith.constant 0 : i32
      %dma_start3A_102 = tpu.memref_slice %arg23[%add3A_30, %dma_start3A] : memref<32768x32xf32, #tpu.memory_space<vmem_shared>> -> memref<128x32xf32, #tpu.memory_space<vmem_shared>>
      %dma_start3A_103 = arith.constant 0 : i32
      %dma_start3A_104 = tpu.memref_slice %arg23[%add3A_30, %dma_start3A_103] : memref<32768x32xf32, #tpu.memory_space<vmem_shared>> -> memref<128x32xf32, #tpu.memory_space<vmem_shared>>
      tpu.enqueue_dma source(%arg18 : memref<128x32xf32, #tpu.memory_space<vmem>>) target(%dma_start3A_104 : memref<128x32xf32, #tpu.memory_space<vmem_shared>>) target_semaphore(%run_scoped3A : memref<!tpu.dma_semaphore, #tpu.memory_space<semaphore_mem>>)
      %dma_wait3A = arith.constant 0 : i32
      %dma_wait3A_105 = tpu.memref_slice %arg23[%add3A_30, %dma_wait3A] : memref<32768x32xf32, #tpu.memory_space<vmem_shared>> -> memref<128x32xf32, #tpu.memory_space<vmem_shared>>
      %dma_wait3A_106 = arith.constant 0 : i32
      %dma_wait3A_107 = tpu.memref_slice %arg23[%add3A_30, %dma_wait3A_106] : memref<32768x32xf32, #tpu.memory_space<vmem_shared>> -> memref<128x32xf32, #tpu.memory_space<vmem_shared>>
      tpu.wait_dma2 semaphore(%run_scoped3A : memref<!tpu.dma_semaphore, #tpu.memory_space<semaphore_mem>>) src(%arg18 : memref<128x32xf32, #tpu.memory_space<vmem>>) dst(%dma_wait3A_107 : memref<128x32xf32, #tpu.memory_space<vmem_shared>>)
      tpu.yield
    }) : () -> ()
    %mul3A_31 = arith.constant 2048 : i32
    %mul3A_32 = arith.muli %arg1, %mul3A_31 : i32
    %add3A_33 = arith.constant 128 : i32
    %add3A_34 = arith.addi %mul3A_32, %add3A_33 : i32
    "tpu.region"() ({
      %run_scoped3A = tpu.sem_alloc : memref<!tpu.dma_semaphore, #tpu.memory_space<semaphore_mem>>
      %dma_start3A = arith.constant 0 : i32
      %dma_start3A_102 = tpu.memref_slice %arg23[%add3A_34, %dma_start3A] : memref<32768x32xf32, #tpu.memory_space<vmem_shared>> -> memref<128x32xf32, #tpu.memory_space<vmem_shared>>
      %dma_start3A_103 = arith.constant 0 : i32
      %dma_start3A_104 = tpu.memref_slice %arg23[%add3A_34, %dma_start3A_103] : memref<32768x32xf32, #tpu.memory_space<vmem_shared>> -> memref<128x32xf32, #tpu.memory_space<vmem_shared>>
      tpu.enqueue_dma source(%arg18 : memref<128x32xf32, #tpu.memory_space<vmem>>) target(%dma_start3A_104 : memref<128x32xf32, #tpu.memory_space<vmem_shared>>) target_semaphore(%run_scoped3A : memref<!tpu.dma_semaphore, #tpu.memory_space<semaphore_mem>>)
      %dma_wait3A = arith.constant 0 : i32
      %dma_wait3A_105 = tpu.memref_slice %arg23[%add3A_34, %dma_wait3A] : memref<32768x32xf32, #tpu.memory_space<vmem_shared>> -> memref<128x32xf32, #tpu.memory_space<vmem_shared>>
      %dma_wait3A_106 = arith.constant 0 : i32
      %dma_wait3A_107 = tpu.memref_slice %arg23[%add3A_34, %dma_wait3A_106] : memref<32768x32xf32, #tpu.memory_space<vmem_shared>> -> memref<128x32xf32, #tpu.memory_space<vmem_shared>>
      tpu.wait_dma2 semaphore(%run_scoped3A : memref<!tpu.dma_semaphore, #tpu.memory_space<semaphore_mem>>) src(%arg18 : memref<128x32xf32, #tpu.memory_space<vmem>>) dst(%dma_wait3A_107 : memref<128x32xf32, #tpu.memory_space<vmem_shared>>)
      tpu.yield
    }) : () -> ()
    %mul3A_35 = arith.constant 2048 : i32
    %mul3A_36 = arith.muli %arg1, %mul3A_35 : i32
    %add3A_37 = arith.constant 256 : i32
    %add3A_38 = arith.addi %mul3A_36, %add3A_37 : i32
    "tpu.region"() ({
      %run_scoped3A = tpu.sem_alloc : memref<!tpu.dma_semaphore, #tpu.memory_space<semaphore_mem>>
      %dma_start3A = arith.constant 0 : i32
      %dma_start3A_102 = tpu.memref_slice %arg23[%add3A_38, %dma_start3A] : memref<32768x32xf32, #tpu.memory_space<vmem_shared>> -> memref<128x32xf32, #tpu.memory_space<vmem_shared>>
      %dma_start3A_103 = arith.constant 0 : i32
      %dma_start3A_104 = tpu.memref_slice %arg23[%add3A_38, %dma_start3A_103] : memref<32768x32xf32, #tpu.memory_space<vmem_shared>> -> memref<128x32xf32, #tpu.memory_space<vmem_shared>>
      tpu.enqueue_dma source(%arg18 : memref<128x32xf32, #tpu.memory_space<vmem>>) target(%dma_start3A_104 : memref<128x32xf32, #tpu.memory_space<vmem_shared>>) target_semaphore(%run_scoped3A : memref<!tpu.dma_semaphore, #tpu.memory_space<semaphore_mem>>)
      %dma_wait3A = arith.constant 0 : i32
      %dma_wait3A_105 = tpu.memref_slice %arg23[%add3A_38, %dma_wait3A] : memref<32768x32xf32, #tpu.memory_space<vmem_shared>> -> memref<128x32xf32, #tpu.memory_space<vmem_shared>>
      %dma_wait3A_106 = arith.constant 0 : i32
      %dma_wait3A_107 = tpu.memref_slice %arg23[%add3A_38, %dma_wait3A_106] : memref<32768x32xf32, #tpu.memory_space<vmem_shared>> -> memref<128x32xf32, #tpu.memory_space<vmem_shared>>
      tpu.wait_dma2 semaphore(%run_scoped3A : memref<!tpu.dma_semaphore, #tpu.memory_space<semaphore_mem>>) src(%arg18 : memref<128x32xf32, #tpu.memory_space<vmem>>) dst(%dma_wait3A_107 : memref<128x32xf32, #tpu.memory_space<vmem_shared>>)
      tpu.yield
    }) : () -> ()
    %mul3A_39 = arith.constant 2048 : i32
    %mul3A_40 = arith.muli %arg1, %mul3A_39 : i32
    %add3A_41 = arith.constant 384 : i32
    %add3A_42 = arith.addi %mul3A_40, %add3A_41 : i32
    "tpu.region"() ({
      %run_scoped3A = tpu.sem_alloc : memref<!tpu.dma_semaphore, #tpu.memory_space<semaphore_mem>>
      %dma_start3A = arith.constant 0 : i32
      %dma_start3A_102 = tpu.memref_slice %arg23[%add3A_42, %dma_start3A] : memref<32768x32xf32, #tpu.memory_space<vmem_shared>> -> memref<128x32xf32, #tpu.memory_space<vmem_shared>>
      %dma_start3A_103 = arith.constant 0 : i32
      %dma_start3A_104 = tpu.memref_slice %arg23[%add3A_42, %dma_start3A_103] : memref<32768x32xf32, #tpu.memory_space<vmem_shared>> -> memref<128x32xf32, #tpu.memory_space<vmem_shared>>
      tpu.enqueue_dma source(%arg18 : memref<128x32xf32, #tpu.memory_space<vmem>>) target(%dma_start3A_104 : memref<128x32xf32, #tpu.memory_space<vmem_shared>>) target_semaphore(%run_scoped3A : memref<!tpu.dma_semaphore, #tpu.memory_space<semaphore_mem>>)
      %dma_wait3A = arith.constant 0 : i32
      %dma_wait3A_105 = tpu.memref_slice %arg23[%add3A_42, %dma_wait3A] : memref<32768x32xf32, #tpu.memory_space<vmem_shared>> -> memref<128x32xf32, #tpu.memory_space<vmem_shared>>
      %dma_wait3A_106 = arith.constant 0 : i32
      %dma_wait3A_107 = tpu.memref_slice %arg23[%add3A_42, %dma_wait3A_106] : memref<32768x32xf32, #tpu.memory_space<vmem_shared>> -> memref<128x32xf32, #tpu.memory_space<vmem_shared>>
      tpu.wait_dma2 semaphore(%run_scoped3A : memref<!tpu.dma_semaphore, #tpu.memory_space<semaphore_mem>>) src(%arg18 : memref<128x32xf32, #tpu.memory_space<vmem>>) dst(%dma_wait3A_107 : memref<128x32xf32, #tpu.memory_space<vmem_shared>>)
      tpu.yield
    }) : () -> ()
    %mul3A_43 = arith.constant 2048 : i32
    %mul3A_44 = arith.muli %arg1, %mul3A_43 : i32
    %add3A_45 = arith.constant 512 : i32
    %add3A_46 = arith.addi %mul3A_44, %add3A_45 : i32
    "tpu.region"() ({
      %run_scoped3A = tpu.sem_alloc : memref<!tpu.dma_semaphore, #tpu.memory_space<semaphore_mem>>
      %dma_start3A = arith.constant 0 : i32
      %dma_start3A_102 = tpu.memref_slice %arg23[%add3A_46, %dma_start3A] : memref<32768x32xf32, #tpu.memory_space<vmem_shared>> -> memref<128x32xf32, #tpu.memory_space<vmem_shared>>
      %dma_start3A_103 = arith.constant 0 : i32
      %dma_start3A_104 = tpu.memref_slice %arg23[%add3A_46, %dma_start3A_103] : memref<32768x32xf32, #tpu.memory_space<vmem_shared>> -> memref<128x32xf32, #tpu.memory_space<vmem_shared>>
      tpu.enqueue_dma source(%arg18 : memref<128x32xf32, #tpu.memory_space<vmem>>) target(%dma_start3A_104 : memref<128x32xf32, #tpu.memory_space<vmem_shared>>) target_semaphore(%run_scoped3A : memref<!tpu.dma_semaphore, #tpu.memory_space<semaphore_mem>>)
      %dma_wait3A = arith.constant 0 : i32
      %dma_wait3A_105 = tpu.memref_slice %arg23[%add3A_46, %dma_wait3A] : memref<32768x32xf32, #tpu.memory_space<vmem_shared>> -> memref<128x32xf32, #tpu.memory_space<vmem_shared>>
      %dma_wait3A_106 = arith.constant 0 : i32
      %dma_wait3A_107 = tpu.memref_slice %arg23[%add3A_46, %dma_wait3A_106] : memref<32768x32xf32, #tpu.memory_space<vmem_shared>> -> memref<128x32xf32, #tpu.memory_space<vmem_shared>>
      tpu.wait_dma2 semaphore(%run_scoped3A : memref<!tpu.dma_semaphore, #tpu.memory_space<semaphore_mem>>) src(%arg18 : memref<128x32xf32, #tpu.memory_space<vmem>>) dst(%dma_wait3A_107 : memref<128x32xf32, #tpu.memory_space<vmem_shared>>)
      tpu.yield
    }) : () -> ()
    %mul3A_47 = arith.constant 2048 : i32
    %mul3A_48 = arith.muli %arg1, %mul3A_47 : i32
    %add3A_49 = arith.constant 640 : i32
    %add3A_50 = arith.addi %mul3A_48, %add3A_49 : i32
    "tpu.region"() ({
      %run_scoped3A = tpu.sem_alloc : memref<!tpu.dma_semaphore, #tpu.memory_space<semaphore_mem>>
      %dma_start3A = arith.constant 0 : i32
      %dma_start3A_102 = tpu.memref_slice %arg23[%add3A_50, %dma_start3A] : memref<32768x32xf32, #tpu.memory_space<vmem_shared>> -> memref<128x32xf32, #tpu.memory_space<vmem_shared>>
      %dma_start3A_103 = arith.constant 0 : i32
      %dma_start3A_104 = tpu.memref_slice %arg23[%add3A_50, %dma_start3A_103] : memref<32768x32xf32, #tpu.memory_space<vmem_shared>> -> memref<128x32xf32, #tpu.memory_space<vmem_shared>>
      tpu.enqueue_dma source(%arg18 : memref<128x32xf32, #tpu.memory_space<vmem>>) target(%dma_start3A_104 : memref<128x32xf32, #tpu.memory_space<vmem_shared>>) target_semaphore(%run_scoped3A : memref<!tpu.dma_semaphore, #tpu.memory_space<semaphore_mem>>)
      %dma_wait3A = arith.constant 0 : i32
      %dma_wait3A_105 = tpu.memref_slice %arg23[%add3A_50, %dma_wait3A] : memref<32768x32xf32, #tpu.memory_space<vmem_shared>> -> memref<128x32xf32, #tpu.memory_space<vmem_shared>>
      %dma_wait3A_106 = arith.constant 0 : i32
      %dma_wait3A_107 = tpu.memref_slice %arg23[%add3A_50, %dma_wait3A_106] : memref<32768x32xf32, #tpu.memory_space<vmem_shared>> -> memref<128x32xf32, #tpu.memory_space<vmem_shared>>
      tpu.wait_dma2 semaphore(%run_scoped3A : memref<!tpu.dma_semaphore, #tpu.memory_space<semaphore_mem>>) src(%arg18 : memref<128x32xf32, #tpu.memory_space<vmem>>) dst(%dma_wait3A_107 : memref<128x32xf32, #tpu.memory_space<vmem_shared>>)
      tpu.yield
    }) : () -> ()
    %mul3A_51 = arith.constant 2048 : i32
    %mul3A_52 = arith.muli %arg1, %mul3A_51 : i32
    %add3A_53 = arith.constant 768 : i32
    %add3A_54 = arith.addi %mul3A_52, %add3A_53 : i32
    "tpu.region"() ({
      %run_scoped3A = tpu.sem_alloc : memref<!tpu.dma_semaphore, #tpu.memory_space<semaphore_mem>>
      %dma_start3A = arith.constant 0 : i32
      %dma_start3A_102 = tpu.memref_slice %arg23[%add3A_54, %dma_start3A] : memref<32768x32xf32, #tpu.memory_space<vmem_shared>> -> memref<128x32xf32, #tpu.memory_space<vmem_shared>>
      %dma_start3A_103 = arith.constant 0 : i32
      %dma_start3A_104 = tpu.memref_slice %arg23[%add3A_54, %dma_start3A_103] : memref<32768x32xf32, #tpu.memory_space<vmem_shared>> -> memref<128x32xf32, #tpu.memory_space<vmem_shared>>
      tpu.enqueue_dma source(%arg18 : memref<128x32xf32, #tpu.memory_space<vmem>>) target(%dma_start3A_104 : memref<128x32xf32, #tpu.memory_space<vmem_shared>>) target_semaphore(%run_scoped3A : memref<!tpu.dma_semaphore, #tpu.memory_space<semaphore_mem>>)
      %dma_wait3A = arith.constant 0 : i32
      %dma_wait3A_105 = tpu.memref_slice %arg23[%add3A_54, %dma_wait3A] : memref<32768x32xf32, #tpu.memory_space<vmem_shared>> -> memref<128x32xf32, #tpu.memory_space<vmem_shared>>
      %dma_wait3A_106 = arith.constant 0 : i32
      %dma_wait3A_107 = tpu.memref_slice %arg23[%add3A_54, %dma_wait3A_106] : memref<32768x32xf32, #tpu.memory_space<vmem_shared>> -> memref<128x32xf32, #tpu.memory_space<vmem_shared>>
      tpu.wait_dma2 semaphore(%run_scoped3A : memref<!tpu.dma_semaphore, #tpu.memory_space<semaphore_mem>>) src(%arg18 : memref<128x32xf32, #tpu.memory_space<vmem>>) dst(%dma_wait3A_107 : memref<128x32xf32, #tpu.memory_space<vmem_shared>>)
      tpu.yield
    }) : () -> ()
    %mul3A_55 = arith.constant 2048 : i32
    %mul3A_56 = arith.muli %arg1, %mul3A_55 : i32
    %add3A_57 = arith.constant 896 : i32
    %add3A_58 = arith.addi %mul3A_56, %add3A_57 : i32
    "tpu.region"() ({
      %run_scoped3A = tpu.sem_alloc : memref<!tpu.dma_semaphore, #tpu.memory_space<semaphore_mem>>
      %dma_start3A = arith.constant 0 : i32
      %dma_start3A_102 = tpu.memref_slice %arg23[%add3A_58, %dma_start3A] : memref<32768x32xf32, #tpu.memory_space<vmem_shared>> -> memref<128x32xf32, #tpu.memory_space<vmem_shared>>
      %dma_start3A_103 = arith.constant 0 : i32
      %dma_start3A_104 = tpu.memref_slice %arg23[%add3A_58, %dma_start3A_103] : memref<32768x32xf32, #tpu.memory_space<vmem_shared>> -> memref<128x32xf32, #tpu.memory_space<vmem_shared>>
      tpu.enqueue_dma source(%arg18 : memref<128x32xf32, #tpu.memory_space<vmem>>) target(%dma_start3A_104 : memref<128x32xf32, #tpu.memory_space<vmem_shared>>) target_semaphore(%run_scoped3A : memref<!tpu.dma_semaphore, #tpu.memory_space<semaphore_mem>>)
      %dma_wait3A = arith.constant 0 : i32
      %dma_wait3A_105 = tpu.memref_slice %arg23[%add3A_58, %dma_wait3A] : memref<32768x32xf32, #tpu.memory_space<vmem_shared>> -> memref<128x32xf32, #tpu.memory_space<vmem_shared>>
      %dma_wait3A_106 = arith.constant 0 : i32
      %dma_wait3A_107 = tpu.memref_slice %arg23[%add3A_58, %dma_wait3A_106] : memref<32768x32xf32, #tpu.memory_space<vmem_shared>> -> memref<128x32xf32, #tpu.memory_space<vmem_shared>>
      tpu.wait_dma2 semaphore(%run_scoped3A : memref<!tpu.dma_semaphore, #tpu.memory_space<semaphore_mem>>) src(%arg18 : memref<128x32xf32, #tpu.memory_space<vmem>>) dst(%dma_wait3A_107 : memref<128x32xf32, #tpu.memory_space<vmem_shared>>)
      tpu.yield
    }) : () -> ()
    %mul3A_59 = arith.constant 2048 : i32
    %mul3A_60 = arith.muli %arg1, %mul3A_59 : i32
    %add3A_61 = arith.constant 1024 : i32
    %add3A_62 = arith.addi %mul3A_60, %add3A_61 : i32
    "tpu.region"() ({
      %run_scoped3A = tpu.sem_alloc : memref<!tpu.dma_semaphore, #tpu.memory_space<semaphore_mem>>
      %dma_start3A = arith.constant 0 : i32
      %dma_start3A_102 = tpu.memref_slice %arg23[%add3A_62, %dma_start3A] : memref<32768x32xf32, #tpu.memory_space<vmem_shared>> -> memref<128x32xf32, #tpu.memory_space<vmem_shared>>
      %dma_start3A_103 = arith.constant 0 : i32
      %dma_start3A_104 = tpu.memref_slice %arg23[%add3A_62, %dma_start3A_103] : memref<32768x32xf32, #tpu.memory_space<vmem_shared>> -> memref<128x32xf32, #tpu.memory_space<vmem_shared>>
      tpu.enqueue_dma source(%arg18 : memref<128x32xf32, #tpu.memory_space<vmem>>) target(%dma_start3A_104 : memref<128x32xf32, #tpu.memory_space<vmem_shared>>) target_semaphore(%run_scoped3A : memref<!tpu.dma_semaphore, #tpu.memory_space<semaphore_mem>>)
      %dma_wait3A = arith.constant 0 : i32
      %dma_wait3A_105 = tpu.memref_slice %arg23[%add3A_62, %dma_wait3A] : memref<32768x32xf32, #tpu.memory_space<vmem_shared>> -> memref<128x32xf32, #tpu.memory_space<vmem_shared>>
      %dma_wait3A_106 = arith.constant 0 : i32
      %dma_wait3A_107 = tpu.memref_slice %arg23[%add3A_62, %dma_wait3A_106] : memref<32768x32xf32, #tpu.memory_space<vmem_shared>> -> memref<128x32xf32, #tpu.memory_space<vmem_shared>>
      tpu.wait_dma2 semaphore(%run_scoped3A : memref<!tpu.dma_semaphore, #tpu.memory_space<semaphore_mem>>) src(%arg18 : memref<128x32xf32, #tpu.memory_space<vmem>>) dst(%dma_wait3A_107 : memref<128x32xf32, #tpu.memory_space<vmem_shared>>)
      tpu.yield
    }) : () -> ()
    %mul3A_63 = arith.constant 2048 : i32
    %mul3A_64 = arith.muli %arg1, %mul3A_63 : i32
    %add3A_65 = arith.constant 1152 : i32
    %add3A_66 = arith.addi %mul3A_64, %add3A_65 : i32
    "tpu.region"() ({
      %run_scoped3A = tpu.sem_alloc : memref<!tpu.dma_semaphore, #tpu.memory_space<semaphore_mem>>
      %dma_start3A = arith.constant 0 : i32
      %dma_start3A_102 = tpu.memref_slice %arg23[%add3A_66, %dma_start3A] : memref<32768x32xf32, #tpu.memory_space<vmem_shared>> -> memref<128x32xf32, #tpu.memory_space<vmem_shared>>
      %dma_start3A_103 = arith.constant 0 : i32
      %dma_start3A_104 = tpu.memref_slice %arg23[%add3A_66, %dma_start3A_103] : memref<32768x32xf32, #tpu.memory_space<vmem_shared>> -> memref<128x32xf32, #tpu.memory_space<vmem_shared>>
      tpu.enqueue_dma source(%arg18 : memref<128x32xf32, #tpu.memory_space<vmem>>) target(%dma_start3A_104 : memref<128x32xf32, #tpu.memory_space<vmem_shared>>) target_semaphore(%run_scoped3A : memref<!tpu.dma_semaphore, #tpu.memory_space<semaphore_mem>>)
      %dma_wait3A = arith.constant 0 : i32
      %dma_wait3A_105 = tpu.memref_slice %arg23[%add3A_66, %dma_wait3A] : memref<32768x32xf32, #tpu.memory_space<vmem_shared>> -> memref<128x32xf32, #tpu.memory_space<vmem_shared>>
      %dma_wait3A_106 = arith.constant 0 : i32
      %dma_wait3A_107 = tpu.memref_slice %arg23[%add3A_66, %dma_wait3A_106] : memref<32768x32xf32, #tpu.memory_space<vmem_shared>> -> memref<128x32xf32, #tpu.memory_space<vmem_shared>>
      tpu.wait_dma2 semaphore(%run_scoped3A : memref<!tpu.dma_semaphore, #tpu.memory_space<semaphore_mem>>) src(%arg18 : memref<128x32xf32, #tpu.memory_space<vmem>>) dst(%dma_wait3A_107 : memref<128x32xf32, #tpu.memory_space<vmem_shared>>)
      tpu.yield
    }) : () -> ()
    %mul3A_67 = arith.constant 2048 : i32
    %mul3A_68 = arith.muli %arg1, %mul3A_67 : i32
    %add3A_69 = arith.constant 1280 : i32
    %add3A_70 = arith.addi %mul3A_68, %add3A_69 : i32
    "tpu.region"() ({
      %run_scoped3A = tpu.sem_alloc : memref<!tpu.dma_semaphore, #tpu.memory_space<semaphore_mem>>
      %dma_start3A = arith.constant 0 : i32
      %dma_start3A_102 = tpu.memref_slice %arg23[%add3A_70, %dma_start3A] : memref<32768x32xf32, #tpu.memory_space<vmem_shared>> -> memref<128x32xf32, #tpu.memory_space<vmem_shared>>
      %dma_start3A_103 = arith.constant 0 : i32
      %dma_start3A_104 = tpu.memref_slice %arg23[%add3A_70, %dma_start3A_103] : memref<32768x32xf32, #tpu.memory_space<vmem_shared>> -> memref<128x32xf32, #tpu.memory_space<vmem_shared>>
      tpu.enqueue_dma source(%arg18 : memref<128x32xf32, #tpu.memory_space<vmem>>) target(%dma_start3A_104 : memref<128x32xf32, #tpu.memory_space<vmem_shared>>) target_semaphore(%run_scoped3A : memref<!tpu.dma_semaphore, #tpu.memory_space<semaphore_mem>>)
      %dma_wait3A = arith.constant 0 : i32
      %dma_wait3A_105 = tpu.memref_slice %arg23[%add3A_70, %dma_wait3A] : memref<32768x32xf32, #tpu.memory_space<vmem_shared>> -> memref<128x32xf32, #tpu.memory_space<vmem_shared>>
      %dma_wait3A_106 = arith.constant 0 : i32
      %dma_wait3A_107 = tpu.memref_slice %arg23[%add3A_70, %dma_wait3A_106] : memref<32768x32xf32, #tpu.memory_space<vmem_shared>> -> memref<128x32xf32, #tpu.memory_space<vmem_shared>>
      tpu.wait_dma2 semaphore(%run_scoped3A : memref<!tpu.dma_semaphore, #tpu.memory_space<semaphore_mem>>) src(%arg18 : memref<128x32xf32, #tpu.memory_space<vmem>>) dst(%dma_wait3A_107 : memref<128x32xf32, #tpu.memory_space<vmem_shared>>)
      tpu.yield
    }) : () -> ()
    %mul3A_71 = arith.constant 2048 : i32
    %mul3A_72 = arith.muli %arg1, %mul3A_71 : i32
    %add3A_73 = arith.constant 1408 : i32
    %add3A_74 = arith.addi %mul3A_72, %add3A_73 : i32
    "tpu.region"() ({
      %run_scoped3A = tpu.sem_alloc : memref<!tpu.dma_semaphore, #tpu.memory_space<semaphore_mem>>
      %dma_start3A = arith.constant 0 : i32
      %dma_start3A_102 = tpu.memref_slice %arg23[%add3A_74, %dma_start3A] : memref<32768x32xf32, #tpu.memory_space<vmem_shared>> -> memref<128x32xf32, #tpu.memory_space<vmem_shared>>
      %dma_start3A_103 = arith.constant 0 : i32
      %dma_start3A_104 = tpu.memref_slice %arg23[%add3A_74, %dma_start3A_103] : memref<32768x32xf32, #tpu.memory_space<vmem_shared>> -> memref<128x32xf32, #tpu.memory_space<vmem_shared>>
      tpu.enqueue_dma source(%arg18 : memref<128x32xf32, #tpu.memory_space<vmem>>) target(%dma_start3A_104 : memref<128x32xf32, #tpu.memory_space<vmem_shared>>) target_semaphore(%run_scoped3A : memref<!tpu.dma_semaphore, #tpu.memory_space<semaphore_mem>>)
      %dma_wait3A = arith.constant 0 : i32
      %dma_wait3A_105 = tpu.memref_slice %arg23[%add3A_74, %dma_wait3A] : memref<32768x32xf32, #tpu.memory_space<vmem_shared>> -> memref<128x32xf32, #tpu.memory_space<vmem_shared>>
      %dma_wait3A_106 = arith.constant 0 : i32
      %dma_wait3A_107 = tpu.memref_slice %arg23[%add3A_74, %dma_wait3A_106] : memref<32768x32xf32, #tpu.memory_space<vmem_shared>> -> memref<128x32xf32, #tpu.memory_space<vmem_shared>>
      tpu.wait_dma2 semaphore(%run_scoped3A : memref<!tpu.dma_semaphore, #tpu.memory_space<semaphore_mem>>) src(%arg18 : memref<128x32xf32, #tpu.memory_space<vmem>>) dst(%dma_wait3A_107 : memref<128x32xf32, #tpu.memory_space<vmem_shared>>)
      tpu.yield
    }) : () -> ()
    %mul3A_75 = arith.constant 2048 : i32
    %mul3A_76 = arith.muli %arg1, %mul3A_75 : i32
    %add3A_77 = arith.constant 1536 : i32
    %add3A_78 = arith.addi %mul3A_76, %add3A_77 : i32
    "tpu.region"() ({
      %run_scoped3A = tpu.sem_alloc : memref<!tpu.dma_semaphore, #tpu.memory_space<semaphore_mem>>
      %dma_start3A = arith.constant 0 : i32
      %dma_start3A_102 = tpu.memref_slice %arg23[%add3A_78, %dma_start3A] : memref<32768x32xf32, #tpu.memory_space<vmem_shared>> -> memref<128x32xf32, #tpu.memory_space<vmem_shared>>
      %dma_start3A_103 = arith.constant 0 : i32
      %dma_start3A_104 = tpu.memref_slice %arg23[%add3A_78, %dma_start3A_103] : memref<32768x32xf32, #tpu.memory_space<vmem_shared>> -> memref<128x32xf32, #tpu.memory_space<vmem_shared>>
      tpu.enqueue_dma source(%arg18 : memref<128x32xf32, #tpu.memory_space<vmem>>) target(%dma_start3A_104 : memref<128x32xf32, #tpu.memory_space<vmem_shared>>) target_semaphore(%run_scoped3A : memref<!tpu.dma_semaphore, #tpu.memory_space<semaphore_mem>>)
      %dma_wait3A = arith.constant 0 : i32
      %dma_wait3A_105 = tpu.memref_slice %arg23[%add3A_78, %dma_wait3A] : memref<32768x32xf32, #tpu.memory_space<vmem_shared>> -> memref<128x32xf32, #tpu.memory_space<vmem_shared>>
      %dma_wait3A_106 = arith.constant 0 : i32
      %dma_wait3A_107 = tpu.memref_slice %arg23[%add3A_78, %dma_wait3A_106] : memref<32768x32xf32, #tpu.memory_space<vmem_shared>> -> memref<128x32xf32, #tpu.memory_space<vmem_shared>>
      tpu.wait_dma2 semaphore(%run_scoped3A : memref<!tpu.dma_semaphore, #tpu.memory_space<semaphore_mem>>) src(%arg18 : memref<128x32xf32, #tpu.memory_space<vmem>>) dst(%dma_wait3A_107 : memref<128x32xf32, #tpu.memory_space<vmem_shared>>)
      tpu.yield
    }) : () -> ()
    %mul3A_79 = arith.constant 2048 : i32
    %mul3A_80 = arith.muli %arg1, %mul3A_79 : i32
    %add3A_81 = arith.constant 1664 : i32
    %add3A_82 = arith.addi %mul3A_80, %add3A_81 : i32
    "tpu.region"() ({
      %run_scoped3A = tpu.sem_alloc : memref<!tpu.dma_semaphore, #tpu.memory_space<semaphore_mem>>
      %dma_start3A = arith.constant 0 : i32
      %dma_start3A_102 = tpu.memref_slice %arg23[%add3A_82, %dma_start3A] : memref<32768x32xf32, #tpu.memory_space<vmem_shared>> -> memref<128x32xf32, #tpu.memory_space<vmem_shared>>
      %dma_start3A_103 = arith.constant 0 : i32
      %dma_start3A_104 = tpu.memref_slice %arg23[%add3A_82, %dma_start3A_103] : memref<32768x32xf32, #tpu.memory_space<vmem_shared>> -> memref<128x32xf32, #tpu.memory_space<vmem_shared>>
      tpu.enqueue_dma source(%arg18 : memref<128x32xf32, #tpu.memory_space<vmem>>) target(%dma_start3A_104 : memref<128x32xf32, #tpu.memory_space<vmem_shared>>) target_semaphore(%run_scoped3A : memref<!tpu.dma_semaphore, #tpu.memory_space<semaphore_mem>>)
      %dma_wait3A = arith.constant 0 : i32
      %dma_wait3A_105 = tpu.memref_slice %arg23[%add3A_82, %dma_wait3A] : memref<32768x32xf32, #tpu.memory_space<vmem_shared>> -> memref<128x32xf32, #tpu.memory_space<vmem_shared>>
      %dma_wait3A_106 = arith.constant 0 : i32
      %dma_wait3A_107 = tpu.memref_slice %arg23[%add3A_82, %dma_wait3A_106] : memref<32768x32xf32, #tpu.memory_space<vmem_shared>> -> memref<128x32xf32, #tpu.memory_space<vmem_shared>>
      tpu.wait_dma2 semaphore(%run_scoped3A : memref<!tpu.dma_semaphore, #tpu.memory_space<semaphore_mem>>) src(%arg18 : memref<128x32xf32, #tpu.memory_space<vmem>>) dst(%dma_wait3A_107 : memref<128x32xf32, #tpu.memory_space<vmem_shared>>)
      tpu.yield
    }) : () -> ()
    %mul3A_83 = arith.constant 2048 : i32
    %mul3A_84 = arith.muli %arg1, %mul3A_83 : i32
    %add3A_85 = arith.constant 1792 : i32
    %add3A_86 = arith.addi %mul3A_84, %add3A_85 : i32
    "tpu.region"() ({
      %run_scoped3A = tpu.sem_alloc : memref<!tpu.dma_semaphore, #tpu.memory_space<semaphore_mem>>
      %dma_start3A = arith.constant 0 : i32
      %dma_start3A_102 = tpu.memref_slice %arg23[%add3A_86, %dma_start3A] : memref<32768x32xf32, #tpu.memory_space<vmem_shared>> -> memref<128x32xf32, #tpu.memory_space<vmem_shared>>
      %dma_start3A_103 = arith.constant 0 : i32
      %dma_start3A_104 = tpu.memref_slice %arg23[%add3A_86, %dma_start3A_103] : memref<32768x32xf32, #tpu.memory_space<vmem_shared>> -> memref<128x32xf32, #tpu.memory_space<vmem_shared>>
      tpu.enqueue_dma source(%arg18 : memref<128x32xf32, #tpu.memory_space<vmem>>) target(%dma_start3A_104 : memref<128x32xf32, #tpu.memory_space<vmem_shared>>) target_semaphore(%run_scoped3A : memref<!tpu.dma_semaphore, #tpu.memory_space<semaphore_mem>>)
      %dma_wait3A = arith.constant 0 : i32
      %dma_wait3A_105 = tpu.memref_slice %arg23[%add3A_86, %dma_wait3A] : memref<32768x32xf32, #tpu.memory_space<vmem_shared>> -> memref<128x32xf32, #tpu.memory_space<vmem_shared>>
      %dma_wait3A_106 = arith.constant 0 : i32
      %dma_wait3A_107 = tpu.memref_slice %arg23[%add3A_86, %dma_wait3A_106] : memref<32768x32xf32, #tpu.memory_space<vmem_shared>> -> memref<128x32xf32, #tpu.memory_space<vmem_shared>>
      tpu.wait_dma2 semaphore(%run_scoped3A : memref<!tpu.dma_semaphore, #tpu.memory_space<semaphore_mem>>) src(%arg18 : memref<128x32xf32, #tpu.memory_space<vmem>>) dst(%dma_wait3A_107 : memref<128x32xf32, #tpu.memory_space<vmem_shared>>)
      tpu.yield
    }) : () -> ()
    %mul3A_87 = arith.constant 2048 : i32
    %mul3A_88 = arith.muli %arg1, %mul3A_87 : i32
    %add3A_89 = arith.constant 1920 : i32
    %add3A_90 = arith.addi %mul3A_88, %add3A_89 : i32
    "tpu.region"() ({
      %run_scoped3A = tpu.sem_alloc : memref<!tpu.dma_semaphore, #tpu.memory_space<semaphore_mem>>
      %dma_start3A = arith.constant 0 : i32
      %dma_start3A_102 = tpu.memref_slice %arg23[%add3A_90, %dma_start3A] : memref<32768x32xf32, #tpu.memory_space<vmem_shared>> -> memref<128x32xf32, #tpu.memory_space<vmem_shared>>
      %dma_start3A_103 = arith.constant 0 : i32
      %dma_start3A_104 = tpu.memref_slice %arg23[%add3A_90, %dma_start3A_103] : memref<32768x32xf32, #tpu.memory_space<vmem_shared>> -> memref<128x32xf32, #tpu.memory_space<vmem_shared>>
      tpu.enqueue_dma source(%arg18 : memref<128x32xf32, #tpu.memory_space<vmem>>) target(%dma_start3A_104 : memref<128x32xf32, #tpu.memory_space<vmem_shared>>) target_semaphore(%run_scoped3A : memref<!tpu.dma_semaphore, #tpu.memory_space<semaphore_mem>>)
      %dma_wait3A = arith.constant 0 : i32
      %dma_wait3A_105 = tpu.memref_slice %arg23[%add3A_90, %dma_wait3A] : memref<32768x32xf32, #tpu.memory_space<vmem_shared>> -> memref<128x32xf32, #tpu.memory_space<vmem_shared>>
      %dma_wait3A_106 = arith.constant 0 : i32
      %dma_wait3A_107 = tpu.memref_slice %arg23[%add3A_90, %dma_wait3A_106] : memref<32768x32xf32, #tpu.memory_space<vmem_shared>> -> memref<128x32xf32, #tpu.memory_space<vmem_shared>>
      tpu.wait_dma2 semaphore(%run_scoped3A : memref<!tpu.dma_semaphore, #tpu.memory_space<semaphore_mem>>) src(%arg18 : memref<128x32xf32, #tpu.memory_space<vmem>>) dst(%dma_wait3A_107 : memref<128x32xf32, #tpu.memory_space<vmem_shared>>)
      tpu.yield
    }) : () -> ()
    %barrier3A = arith.constant 0 : index
    tpu.barrier barrier_id(%barrier3A)
    %scan3A_91 = arith.constant 0 : i32
    %scan3A_92 = arith.constant 0 : i32
    %scan3A_93 = arith.constant 32 : i32
    %scan3A_94 = arith.addi %scan3A_92, %scan3A_93 : i32
    %scan3A_95 = arith.constant 1 : i32
    scf.for %scan3A_102 = %scan3A_92 to %scan3A_94 step %scan3A_95  : i32 {
      %mul3A_103 = arith.constant 512 : i32
      %mul3A_104 = arith.muli %scan3A_102, %mul3A_103 : i32
      %add3A_105 = arith.addi %mul3A_18, %mul3A_104 : i32
      "tpu.region"() ({
        %run_scoped3A = tpu.sem_alloc : memref<!tpu.dma_semaphore, #tpu.memory_space<semaphore_mem>>
        %dma_start3A_702 = tpu.memref_slice %arg3[%add3A_105] : memref<524288xi32, #tpu.memory_space<hbm>> -> memref<512xi32, #tpu.memory_space<hbm>>
        %dma_start3A_703 = tpu.memref_slice %arg3[%add3A_105] : memref<524288xi32, #tpu.memory_space<hbm>> -> memref<512xi32, #tpu.memory_space<hbm>>
        tpu.enqueue_dma source(%dma_start3A_703 : memref<512xi32, #tpu.memory_space<hbm>>) target(%arg7 : memref<512xi32, #tpu.memory_space<vmem>>) target_semaphore(%run_scoped3A : memref<!tpu.dma_semaphore, #tpu.memory_space<semaphore_mem>>)
        %dma_wait3A_704 = tpu.memref_slice %arg3[%add3A_105] : memref<524288xi32, #tpu.memory_space<hbm>> -> memref<512xi32, #tpu.memory_space<hbm>>
        %dma_wait3A_705 = tpu.memref_slice %arg3[%add3A_105] : memref<524288xi32, #tpu.memory_space<hbm>> -> memref<512xi32, #tpu.memory_space<hbm>>
        tpu.wait_dma2 semaphore(%run_scoped3A : memref<!tpu.dma_semaphore, #tpu.memory_space<semaphore_mem>>) src(%dma_wait3A_705 : memref<512xi32, #tpu.memory_space<hbm>>) dst(%arg7 : memref<512xi32, #tpu.memory_space<vmem>>)
        tpu.yield
      }) : () -> ()
      "tpu.region"() ({
        %run_scoped3A = tpu.sem_alloc : memref<!tpu.dma_semaphore, #tpu.memory_space<semaphore_mem>>
        %dma_start3A_702 = tpu.memref_slice %arg4[%add3A_105] : memref<524288xi32, #tpu.memory_space<hbm>> -> memref<512xi32, #tpu.memory_space<hbm>>
        %dma_start3A_703 = tpu.memref_slice %arg4[%add3A_105] : memref<524288xi32, #tpu.memory_space<hbm>> -> memref<512xi32, #tpu.memory_space<hbm>>
        tpu.enqueue_dma source(%dma_start3A_703 : memref<512xi32, #tpu.memory_space<hbm>>) target(%arg8 : memref<512xi32, #tpu.memory_space<vmem>>) target_semaphore(%run_scoped3A : memref<!tpu.dma_semaphore, #tpu.memory_space<semaphore_mem>>)
        %dma_wait3A_704 = tpu.memref_slice %arg4[%add3A_105] : memref<524288xi32, #tpu.memory_space<hbm>> -> memref<512xi32, #tpu.memory_space<hbm>>
        %dma_wait3A_705 = tpu.memref_slice %arg4[%add3A_105] : memref<524288xi32, #tpu.memory_space<hbm>> -> memref<512xi32, #tpu.memory_space<hbm>>
        tpu.wait_dma2 semaphore(%run_scoped3A : memref<!tpu.dma_semaphore, #tpu.memory_space<semaphore_mem>>) src(%dma_wait3A_705 : memref<512xi32, #tpu.memory_space<hbm>>) dst(%arg8 : memref<512xi32, #tpu.memory_space<vmem>>)
        tpu.yield
      }) : () -> ()
      "tpu.region"() ({
        %run_scoped3A = tpu.sem_alloc : memref<!tpu.dma_semaphore, #tpu.memory_space<semaphore_mem>>
        %dma_start3A_702 = arith.constant 0 : i32
        %dma_start3A_703 = tpu.memref_slice %arg9[%dma_start3A_702] : memref<512xi32, #tpu.memory_space<vmem>> -> memref<128xi32, #tpu.memory_space<vmem>>
        %dma_start3A_704 = arith.constant 0 : i32
        %dma_start3A_705 = tpu.memref_slice %arg7[%dma_start3A_704] : memref<512xi32, #tpu.memory_space<vmem>> -> memref<128xi32, #tpu.memory_space<vmem>>
        %dma_start3A_706 = arith.constant 0 : i32
        %dma_start3A_707 = tpu.memref_slice %arg22[%dma_start3A_706] : memref<50000xi32, #tpu.memory_space<vmem_shared>> -> memref<50000xi32, #tpu.memory_space<vmem_shared>>
        tpu.enqueue_indirect_dma source(%dma_start3A_707 : memref<50000xi32, #tpu.memory_space<vmem_shared>>) target(%dma_start3A_703 : memref<128xi32, #tpu.memory_space<vmem>>) offsets(%dma_start3A_705 : memref<128xi32, #tpu.memory_space<vmem>>) semaphore(%run_scoped3A : memref<!tpu.dma_semaphore, #tpu.memory_space<semaphore_mem>>)
        %dma_wait3A_708 = arith.constant 0 : i32
        %dma_wait3A_709 = tpu.memref_slice %arg9[%dma_wait3A_708] : memref<512xi32, #tpu.memory_space<vmem>> -> memref<128xi32, #tpu.memory_space<vmem>>
        %dma_wait3A_710 = arith.constant 0 : i32
        %dma_wait3A_711 = tpu.memref_slice %arg7[%dma_wait3A_710] : memref<512xi32, #tpu.memory_space<vmem>> -> memref<128xi32, #tpu.memory_space<vmem>>
        %dma_wait3A_712 = arith.constant 0 : i32
        %dma_wait3A_713 = tpu.memref_slice %arg22[%dma_wait3A_712] : memref<50000xi32, #tpu.memory_space<vmem_shared>> -> memref<50000xi32, #tpu.memory_space<vmem_shared>>
        tpu.wait_indirect_dma semaphore(%run_scoped3A : memref<!tpu.dma_semaphore, #tpu.memory_space<semaphore_mem>>) src(%dma_wait3A_713 : memref<50000xi32, #tpu.memory_space<vmem_shared>>) dst(%dma_wait3A_709 : memref<128xi32, #tpu.memory_space<vmem>>)
        tpu.yield
      }) : () -> ()
      "tpu.region"() ({
        %run_scoped3A = tpu.sem_alloc : memref<!tpu.dma_semaphore, #tpu.memory_space<semaphore_mem>>
        %dma_start3A_702 = arith.constant 128 : i32
        %dma_start3A_703 = tpu.memref_slice %arg9[%dma_start3A_702] : memref<512xi32, #tpu.memory_space<vmem>> -> memref<128xi32, #tpu.memory_space<vmem>>
        %dma_start3A_704 = arith.constant 128 : i32
        %dma_start3A_705 = tpu.memref_slice %arg7[%dma_start3A_704] : memref<512xi32, #tpu.memory_space<vmem>> -> memref<128xi32, #tpu.memory_space<vmem>>
        %dma_start3A_706 = arith.constant 0 : i32
        %dma_start3A_707 = tpu.memref_slice %arg22[%dma_start3A_706] : memref<50000xi32, #tpu.memory_space<vmem_shared>> -> memref<50000xi32, #tpu.memory_space<vmem_shared>>
        tpu.enqueue_indirect_dma source(%dma_start3A_707 : memref<50000xi32, #tpu.memory_space<vmem_shared>>) target(%dma_start3A_703 : memref<128xi32, #tpu.memory_space<vmem>>) offsets(%dma_start3A_705 : memref<128xi32, #tpu.memory_space<vmem>>) semaphore(%run_scoped3A : memref<!tpu.dma_semaphore, #tpu.memory_space<semaphore_mem>>)
        %dma_wait3A_708 = arith.constant 128 : i32
        %dma_wait3A_709 = tpu.memref_slice %arg9[%dma_wait3A_708] : memref<512xi32, #tpu.memory_space<vmem>> -> memref<128xi32, #tpu.memory_space<vmem>>
        %dma_wait3A_710 = arith.constant 128 : i32
        %dma_wait3A_711 = tpu.memref_slice %arg7[%dma_wait3A_710] : memref<512xi32, #tpu.memory_space<vmem>> -> memref<128xi32, #tpu.memory_space<vmem>>
        %dma_wait3A_712 = arith.constant 0 : i32
        %dma_wait3A_713 = tpu.memref_slice %arg22[%dma_wait3A_712] : memref<50000xi32, #tpu.memory_space<vmem_shared>> -> memref<50000xi32, #tpu.memory_space<vmem_shared>>
        tpu.wait_indirect_dma semaphore(%run_scoped3A : memref<!tpu.dma_semaphore, #tpu.memory_space<semaphore_mem>>) src(%dma_wait3A_713 : memref<50000xi32, #tpu.memory_space<vmem_shared>>) dst(%dma_wait3A_709 : memref<128xi32, #tpu.memory_space<vmem>>)
        tpu.yield
      }) : () -> ()
      "tpu.region"() ({
        %run_scoped3A = tpu.sem_alloc : memref<!tpu.dma_semaphore, #tpu.memory_space<semaphore_mem>>
        %dma_start3A_702 = arith.constant 256 : i32
        %dma_start3A_703 = tpu.memref_slice %arg9[%dma_start3A_702] : memref<512xi32, #tpu.memory_space<vmem>> -> memref<128xi32, #tpu.memory_space<vmem>>
        %dma_start3A_704 = arith.constant 256 : i32
        %dma_start3A_705 = tpu.memref_slice %arg7[%dma_start3A_704] : memref<512xi32, #tpu.memory_space<vmem>> -> memref<128xi32, #tpu.memory_space<vmem>>
        %dma_start3A_706 = arith.constant 0 : i32
        %dma_start3A_707 = tpu.memref_slice %arg22[%dma_start3A_706] : memref<50000xi32, #tpu.memory_space<vmem_shared>> -> memref<50000xi32, #tpu.memory_space<vmem_shared>>
        tpu.enqueue_indirect_dma source(%dma_start3A_707 : memref<50000xi32, #tpu.memory_space<vmem_shared>>) target(%dma_start3A_703 : memref<128xi32, #tpu.memory_space<vmem>>) offsets(%dma_start3A_705 : memref<128xi32, #tpu.memory_space<vmem>>) semaphore(%run_scoped3A : memref<!tpu.dma_semaphore, #tpu.memory_space<semaphore_mem>>)
        %dma_wait3A_708 = arith.constant 256 : i32
        %dma_wait3A_709 = tpu.memref_slice %arg9[%dma_wait3A_708] : memref<512xi32, #tpu.memory_space<vmem>> -> memref<128xi32, #tpu.memory_space<vmem>>
        %dma_wait3A_710 = arith.constant 256 : i32
        %dma_wait3A_711 = tpu.memref_slice %arg7[%dma_wait3A_710] : memref<512xi32, #tpu.memory_space<vmem>> -> memref<128xi32, #tpu.memory_space<vmem>>
        %dma_wait3A_712 = arith.constant 0 : i32
        %dma_wait3A_713 = tpu.memref_slice %arg22[%dma_wait3A_712] : memref<50000xi32, #tpu.memory_space<vmem_shared>> -> memref<50000xi32, #tpu.memory_space<vmem_shared>>
        tpu.wait_indirect_dma semaphore(%run_scoped3A : memref<!tpu.dma_semaphore, #tpu.memory_space<semaphore_mem>>) src(%dma_wait3A_713 : memref<50000xi32, #tpu.memory_space<vmem_shared>>) dst(%dma_wait3A_709 : memref<128xi32, #tpu.memory_space<vmem>>)
        tpu.yield
      }) : () -> ()
      "tpu.region"() ({
        %run_scoped3A = tpu.sem_alloc : memref<!tpu.dma_semaphore, #tpu.memory_space<semaphore_mem>>
        %dma_start3A_702 = arith.constant 384 : i32
        %dma_start3A_703 = tpu.memref_slice %arg9[%dma_start3A_702] : memref<512xi32, #tpu.memory_space<vmem>> -> memref<128xi32, #tpu.memory_space<vmem>>
        %dma_start3A_704 = arith.constant 384 : i32
        %dma_start3A_705 = tpu.memref_slice %arg7[%dma_start3A_704] : memref<512xi32, #tpu.memory_space<vmem>> -> memref<128xi32, #tpu.memory_space<vmem>>
        %dma_start3A_706 = arith.constant 0 : i32
        %dma_start3A_707 = tpu.memref_slice %arg22[%dma_start3A_706] : memref<50000xi32, #tpu.memory_space<vmem_shared>> -> memref<50000xi32, #tpu.memory_space<vmem_shared>>
        tpu.enqueue_indirect_dma source(%dma_start3A_707 : memref<50000xi32, #tpu.memory_space<vmem_shared>>) target(%dma_start3A_703 : memref<128xi32, #tpu.memory_space<vmem>>) offsets(%dma_start3A_705 : memref<128xi32, #tpu.memory_space<vmem>>) semaphore(%run_scoped3A : memref<!tpu.dma_semaphore, #tpu.memory_space<semaphore_mem>>)
        %dma_wait3A_708 = arith.constant 384 : i32
        %dma_wait3A_709 = tpu.memref_slice %arg9[%dma_wait3A_708] : memref<512xi32, #tpu.memory_space<vmem>> -> memref<128xi32, #tpu.memory_space<vmem>>
        %dma_wait3A_710 = arith.constant 384 : i32
        %dma_wait3A_711 = tpu.memref_slice %arg7[%dma_wait3A_710] : memref<512xi32, #tpu.memory_space<vmem>> -> memref<128xi32, #tpu.memory_space<vmem>>
        %dma_wait3A_712 = arith.constant 0 : i32
        %dma_wait3A_713 = tpu.memref_slice %arg22[%dma_wait3A_712] : memref<50000xi32, #tpu.memory_space<vmem_shared>> -> memref<50000xi32, #tpu.memory_space<vmem_shared>>
        tpu.wait_indirect_dma semaphore(%run_scoped3A : memref<!tpu.dma_semaphore, #tpu.memory_space<semaphore_mem>>) src(%dma_wait3A_713 : memref<50000xi32, #tpu.memory_space<vmem_shared>>) dst(%dma_wait3A_709 : memref<128xi32, #tpu.memory_space<vmem>>)
        tpu.yield
      }) : () -> ()
      %get3A = arith.constant 0 : index
      %get3A_106 = tpu.vector_load %arg9[%get3A] {strides = array<i32>} : memref<512xi32, #tpu.memory_space<vmem>>, vector<16xi32>,
      %mul3A_107 = arith.constant 4 : i32
      %mul3A_108 = vector.broadcast %mul3A_107 : i32 to vector<16xi32>
      %mul3A_109 = arith.muli %get3A_106, %mul3A_108 : vector<16xi32>
      %add3A_110 = vector.broadcast %select_n3A : i32 to vector<16xi32>
      %add3A_111 = arith.addi %mul3A_109, %add3A_110 : vector<16xi32>
      %swap3A = arith.constant 0 : index
      %swap3A_112 = tpu.vector_load %arg10[%swap3A] {strides = array<i32>} : memref<128xi32, #tpu.memory_space<vmem>>, vector<16xi32>,
      tpu.vector_store %arg10[%swap3A], %add3A_111 {strides = array<i32>} : memref<128xi32, #tpu.memory_space<vmem>>, vector<16xi32>,
      %get3A_113 = arith.constant 0 : index
      %get3A_114 = tpu.vector_load %arg8[%get3A_113] {strides = array<i32>} : memref<512xi32, #tpu.memory_space<vmem>>, vector<16xi32>,
      %mul3A_115 = arith.constant 4 : i32
      %mul3A_116 = vector.broadcast %mul3A_115 : i32 to vector<16xi32>
      %mul3A_117 = arith.muli %get3A_114, %mul3A_116 : vector<16xi32>
      %add3A_118 = vector.broadcast %select_n3A : i32 to vector<16xi32>
      %add3A_119 = arith.addi %mul3A_117, %add3A_118 : vector<16xi32>
      %swap3A_120 = arith.constant 0 : index
      %swap3A_121 = tpu.vector_load %arg14[%swap3A_120] {strides = array<i32>} : memref<128xi32, #tpu.memory_space<vmem>>, vector<16xi32>,
      tpu.vector_store %arg14[%swap3A_120], %add3A_119 {strides = array<i32>} : memref<128xi32, #tpu.memory_space<vmem>>, vector<16xi32>,
      %get3A_122 = arith.constant 16 : index
      %get3A_123 = tpu.vector_load %arg9[%get3A_122] {strides = array<i32>} : memref<512xi32, #tpu.memory_space<vmem>>, vector<16xi32>,
      %mul3A_124 = arith.constant 4 : i32
      %mul3A_125 = vector.broadcast %mul3A_124 : i32 to vector<16xi32>
      %mul3A_126 = arith.muli %get3A_123, %mul3A_125 : vector<16xi32>
      %add3A_127 = vector.broadcast %select_n3A : i32 to vector<16xi32>
      %add3A_128 = arith.addi %mul3A_126, %add3A_127 : vector<16xi32>
      %swap3A_129 = arith.constant 16 : index
      %swap3A_130 = tpu.vector_load %arg10[%swap3A_129] {strides = array<i32>} : memref<128xi32, #tpu.memory_space<vmem>>, vector<16xi32>,
      tpu.vector_store %arg10[%swap3A_129], %add3A_128 {strides = array<i32>} : memref<128xi32, #tpu.memory_space<vmem>>, vector<16xi32>,
      %get3A_131 = arith.constant 16 : index
      %get3A_132 = tpu.vector_load %arg8[%get3A_131] {strides = array<i32>} : memref<512xi32, #tpu.memory_space<vmem>>, vector<16xi32>,
      %mul3A_133 = arith.constant 4 : i32
      %mul3A_134 = vector.broadcast %mul3A_133 : i32 to vector<16xi32>
      %mul3A_135 = arith.muli %get3A_132, %mul3A_134 : vector<16xi32>
      %add3A_136 = vector.broadcast %select_n3A : i32 to vector<16xi32>
      %add3A_137 = arith.addi %mul3A_135, %add3A_136 : vector<16xi32>
      %swap3A_138 = arith.constant 16 : index
      %swap3A_139 = tpu.vector_load %arg14[%swap3A_138] {strides = array<i32>} : memref<128xi32, #tpu.memory_space<vmem>>, vector<16xi32>,
      tpu.vector_store %arg14[%swap3A_138], %add3A_137 {strides = array<i32>} : memref<128xi32, #tpu.memory_space<vmem>>, vector<16xi32>,
      %get3A_140 = arith.constant 32 : index
      %get3A_141 = tpu.vector_load %arg9[%get3A_140] {strides = array<i32>} : memref<512xi32, #tpu.memory_space<vmem>>, vector<16xi32>,
      %mul3A_142 = arith.constant 4 : i32
      %mul3A_143 = vector.broadcast %mul3A_142 : i32 to vector<16xi32>
      %mul3A_144 = arith.muli %get3A_141, %mul3A_143 : vector<16xi32>
      %add3A_145 = vector.broadcast %select_n3A : i32 to vector<16xi32>
      %add3A_146 = arith.addi %mul3A_144, %add3A_145 : vector<16xi32>
      %swap3A_147 = arith.constant 32 : index
      %swap3A_148 = tpu.vector_load %arg10[%swap3A_147] {strides = array<i32>} : memref<128xi32, #tpu.memory_space<vmem>>, vector<16xi32>,
      tpu.vector_store %arg10[%swap3A_147], %add3A_146 {strides = array<i32>} : memref<128xi32, #tpu.memory_space<vmem>>, vector<16xi32>,
      %get3A_149 = arith.constant 32 : index
      %get3A_150 = tpu.vector_load %arg8[%get3A_149] {strides = array<i32>} : memref<512xi32, #tpu.memory_space<vmem>>, vector<16xi32>,
      %mul3A_151 = arith.constant 4 : i32
      %mul3A_152 = vector.broadcast %mul3A_151 : i32 to vector<16xi32>
      %mul3A_153 = arith.muli %get3A_150, %mul3A_152 : vector<16xi32>
      %add3A_154 = vector.broadcast %select_n3A : i32 to vector<16xi32>
      %add3A_155 = arith.addi %mul3A_153, %add3A_154 : vector<16xi32>
      %swap3A_156 = arith.constant 32 : index
      %swap3A_157 = tpu.vector_load %arg14[%swap3A_156] {strides = array<i32>} : memref<128xi32, #tpu.memory_space<vmem>>, vector<16xi32>,
      tpu.vector_store %arg14[%swap3A_156], %add3A_155 {strides = array<i32>} : memref<128xi32, #tpu.memory_space<vmem>>, vector<16xi32>,
      %get3A_158 = arith.constant 48 : index
      %get3A_159 = tpu.vector_load %arg9[%get3A_158] {strides = array<i32>} : memref<512xi32, #tpu.memory_space<vmem>>, vector<16xi32>,
      %mul3A_160 = arith.constant 4 : i32
      %mul3A_161 = vector.broadcast %mul3A_160 : i32 to vector<16xi32>
      %mul3A_162 = arith.muli %get3A_159, %mul3A_161 : vector<16xi32>
      %add3A_163 = vector.broadcast %select_n3A : i32 to vector<16xi32>
      %add3A_164 = arith.addi %mul3A_162, %add3A_163 : vector<16xi32>
      %swap3A_165 = arith.constant 48 : index
      %swap3A_166 = tpu.vector_load %arg10[%swap3A_165] {strides = array<i32>} : memref<128xi32, #tpu.memory_space<vmem>>, vector<16xi32>,
      tpu.vector_store %arg10[%swap3A_165], %add3A_164 {strides = array<i32>} : memref<128xi32, #tpu.memory_space<vmem>>, vector<16xi32>,
      %get3A_167 = arith.constant 48 : index
      %get3A_168 = tpu.vector_load %arg8[%get3A_167] {strides = array<i32>} : memref<512xi32, #tpu.memory_space<vmem>>, vector<16xi32>,
      %mul3A_169 = arith.constant 4 : i32
      %mul3A_170 = vector.broadcast %mul3A_169 : i32 to vector<16xi32>
      %mul3A_171 = arith.muli %get3A_168, %mul3A_170 : vector<16xi32>
      %add3A_172 = vector.broadcast %select_n3A : i32 to vector<16xi32>
      %add3A_173 = arith.addi %mul3A_171, %add3A_172 : vector<16xi32>
      %swap3A_174 = arith.constant 48 : index
      %swap3A_175 = tpu.vector_load %arg14[%swap3A_174] {strides = array<i32>} : memref<128xi32, #tpu.memory_space<vmem>>, vector<16xi32>,
      tpu.vector_store %arg14[%swap3A_174], %add3A_173 {strides = array<i32>} : memref<128xi32, #tpu.memory_space<vmem>>, vector<16xi32>,
      %get3A_176 = arith.constant 64 : index
      %get3A_177 = tpu.vector_load %arg9[%get3A_176] {strides = array<i32>} : memref<512xi32, #tpu.memory_space<vmem>>, vector<16xi32>,
      %mul3A_178 = arith.constant 4 : i32
      %mul3A_179 = vector.broadcast %mul3A_178 : i32 to vector<16xi32>
      %mul3A_180 = arith.muli %get3A_177, %mul3A_179 : vector<16xi32>
      %add3A_181 = vector.broadcast %select_n3A : i32 to vector<16xi32>
      %add3A_182 = arith.addi %mul3A_180, %add3A_181 : vector<16xi32>
      %swap3A_183 = arith.constant 64 : index
      %swap3A_184 = tpu.vector_load %arg10[%swap3A_183] {strides = array<i32>} : memref<128xi32, #tpu.memory_space<vmem>>, vector<16xi32>,
      tpu.vector_store %arg10[%swap3A_183], %add3A_182 {strides = array<i32>} : memref<128xi32, #tpu.memory_space<vmem>>, vector<16xi32>,
      %get3A_185 = arith.constant 64 : index
      %get3A_186 = tpu.vector_load %arg8[%get3A_185] {strides = array<i32>} : memref<512xi32, #tpu.memory_space<vmem>>, vector<16xi32>,
      %mul3A_187 = arith.constant 4 : i32
      %mul3A_188 = vector.broadcast %mul3A_187 : i32 to vector<16xi32>
      %mul3A_189 = arith.muli %get3A_186, %mul3A_188 : vector<16xi32>
      %add3A_190 = vector.broadcast %select_n3A : i32 to vector<16xi32>
      %add3A_191 = arith.addi %mul3A_189, %add3A_190 : vector<16xi32>
      %swap3A_192 = arith.constant 64 : index
      %swap3A_193 = tpu.vector_load %arg14[%swap3A_192] {strides = array<i32>} : memref<128xi32, #tpu.memory_space<vmem>>, vector<16xi32>,
      tpu.vector_store %arg14[%swap3A_192], %add3A_191 {strides = array<i32>} : memref<128xi32, #tpu.memory_space<vmem>>, vector<16xi32>,
      %get3A_194 = arith.constant 80 : index
      %get3A_195 = tpu.vector_load %arg9[%get3A_194] {strides = array<i32>} : memref<512xi32, #tpu.memory_space<vmem>>, vector<16xi32>,
      %mul3A_196 = arith.constant 4 : i32
      %mul3A_197 = vector.broadcast %mul3A_196 : i32 to vector<16xi32>
      %mul3A_198 = arith.muli %get3A_195, %mul3A_197 : vector<16xi32>
      %add3A_199 = vector.broadcast %select_n3A : i32 to vector<16xi32>
      %add3A_200 = arith.addi %mul3A_198, %add3A_199 : vector<16xi32>
      %swap3A_201 = arith.constant 80 : index
      %swap3A_202 = tpu.vector_load %arg10[%swap3A_201] {strides = array<i32>} : memref<128xi32, #tpu.memory_space<vmem>>, vector<16xi32>,
      tpu.vector_store %arg10[%swap3A_201], %add3A_200 {strides = array<i32>} : memref<128xi32, #tpu.memory_space<vmem>>, vector<16xi32>,
      %get3A_203 = arith.constant 80 : index
      %get3A_204 = tpu.vector_load %arg8[%get3A_203] {strides = array<i32>} : memref<512xi32, #tpu.memory_space<vmem>>, vector<16xi32>,
      %mul3A_205 = arith.constant 4 : i32
      %mul3A_206 = vector.broadcast %mul3A_205 : i32 to vector<16xi32>
      %mul3A_207 = arith.muli %get3A_204, %mul3A_206 : vector<16xi32>
      %add3A_208 = vector.broadcast %select_n3A : i32 to vector<16xi32>
      %add3A_209 = arith.addi %mul3A_207, %add3A_208 : vector<16xi32>
      %swap3A_210 = arith.constant 80 : index
      %swap3A_211 = tpu.vector_load %arg14[%swap3A_210] {strides = array<i32>} : memref<128xi32, #tpu.memory_space<vmem>>, vector<16xi32>,
      tpu.vector_store %arg14[%swap3A_210], %add3A_209 {strides = array<i32>} : memref<128xi32, #tpu.memory_space<vmem>>, vector<16xi32>,
      %get3A_212 = arith.constant 96 : index
      %get3A_213 = tpu.vector_load %arg9[%get3A_212] {strides = array<i32>} : memref<512xi32, #tpu.memory_space<vmem>>, vector<16xi32>,
      %mul3A_214 = arith.constant 4 : i32
      %mul3A_215 = vector.broadcast %mul3A_214 : i32 to vector<16xi32>
      %mul3A_216 = arith.muli %get3A_213, %mul3A_215 : vector<16xi32>
      %add3A_217 = vector.broadcast %select_n3A : i32 to vector<16xi32>
      %add3A_218 = arith.addi %mul3A_216, %add3A_217 : vector<16xi32>
      %swap3A_219 = arith.constant 96 : index
      %swap3A_220 = tpu.vector_load %arg10[%swap3A_219] {strides = array<i32>} : memref<128xi32, #tpu.memory_space<vmem>>, vector<16xi32>,
      tpu.vector_store %arg10[%swap3A_219], %add3A_218 {strides = array<i32>} : memref<128xi32, #tpu.memory_space<vmem>>, vector<16xi32>,
      %get3A_221 = arith.constant 96 : index
      %get3A_222 = tpu.vector_load %arg8[%get3A_221] {strides = array<i32>} : memref<512xi32, #tpu.memory_space<vmem>>, vector<16xi32>,
      %mul3A_223 = arith.constant 4 : i32
      %mul3A_224 = vector.broadcast %mul3A_223 : i32 to vector<16xi32>
      %mul3A_225 = arith.muli %get3A_222, %mul3A_224 : vector<16xi32>
      %add3A_226 = vector.broadcast %select_n3A : i32 to vector<16xi32>
      %add3A_227 = arith.addi %mul3A_225, %add3A_226 : vector<16xi32>
      %swap3A_228 = arith.constant 96 : index
      %swap3A_229 = tpu.vector_load %arg14[%swap3A_228] {strides = array<i32>} : memref<128xi32, #tpu.memory_space<vmem>>, vector<16xi32>,
      tpu.vector_store %arg14[%swap3A_228], %add3A_227 {strides = array<i32>} : memref<128xi32, #tpu.memory_space<vmem>>, vector<16xi32>,
      %get3A_230 = arith.constant 112 : index
      %get3A_231 = tpu.vector_load %arg9[%get3A_230] {strides = array<i32>} : memref<512xi32, #tpu.memory_space<vmem>>, vector<16xi32>,
      %mul3A_232 = arith.constant 4 : i32
      %mul3A_233 = vector.broadcast %mul3A_232 : i32 to vector<16xi32>
      %mul3A_234 = arith.muli %get3A_231, %mul3A_233 : vector<16xi32>
      %add3A_235 = vector.broadcast %select_n3A : i32 to vector<16xi32>
      %add3A_236 = arith.addi %mul3A_234, %add3A_235 : vector<16xi32>
      %swap3A_237 = arith.constant 112 : index
      %swap3A_238 = tpu.vector_load %arg10[%swap3A_237] {strides = array<i32>} : memref<128xi32, #tpu.memory_space<vmem>>, vector<16xi32>,
      tpu.vector_store %arg10[%swap3A_237], %add3A_236 {strides = array<i32>} : memref<128xi32, #tpu.memory_space<vmem>>, vector<16xi32>,
      %get3A_239 = arith.constant 112 : index
      %get3A_240 = tpu.vector_load %arg8[%get3A_239] {strides = array<i32>} : memref<512xi32, #tpu.memory_space<vmem>>, vector<16xi32>,
      %mul3A_241 = arith.constant 4 : i32
      %mul3A_242 = vector.broadcast %mul3A_241 : i32 to vector<16xi32>
      %mul3A_243 = arith.muli %get3A_240, %mul3A_242 : vector<16xi32>
      %add3A_244 = vector.broadcast %select_n3A : i32 to vector<16xi32>
      %add3A_245 = arith.addi %mul3A_243, %add3A_244 : vector<16xi32>
      %swap3A_246 = arith.constant 112 : index
      %swap3A_247 = tpu.vector_load %arg14[%swap3A_246] {strides = array<i32>} : memref<128xi32, #tpu.memory_space<vmem>>, vector<16xi32>,
      tpu.vector_store %arg14[%swap3A_246], %add3A_245 {strides = array<i32>} : memref<128xi32, #tpu.memory_space<vmem>>, vector<16xi32>,
      %get3A_248 = arith.constant 128 : index
      %get3A_249 = tpu.vector_load %arg9[%get3A_248] {strides = array<i32>} : memref<512xi32, #tpu.memory_space<vmem>>, vector<16xi32>,
      %mul3A_250 = arith.constant 4 : i32
      %mul3A_251 = vector.broadcast %mul3A_250 : i32 to vector<16xi32>
      %mul3A_252 = arith.muli %get3A_249, %mul3A_251 : vector<16xi32>
      %add3A_253 = vector.broadcast %select_n3A : i32 to vector<16xi32>
      %add3A_254 = arith.addi %mul3A_252, %add3A_253 : vector<16xi32>
      %swap3A_255 = arith.constant 0 : index
      %swap3A_256 = tpu.vector_load %arg11[%swap3A_255] {strides = array<i32>} : memref<128xi32, #tpu.memory_space<vmem>>, vector<16xi32>,
      tpu.vector_store %arg11[%swap3A_255], %add3A_254 {strides = array<i32>} : memref<128xi32, #tpu.memory_space<vmem>>, vector<16xi32>,
      %get3A_257 = arith.constant 128 : index
      %get3A_258 = tpu.vector_load %arg8[%get3A_257] {strides = array<i32>} : memref<512xi32, #tpu.memory_space<vmem>>, vector<16xi32>,
      %mul3A_259 = arith.constant 4 : i32
      %mul3A_260 = vector.broadcast %mul3A_259 : i32 to vector<16xi32>
      %mul3A_261 = arith.muli %get3A_258, %mul3A_260 : vector<16xi32>
      %add3A_262 = vector.broadcast %select_n3A : i32 to vector<16xi32>
      %add3A_263 = arith.addi %mul3A_261, %add3A_262 : vector<16xi32>
      %swap3A_264 = arith.constant 0 : index
      %swap3A_265 = tpu.vector_load %arg15[%swap3A_264] {strides = array<i32>} : memref<128xi32, #tpu.memory_space<vmem>>, vector<16xi32>,
      tpu.vector_store %arg15[%swap3A_264], %add3A_263 {strides = array<i32>} : memref<128xi32, #tpu.memory_space<vmem>>, vector<16xi32>,
      %get3A_266 = arith.constant 144 : index
      %get3A_267 = tpu.vector_load %arg9[%get3A_266] {strides = array<i32>} : memref<512xi32, #tpu.memory_space<vmem>>, vector<16xi32>,
      %mul3A_268 = arith.constant 4 : i32
      %mul3A_269 = vector.broadcast %mul3A_268 : i32 to vector<16xi32>
      %mul3A_270 = arith.muli %get3A_267, %mul3A_269 : vector<16xi32>
      %add3A_271 = vector.broadcast %select_n3A : i32 to vector<16xi32>
      %add3A_272 = arith.addi %mul3A_270, %add3A_271 : vector<16xi32>
      %swap3A_273 = arith.constant 16 : index
      %swap3A_274 = tpu.vector_load %arg11[%swap3A_273] {strides = array<i32>} : memref<128xi32, #tpu.memory_space<vmem>>, vector<16xi32>,
      tpu.vector_store %arg11[%swap3A_273], %add3A_272 {strides = array<i32>} : memref<128xi32, #tpu.memory_space<vmem>>, vector<16xi32>,
      %get3A_275 = arith.constant 144 : index
      %get3A_276 = tpu.vector_load %arg8[%get3A_275] {strides = array<i32>} : memref<512xi32, #tpu.memory_space<vmem>>, vector<16xi32>,
      %mul3A_277 = arith.constant 4 : i32
      %mul3A_278 = vector.broadcast %mul3A_277 : i32 to vector<16xi32>
      %mul3A_279 = arith.muli %get3A_276, %mul3A_278 : vector<16xi32>
      %add3A_280 = vector.broadcast %select_n3A : i32 to vector<16xi32>
      %add3A_281 = arith.addi %mul3A_279, %add3A_280 : vector<16xi32>
      %swap3A_282 = arith.constant 16 : index
      %swap3A_283 = tpu.vector_load %arg15[%swap3A_282] {strides = array<i32>} : memref<128xi32, #tpu.memory_space<vmem>>, vector<16xi32>,
      tpu.vector_store %arg15[%swap3A_282], %add3A_281 {strides = array<i32>} : memref<128xi32, #tpu.memory_space<vmem>>, vector<16xi32>,
      %get3A_284 = arith.constant 160 : index
      %get3A_285 = tpu.vector_load %arg9[%get3A_284] {strides = array<i32>} : memref<512xi32, #tpu.memory_space<vmem>>, vector<16xi32>,
      %mul3A_286 = arith.constant 4 : i32
      %mul3A_287 = vector.broadcast %mul3A_286 : i32 to vector<16xi32>
      %mul3A_288 = arith.muli %get3A_285, %mul3A_287 : vector<16xi32>
      %add3A_289 = vector.broadcast %select_n3A : i32 to vector<16xi32>
      %add3A_290 = arith.addi %mul3A_288, %add3A_289 : vector<16xi32>
      %swap3A_291 = arith.constant 32 : index
      %swap3A_292 = tpu.vector_load %arg11[%swap3A_291] {strides = array<i32>} : memref<128xi32, #tpu.memory_space<vmem>>, vector<16xi32>,
      tpu.vector_store %arg11[%swap3A_291], %add3A_290 {strides = array<i32>} : memref<128xi32, #tpu.memory_space<vmem>>, vector<16xi32>,
      %get3A_293 = arith.constant 160 : index
      %get3A_294 = tpu.vector_load %arg8[%get3A_293] {strides = array<i32>} : memref<512xi32, #tpu.memory_space<vmem>>, vector<16xi32>,
      %mul3A_295 = arith.constant 4 : i32
      %mul3A_296 = vector.broadcast %mul3A_295 : i32 to vector<16xi32>
      %mul3A_297 = arith.muli %get3A_294, %mul3A_296 : vector<16xi32>
      %add3A_298 = vector.broadcast %select_n3A : i32 to vector<16xi32>
      %add3A_299 = arith.addi %mul3A_297, %add3A_298 : vector<16xi32>
      %swap3A_300 = arith.constant 32 : index
      %swap3A_301 = tpu.vector_load %arg15[%swap3A_300] {strides = array<i32>} : memref<128xi32, #tpu.memory_space<vmem>>, vector<16xi32>,
      tpu.vector_store %arg15[%swap3A_300], %add3A_299 {strides = array<i32>} : memref<128xi32, #tpu.memory_space<vmem>>, vector<16xi32>,
      %get3A_302 = arith.constant 176 : index
      %get3A_303 = tpu.vector_load %arg9[%get3A_302] {strides = array<i32>} : memref<512xi32, #tpu.memory_space<vmem>>, vector<16xi32>,
      %mul3A_304 = arith.constant 4 : i32
      %mul3A_305 = vector.broadcast %mul3A_304 : i32 to vector<16xi32>
      %mul3A_306 = arith.muli %get3A_303, %mul3A_305 : vector<16xi32>
      %add3A_307 = vector.broadcast %select_n3A : i32 to vector<16xi32>
      %add3A_308 = arith.addi %mul3A_306, %add3A_307 : vector<16xi32>
      %swap3A_309 = arith.constant 48 : index
      %swap3A_310 = tpu.vector_load %arg11[%swap3A_309] {strides = array<i32>} : memref<128xi32, #tpu.memory_space<vmem>>, vector<16xi32>,
      tpu.vector_store %arg11[%swap3A_309], %add3A_308 {strides = array<i32>} : memref<128xi32, #tpu.memory_space<vmem>>, vector<16xi32>,
      %get3A_311 = arith.constant 176 : index
      %get3A_312 = tpu.vector_load %arg8[%get3A_311] {strides = array<i32>} : memref<512xi32, #tpu.memory_space<vmem>>, vector<16xi32>,
      %mul3A_313 = arith.constant 4 : i32
      %mul3A_314 = vector.broadcast %mul3A_313 : i32 to vector<16xi32>
      %mul3A_315 = arith.muli %get3A_312, %mul3A_314 : vector<16xi32>
      %add3A_316 = vector.broadcast %select_n3A : i32 to vector<16xi32>
      %add3A_317 = arith.addi %mul3A_315, %add3A_316 : vector<16xi32>
      %swap3A_318 = arith.constant 48 : index
      %swap3A_319 = tpu.vector_load %arg15[%swap3A_318] {strides = array<i32>} : memref<128xi32, #tpu.memory_space<vmem>>, vector<16xi32>,
      tpu.vector_store %arg15[%swap3A_318], %add3A_317 {strides = array<i32>} : memref<128xi32, #tpu.memory_space<vmem>>, vector<16xi32>,
      %get3A_320 = arith.constant 192 : index
      %get3A_321 = tpu.vector_load %arg9[%get3A_320] {strides = array<i32>} : memref<512xi32, #tpu.memory_space<vmem>>, vector<16xi32>,
      %mul3A_322 = arith.constant 4 : i32
      %mul3A_323 = vector.broadcast %mul3A_322 : i32 to vector<16xi32>
      %mul3A_324 = arith.muli %get3A_321, %mul3A_323 : vector<16xi32>
      %add3A_325 = vector.broadcast %select_n3A : i32 to vector<16xi32>
      %add3A_326 = arith.addi %mul3A_324, %add3A_325 : vector<16xi32>
      %swap3A_327 = arith.constant 64 : index
      %swap3A_328 = tpu.vector_load %arg11[%swap3A_327] {strides = array<i32>} : memref<128xi32, #tpu.memory_space<vmem>>, vector<16xi32>,
      tpu.vector_store %arg11[%swap3A_327], %add3A_326 {strides = array<i32>} : memref<128xi32, #tpu.memory_space<vmem>>, vector<16xi32>,
      %get3A_329 = arith.constant 192 : index
      %get3A_330 = tpu.vector_load %arg8[%get3A_329] {strides = array<i32>} : memref<512xi32, #tpu.memory_space<vmem>>, vector<16xi32>,
      %mul3A_331 = arith.constant 4 : i32
      %mul3A_332 = vector.broadcast %mul3A_331 : i32 to vector<16xi32>
      %mul3A_333 = arith.muli %get3A_330, %mul3A_332 : vector<16xi32>
      %add3A_334 = vector.broadcast %select_n3A : i32 to vector<16xi32>
      %add3A_335 = arith.addi %mul3A_333, %add3A_334 : vector<16xi32>
      %swap3A_336 = arith.constant 64 : index
      %swap3A_337 = tpu.vector_load %arg15[%swap3A_336] {strides = array<i32>} : memref<128xi32, #tpu.memory_space<vmem>>, vector<16xi32>,
      tpu.vector_store %arg15[%swap3A_336], %add3A_335 {strides = array<i32>} : memref<128xi32, #tpu.memory_space<vmem>>, vector<16xi32>,
      %get3A_338 = arith.constant 208 : index
      %get3A_339 = tpu.vector_load %arg9[%get3A_338] {strides = array<i32>} : memref<512xi32, #tpu.memory_space<vmem>>, vector<16xi32>,
      %mul3A_340 = arith.constant 4 : i32
      %mul3A_341 = vector.broadcast %mul3A_340 : i32 to vector<16xi32>
      %mul3A_342 = arith.muli %get3A_339, %mul3A_341 : vector<16xi32>
      %add3A_343 = vector.broadcast %select_n3A : i32 to vector<16xi32>
      %add3A_344 = arith.addi %mul3A_342, %add3A_343 : vector<16xi32>
      %swap3A_345 = arith.constant 80 : index
      %swap3A_346 = tpu.vector_load %arg11[%swap3A_345] {strides = array<i32>} : memref<128xi32, #tpu.memory_space<vmem>>, vector<16xi32>,
      tpu.vector_store %arg11[%swap3A_345], %add3A_344 {strides = array<i32>} : memref<128xi32, #tpu.memory_space<vmem>>, vector<16xi32>,
      %get3A_347 = arith.constant 208 : index
      %get3A_348 = tpu.vector_load %arg8[%get3A_347] {strides = array<i32>} : memref<512xi32, #tpu.memory_space<vmem>>, vector<16xi32>,
      %mul3A_349 = arith.constant 4 : i32
      %mul3A_350 = vector.broadcast %mul3A_349 : i32 to vector<16xi32>
      %mul3A_351 = arith.muli %get3A_348, %mul3A_350 : vector<16xi32>
      %add3A_352 = vector.broadcast %select_n3A : i32 to vector<16xi32>
      %add3A_353 = arith.addi %mul3A_351, %add3A_352 : vector<16xi32>
      %swap3A_354 = arith.constant 80 : index
      %swap3A_355 = tpu.vector_load %arg15[%swap3A_354] {strides = array<i32>} : memref<128xi32, #tpu.memory_space<vmem>>, vector<16xi32>,
      tpu.vector_store %arg15[%swap3A_354], %add3A_353 {strides = array<i32>} : memref<128xi32, #tpu.memory_space<vmem>>, vector<16xi32>,
      %get3A_356 = arith.constant 224 : index
      %get3A_357 = tpu.vector_load %arg9[%get3A_356] {strides = array<i32>} : memref<512xi32, #tpu.memory_space<vmem>>, vector<16xi32>,
      %mul3A_358 = arith.constant 4 : i32
      %mul3A_359 = vector.broadcast %mul3A_358 : i32 to vector<16xi32>
      %mul3A_360 = arith.muli %get3A_357, %mul3A_359 : vector<16xi32>
      %add3A_361 = vector.broadcast %select_n3A : i32 to vector<16xi32>
      %add3A_362 = arith.addi %mul3A_360, %add3A_361 : vector<16xi32>
      %swap3A_363 = arith.constant 96 : index
      %swap3A_364 = tpu.vector_load %arg11[%swap3A_363] {strides = array<i32>} : memref<128xi32, #tpu.memory_space<vmem>>, vector<16xi32>,
      tpu.vector_store %arg11[%swap3A_363], %add3A_362 {strides = array<i32>} : memref<128xi32, #tpu.memory_space<vmem>>, vector<16xi32>,
      %get3A_365 = arith.constant 224 : index
      %get3A_366 = tpu.vector_load %arg8[%get3A_365] {strides = array<i32>} : memref<512xi32, #tpu.memory_space<vmem>>, vector<16xi32>,
      %mul3A_367 = arith.constant 4 : i32
      %mul3A_368 = vector.broadcast %mul3A_367 : i32 to vector<16xi32>
      %mul3A_369 = arith.muli %get3A_366, %mul3A_368 : vector<16xi32>
      %add3A_370 = vector.broadcast %select_n3A : i32 to vector<16xi32>
      %add3A_371 = arith.addi %mul3A_369, %add3A_370 : vector<16xi32>
      %swap3A_372 = arith.constant 96 : index
      %swap3A_373 = tpu.vector_load %arg15[%swap3A_372] {strides = array<i32>} : memref<128xi32, #tpu.memory_space<vmem>>, vector<16xi32>,
      tpu.vector_store %arg15[%swap3A_372], %add3A_371 {strides = array<i32>} : memref<128xi32, #tpu.memory_space<vmem>>, vector<16xi32>,
      %get3A_374 = arith.constant 240 : index
      %get3A_375 = tpu.vector_load %arg9[%get3A_374] {strides = array<i32>} : memref<512xi32, #tpu.memory_space<vmem>>, vector<16xi32>,
      %mul3A_376 = arith.constant 4 : i32
      %mul3A_377 = vector.broadcast %mul3A_376 : i32 to vector<16xi32>
      %mul3A_378 = arith.muli %get3A_375, %mul3A_377 : vector<16xi32>
      %add3A_379 = vector.broadcast %select_n3A : i32 to vector<16xi32>
      %add3A_380 = arith.addi %mul3A_378, %add3A_379 : vector<16xi32>
      %swap3A_381 = arith.constant 112 : index
      %swap3A_382 = tpu.vector_load %arg11[%swap3A_381] {strides = array<i32>} : memref<128xi32, #tpu.memory_space<vmem>>, vector<16xi32>,
      tpu.vector_store %arg11[%swap3A_381], %add3A_380 {strides = array<i32>} : memref<128xi32, #tpu.memory_space<vmem>>, vector<16xi32>,
      %get3A_383 = arith.constant 240 : index
      %get3A_384 = tpu.vector_load %arg8[%get3A_383] {strides = array<i32>} : memref<512xi32, #tpu.memory_space<vmem>>, vector<16xi32>,
      %mul3A_385 = arith.constant 4 : i32
      %mul3A_386 = vector.broadcast %mul3A_385 : i32 to vector<16xi32>
      %mul3A_387 = arith.muli %get3A_384, %mul3A_386 : vector<16xi32>
      %add3A_388 = vector.broadcast %select_n3A : i32 to vector<16xi32>
      %add3A_389 = arith.addi %mul3A_387, %add3A_388 : vector<16xi32>
      %swap3A_390 = arith.constant 112 : index
      %swap3A_391 = tpu.vector_load %arg15[%swap3A_390] {strides = array<i32>} : memref<128xi32, #tpu.memory_space<vmem>>, vector<16xi32>,
      tpu.vector_store %arg15[%swap3A_390], %add3A_389 {strides = array<i32>} : memref<128xi32, #tpu.memory_space<vmem>>, vector<16xi32>,
      %get3A_392 = arith.constant 256 : index
      %get3A_393 = tpu.vector_load %arg9[%get3A_392] {strides = array<i32>} : memref<512xi32, #tpu.memory_space<vmem>>, vector<16xi32>,
      %mul3A_394 = arith.constant 4 : i32
      %mul3A_395 = vector.broadcast %mul3A_394 : i32 to vector<16xi32>
      %mul3A_396 = arith.muli %get3A_393, %mul3A_395 : vector<16xi32>
      %add3A_397 = vector.broadcast %select_n3A : i32 to vector<16xi32>
      %add3A_398 = arith.addi %mul3A_396, %add3A_397 : vector<16xi32>
      %swap3A_399 = arith.constant 0 : index
      %swap3A_400 = tpu.vector_load %arg12[%swap3A_399] {strides = array<i32>} : memref<128xi32, #tpu.memory_space<vmem>>, vector<16xi32>,
      tpu.vector_store %arg12[%swap3A_399], %add3A_398 {strides = array<i32>} : memref<128xi32, #tpu.memory_space<vmem>>, vector<16xi32>,
      %get3A_401 = arith.constant 256 : index
      %get3A_402 = tpu.vector_load %arg8[%get3A_401] {strides = array<i32>} : memref<512xi32, #tpu.memory_space<vmem>>, vector<16xi32>,
      %mul3A_403 = arith.constant 4 : i32
      %mul3A_404 = vector.broadcast %mul3A_403 : i32 to vector<16xi32>
      %mul3A_405 = arith.muli %get3A_402, %mul3A_404 : vector<16xi32>
      %add3A_406 = vector.broadcast %select_n3A : i32 to vector<16xi32>
      %add3A_407 = arith.addi %mul3A_405, %add3A_406 : vector<16xi32>
      %swap3A_408 = arith.constant 0 : index
      %swap3A_409 = tpu.vector_load %arg16[%swap3A_408] {strides = array<i32>} : memref<128xi32, #tpu.memory_space<vmem>>, vector<16xi32>,
      tpu.vector_store %arg16[%swap3A_408], %add3A_407 {strides = array<i32>} : memref<128xi32, #tpu.memory_space<vmem>>, vector<16xi32>,
      %get3A_410 = arith.constant 272 : index
      %get3A_411 = tpu.vector_load %arg9[%get3A_410] {strides = array<i32>} : memref<512xi32, #tpu.memory_space<vmem>>, vector<16xi32>,
      %mul3A_412 = arith.constant 4 : i32
      %mul3A_413 = vector.broadcast %mul3A_412 : i32 to vector<16xi32>
      %mul3A_414 = arith.muli %get3A_411, %mul3A_413 : vector<16xi32>
      %add3A_415 = vector.broadcast %select_n3A : i32 to vector<16xi32>
      %add3A_416 = arith.addi %mul3A_414, %add3A_415 : vector<16xi32>
      %swap3A_417 = arith.constant 16 : index
      %swap3A_418 = tpu.vector_load %arg12[%swap3A_417] {strides = array<i32>} : memref<128xi32, #tpu.memory_space<vmem>>, vector<16xi32>,
      tpu.vector_store %arg12[%swap3A_417], %add3A_416 {strides = array<i32>} : memref<128xi32, #tpu.memory_space<vmem>>, vector<16xi32>,
      %get3A_419 = arith.constant 272 : index
      %get3A_420 = tpu.vector_load %arg8[%get3A_419] {strides = array<i32>} : memref<512xi32, #tpu.memory_space<vmem>>, vector<16xi32>,
      %mul3A_421 = arith.constant 4 : i32
      %mul3A_422 = vector.broadcast %mul3A_421 : i32 to vector<16xi32>
      %mul3A_423 = arith.muli %get3A_420, %mul3A_422 : vector<16xi32>
      %add3A_424 = vector.broadcast %select_n3A : i32 to vector<16xi32>
      %add3A_425 = arith.addi %mul3A_423, %add3A_424 : vector<16xi32>
      %swap3A_426 = arith.constant 16 : index
      %swap3A_427 = tpu.vector_load %arg16[%swap3A_426] {strides = array<i32>} : memref<128xi32, #tpu.memory_space<vmem>>, vector<16xi32>,
      tpu.vector_store %arg16[%swap3A_426], %add3A_425 {strides = array<i32>} : memref<128xi32, #tpu.memory_space<vmem>>, vector<16xi32>,
      %get3A_428 = arith.constant 288 : index
      %get3A_429 = tpu.vector_load %arg9[%get3A_428] {strides = array<i32>} : memref<512xi32, #tpu.memory_space<vmem>>, vector<16xi32>,
      %mul3A_430 = arith.constant 4 : i32
      %mul3A_431 = vector.broadcast %mul3A_430 : i32 to vector<16xi32>
      %mul3A_432 = arith.muli %get3A_429, %mul3A_431 : vector<16xi32>
      %add3A_433 = vector.broadcast %select_n3A : i32 to vector<16xi32>
      %add3A_434 = arith.addi %mul3A_432, %add3A_433 : vector<16xi32>
      %swap3A_435 = arith.constant 32 : index
      %swap3A_436 = tpu.vector_load %arg12[%swap3A_435] {strides = array<i32>} : memref<128xi32, #tpu.memory_space<vmem>>, vector<16xi32>,
      tpu.vector_store %arg12[%swap3A_435], %add3A_434 {strides = array<i32>} : memref<128xi32, #tpu.memory_space<vmem>>, vector<16xi32>,
      %get3A_437 = arith.constant 288 : index
      %get3A_438 = tpu.vector_load %arg8[%get3A_437] {strides = array<i32>} : memref<512xi32, #tpu.memory_space<vmem>>, vector<16xi32>,
      %mul3A_439 = arith.constant 4 : i32
      %mul3A_440 = vector.broadcast %mul3A_439 : i32 to vector<16xi32>
      %mul3A_441 = arith.muli %get3A_438, %mul3A_440 : vector<16xi32>
      %add3A_442 = vector.broadcast %select_n3A : i32 to vector<16xi32>
      %add3A_443 = arith.addi %mul3A_441, %add3A_442 : vector<16xi32>
      %swap3A_444 = arith.constant 32 : index
      %swap3A_445 = tpu.vector_load %arg16[%swap3A_444] {strides = array<i32>} : memref<128xi32, #tpu.memory_space<vmem>>, vector<16xi32>,
      tpu.vector_store %arg16[%swap3A_444], %add3A_443 {strides = array<i32>} : memref<128xi32, #tpu.memory_space<vmem>>, vector<16xi32>,
      %get3A_446 = arith.constant 304 : index
      %get3A_447 = tpu.vector_load %arg9[%get3A_446] {strides = array<i32>} : memref<512xi32, #tpu.memory_space<vmem>>, vector<16xi32>,
      %mul3A_448 = arith.constant 4 : i32
      %mul3A_449 = vector.broadcast %mul3A_448 : i32 to vector<16xi32>
      %mul3A_450 = arith.muli %get3A_447, %mul3A_449 : vector<16xi32>
      %add3A_451 = vector.broadcast %select_n3A : i32 to vector<16xi32>
      %add3A_452 = arith.addi %mul3A_450, %add3A_451 : vector<16xi32>
      %swap3A_453 = arith.constant 48 : index
      %swap3A_454 = tpu.vector_load %arg12[%swap3A_453] {strides = array<i32>} : memref<128xi32, #tpu.memory_space<vmem>>, vector<16xi32>,
      tpu.vector_store %arg12[%swap3A_453], %add3A_452 {strides = array<i32>} : memref<128xi32, #tpu.memory_space<vmem>>, vector<16xi32>,
      %get3A_455 = arith.constant 304 : index
      %get3A_456 = tpu.vector_load %arg8[%get3A_455] {strides = array<i32>} : memref<512xi32, #tpu.memory_space<vmem>>, vector<16xi32>,
      %mul3A_457 = arith.constant 4 : i32
      %mul3A_458 = vector.broadcast %mul3A_457 : i32 to vector<16xi32>
      %mul3A_459 = arith.muli %get3A_456, %mul3A_458 : vector<16xi32>
      %add3A_460 = vector.broadcast %select_n3A : i32 to vector<16xi32>
      %add3A_461 = arith.addi %mul3A_459, %add3A_460 : vector<16xi32>
      %swap3A_462 = arith.constant 48 : index
      %swap3A_463 = tpu.vector_load %arg16[%swap3A_462] {strides = array<i32>} : memref<128xi32, #tpu.memory_space<vmem>>, vector<16xi32>,
      tpu.vector_store %arg16[%swap3A_462], %add3A_461 {strides = array<i32>} : memref<128xi32, #tpu.memory_space<vmem>>, vector<16xi32>,
      %get3A_464 = arith.constant 320 : index
      %get3A_465 = tpu.vector_load %arg9[%get3A_464] {strides = array<i32>} : memref<512xi32, #tpu.memory_space<vmem>>, vector<16xi32>,
      %mul3A_466 = arith.constant 4 : i32
      %mul3A_467 = vector.broadcast %mul3A_466 : i32 to vector<16xi32>
      %mul3A_468 = arith.muli %get3A_465, %mul3A_467 : vector<16xi32>
      %add3A_469 = vector.broadcast %select_n3A : i32 to vector<16xi32>
      %add3A_470 = arith.addi %mul3A_468, %add3A_469 : vector<16xi32>
      %swap3A_471 = arith.constant 64 : index
      %swap3A_472 = tpu.vector_load %arg12[%swap3A_471] {strides = array<i32>} : memref<128xi32, #tpu.memory_space<vmem>>, vector<16xi32>,
      tpu.vector_store %arg12[%swap3A_471], %add3A_470 {strides = array<i32>} : memref<128xi32, #tpu.memory_space<vmem>>, vector<16xi32>,
      %get3A_473 = arith.constant 320 : index
      %get3A_474 = tpu.vector_load %arg8[%get3A_473] {strides = array<i32>} : memref<512xi32, #tpu.memory_space<vmem>>, vector<16xi32>,
      %mul3A_475 = arith.constant 4 : i32
      %mul3A_476 = vector.broadcast %mul3A_475 : i32 to vector<16xi32>
      %mul3A_477 = arith.muli %get3A_474, %mul3A_476 : vector<16xi32>
      %add3A_478 = vector.broadcast %select_n3A : i32 to vector<16xi32>
      %add3A_479 = arith.addi %mul3A_477, %add3A_478 : vector<16xi32>
      %swap3A_480 = arith.constant 64 : index
      %swap3A_481 = tpu.vector_load %arg16[%swap3A_480] {strides = array<i32>} : memref<128xi32, #tpu.memory_space<vmem>>, vector<16xi32>,
      tpu.vector_store %arg16[%swap3A_480], %add3A_479 {strides = array<i32>} : memref<128xi32, #tpu.memory_space<vmem>>, vector<16xi32>,
      %get3A_482 = arith.constant 336 : index
      %get3A_483 = tpu.vector_load %arg9[%get3A_482] {strides = array<i32>} : memref<512xi32, #tpu.memory_space<vmem>>, vector<16xi32>,
      %mul3A_484 = arith.constant 4 : i32
      %mul3A_485 = vector.broadcast %mul3A_484 : i32 to vector<16xi32>
      %mul3A_486 = arith.muli %get3A_483, %mul3A_485 : vector<16xi32>
      %add3A_487 = vector.broadcast %select_n3A : i32 to vector<16xi32>
      %add3A_488 = arith.addi %mul3A_486, %add3A_487 : vector<16xi32>
      %swap3A_489 = arith.constant 80 : index
      %swap3A_490 = tpu.vector_load %arg12[%swap3A_489] {strides = array<i32>} : memref<128xi32, #tpu.memory_space<vmem>>, vector<16xi32>,
      tpu.vector_store %arg12[%swap3A_489], %add3A_488 {strides = array<i32>} : memref<128xi32, #tpu.memory_space<vmem>>, vector<16xi32>,
      %get3A_491 = arith.constant 336 : index
      %get3A_492 = tpu.vector_load %arg8[%get3A_491] {strides = array<i32>} : memref<512xi32, #tpu.memory_space<vmem>>, vector<16xi32>,
      %mul3A_493 = arith.constant 4 : i32
      %mul3A_494 = vector.broadcast %mul3A_493 : i32 to vector<16xi32>
      %mul3A_495 = arith.muli %get3A_492, %mul3A_494 : vector<16xi32>
      %add3A_496 = vector.broadcast %select_n3A : i32 to vector<16xi32>
      %add3A_497 = arith.addi %mul3A_495, %add3A_496 : vector<16xi32>
      %swap3A_498 = arith.constant 80 : index
      %swap3A_499 = tpu.vector_load %arg16[%swap3A_498] {strides = array<i32>} : memref<128xi32, #tpu.memory_space<vmem>>, vector<16xi32>,
      tpu.vector_store %arg16[%swap3A_498], %add3A_497 {strides = array<i32>} : memref<128xi32, #tpu.memory_space<vmem>>, vector<16xi32>,
      %get3A_500 = arith.constant 352 : index
      %get3A_501 = tpu.vector_load %arg9[%get3A_500] {strides = array<i32>} : memref<512xi32, #tpu.memory_space<vmem>>, vector<16xi32>,
      %mul3A_502 = arith.constant 4 : i32
      %mul3A_503 = vector.broadcast %mul3A_502 : i32 to vector<16xi32>
      %mul3A_504 = arith.muli %get3A_501, %mul3A_503 : vector<16xi32>
      %add3A_505 = vector.broadcast %select_n3A : i32 to vector<16xi32>
      %add3A_506 = arith.addi %mul3A_504, %add3A_505 : vector<16xi32>
      %swap3A_507 = arith.constant 96 : index
      %swap3A_508 = tpu.vector_load %arg12[%swap3A_507] {strides = array<i32>} : memref<128xi32, #tpu.memory_space<vmem>>, vector<16xi32>,
      tpu.vector_store %arg12[%swap3A_507], %add3A_506 {strides = array<i32>} : memref<128xi32, #tpu.memory_space<vmem>>, vector<16xi32>,
      %get3A_509 = arith.constant 352 : index
      %get3A_510 = tpu.vector_load %arg8[%get3A_509] {strides = array<i32>} : memref<512xi32, #tpu.memory_space<vmem>>, vector<16xi32>,
      %mul3A_511 = arith.constant 4 : i32
      %mul3A_512 = vector.broadcast %mul3A_511 : i32 to vector<16xi32>
      %mul3A_513 = arith.muli %get3A_510, %mul3A_512 : vector<16xi32>
      %add3A_514 = vector.broadcast %select_n3A : i32 to vector<16xi32>
      %add3A_515 = arith.addi %mul3A_513, %add3A_514 : vector<16xi32>
      %swap3A_516 = arith.constant 96 : index
      %swap3A_517 = tpu.vector_load %arg16[%swap3A_516] {strides = array<i32>} : memref<128xi32, #tpu.memory_space<vmem>>, vector<16xi32>,
      tpu.vector_store %arg16[%swap3A_516], %add3A_515 {strides = array<i32>} : memref<128xi32, #tpu.memory_space<vmem>>, vector<16xi32>,
      %get3A_518 = arith.constant 368 : index
      %get3A_519 = tpu.vector_load %arg9[%get3A_518] {strides = array<i32>} : memref<512xi32, #tpu.memory_space<vmem>>, vector<16xi32>,
      %mul3A_520 = arith.constant 4 : i32
      %mul3A_521 = vector.broadcast %mul3A_520 : i32 to vector<16xi32>
      %mul3A_522 = arith.muli %get3A_519, %mul3A_521 : vector<16xi32>
      %add3A_523 = vector.broadcast %select_n3A : i32 to vector<16xi32>
      %add3A_524 = arith.addi %mul3A_522, %add3A_523 : vector<16xi32>
      %swap3A_525 = arith.constant 112 : index
      %swap3A_526 = tpu.vector_load %arg12[%swap3A_525] {strides = array<i32>} : memref<128xi32, #tpu.memory_space<vmem>>, vector<16xi32>,
      tpu.vector_store %arg12[%swap3A_525], %add3A_524 {strides = array<i32>} : memref<128xi32, #tpu.memory_space<vmem>>, vector<16xi32>,
      %get3A_527 = arith.constant 368 : index
      %get3A_528 = tpu.vector_load %arg8[%get3A_527] {strides = array<i32>} : memref<512xi32, #tpu.memory_space<vmem>>, vector<16xi32>,
      %mul3A_529 = arith.constant 4 : i32
      %mul3A_530 = vector.broadcast %mul3A_529 : i32 to vector<16xi32>
      %mul3A_531 = arith.muli %get3A_528, %mul3A_530 : vector<16xi32>
      %add3A_532 = vector.broadcast %select_n3A : i32 to vector<16xi32>
      %add3A_533 = arith.addi %mul3A_531, %add3A_532 : vector<16xi32>
      %swap3A_534 = arith.constant 112 : index
      %swap3A_535 = tpu.vector_load %arg16[%swap3A_534] {strides = array<i32>} : memref<128xi32, #tpu.memory_space<vmem>>, vector<16xi32>,
      tpu.vector_store %arg16[%swap3A_534], %add3A_533 {strides = array<i32>} : memref<128xi32, #tpu.memory_space<vmem>>, vector<16xi32>,
      %get3A_536 = arith.constant 384 : index
      %get3A_537 = tpu.vector_load %arg9[%get3A_536] {strides = array<i32>} : memref<512xi32, #tpu.memory_space<vmem>>, vector<16xi32>,
      %mul3A_538 = arith.constant 4 : i32
      %mul3A_539 = vector.broadcast %mul3A_538 : i32 to vector<16xi32>
      %mul3A_540 = arith.muli %get3A_537, %mul3A_539 : vector<16xi32>
      %add3A_541 = vector.broadcast %select_n3A : i32 to vector<16xi32>
      %add3A_542 = arith.addi %mul3A_540, %add3A_541 : vector<16xi32>
      %swap3A_543 = arith.constant 0 : index
      %swap3A_544 = tpu.vector_load %arg13[%swap3A_543] {strides = array<i32>} : memref<128xi32, #tpu.memory_space<vmem>>, vector<16xi32>,
      tpu.vector_store %arg13[%swap3A_543], %add3A_542 {strides = array<i32>} : memref<128xi32, #tpu.memory_space<vmem>>, vector<16xi32>,
      %get3A_545 = arith.constant 384 : index
      %get3A_546 = tpu.vector_load %arg8[%get3A_545] {strides = array<i32>} : memref<512xi32, #tpu.memory_space<vmem>>, vector<16xi32>,
      %mul3A_547 = arith.constant 4 : i32
      %mul3A_548 = vector.broadcast %mul3A_547 : i32 to vector<16xi32>
      %mul3A_549 = arith.muli %get3A_546, %mul3A_548 : vector<16xi32>
      %add3A_550 = vector.broadcast %select_n3A : i32 to vector<16xi32>
      %add3A_551 = arith.addi %mul3A_549, %add3A_550 : vector<16xi32>
      %swap3A_552 = arith.constant 0 : index
      %swap3A_553 = tpu.vector_load %arg17[%swap3A_552] {strides = array<i32>} : memref<128xi32, #tpu.memory_space<vmem>>, vector<16xi32>,
      tpu.vector_store %arg17[%swap3A_552], %add3A_551 {strides = array<i32>} : memref<128xi32, #tpu.memory_space<vmem>>, vector<16xi32>,
      %get3A_554 = arith.constant 400 : index
      %get3A_555 = tpu.vector_load %arg9[%get3A_554] {strides = array<i32>} : memref<512xi32, #tpu.memory_space<vmem>>, vector<16xi32>,
      %mul3A_556 = arith.constant 4 : i32
      %mul3A_557 = vector.broadcast %mul3A_556 : i32 to vector<16xi32>
      %mul3A_558 = arith.muli %get3A_555, %mul3A_557 : vector<16xi32>
      %add3A_559 = vector.broadcast %select_n3A : i32 to vector<16xi32>
      %add3A_560 = arith.addi %mul3A_558, %add3A_559 : vector<16xi32>
      %swap3A_561 = arith.constant 16 : index
      %swap3A_562 = tpu.vector_load %arg13[%swap3A_561] {strides = array<i32>} : memref<128xi32, #tpu.memory_space<vmem>>, vector<16xi32>,
      tpu.vector_store %arg13[%swap3A_561], %add3A_560 {strides = array<i32>} : memref<128xi32, #tpu.memory_space<vmem>>, vector<16xi32>,
      %get3A_563 = arith.constant 400 : index
      %get3A_564 = tpu.vector_load %arg8[%get3A_563] {strides = array<i32>} : memref<512xi32, #tpu.memory_space<vmem>>, vector<16xi32>,
      %mul3A_565 = arith.constant 4 : i32
      %mul3A_566 = vector.broadcast %mul3A_565 : i32 to vector<16xi32>
      %mul3A_567 = arith.muli %get3A_564, %mul3A_566 : vector<16xi32>
      %add3A_568 = vector.broadcast %select_n3A : i32 to vector<16xi32>
      %add3A_569 = arith.addi %mul3A_567, %add3A_568 : vector<16xi32>
      %swap3A_570 = arith.constant 16 : index
      %swap3A_571 = tpu.vector_load %arg17[%swap3A_570] {strides = array<i32>} : memref<128xi32, #tpu.memory_space<vmem>>, vector<16xi32>,
      tpu.vector_store %arg17[%swap3A_570], %add3A_569 {strides = array<i32>} : memref<128xi32, #tpu.memory_space<vmem>>, vector<16xi32>,
      %get3A_572 = arith.constant 416 : index
      %get3A_573 = tpu.vector_load %arg9[%get3A_572] {strides = array<i32>} : memref<512xi32, #tpu.memory_space<vmem>>, vector<16xi32>,
      %mul3A_574 = arith.constant 4 : i32
      %mul3A_575 = vector.broadcast %mul3A_574 : i32 to vector<16xi32>
      %mul3A_576 = arith.muli %get3A_573, %mul3A_575 : vector<16xi32>
      %add3A_577 = vector.broadcast %select_n3A : i32 to vector<16xi32>
      %add3A_578 = arith.addi %mul3A_576, %add3A_577 : vector<16xi32>
      %swap3A_579 = arith.constant 32 : index
      %swap3A_580 = tpu.vector_load %arg13[%swap3A_579] {strides = array<i32>} : memref<128xi32, #tpu.memory_space<vmem>>, vector<16xi32>,
      tpu.vector_store %arg13[%swap3A_579], %add3A_578 {strides = array<i32>} : memref<128xi32, #tpu.memory_space<vmem>>, vector<16xi32>,
      %get3A_581 = arith.constant 416 : index
      %get3A_582 = tpu.vector_load %arg8[%get3A_581] {strides = array<i32>} : memref<512xi32, #tpu.memory_space<vmem>>, vector<16xi32>,
      %mul3A_583 = arith.constant 4 : i32
      %mul3A_584 = vector.broadcast %mul3A_583 : i32 to vector<16xi32>
      %mul3A_585 = arith.muli %get3A_582, %mul3A_584 : vector<16xi32>
      %add3A_586 = vector.broadcast %select_n3A : i32 to vector<16xi32>
      %add3A_587 = arith.addi %mul3A_585, %add3A_586 : vector<16xi32>
      %swap3A_588 = arith.constant 32 : index
      %swap3A_589 = tpu.vector_load %arg17[%swap3A_588] {strides = array<i32>} : memref<128xi32, #tpu.memory_space<vmem>>, vector<16xi32>,
      tpu.vector_store %arg17[%swap3A_588], %add3A_587 {strides = array<i32>} : memref<128xi32, #tpu.memory_space<vmem>>, vector<16xi32>,
      %get3A_590 = arith.constant 432 : index
      %get3A_591 = tpu.vector_load %arg9[%get3A_590] {strides = array<i32>} : memref<512xi32, #tpu.memory_space<vmem>>, vector<16xi32>,
      %mul3A_592 = arith.constant 4 : i32
      %mul3A_593 = vector.broadcast %mul3A_592 : i32 to vector<16xi32>
      %mul3A_594 = arith.muli %get3A_591, %mul3A_593 : vector<16xi32>
      %add3A_595 = vector.broadcast %select_n3A : i32 to vector<16xi32>
      %add3A_596 = arith.addi %mul3A_594, %add3A_595 : vector<16xi32>
      %swap3A_597 = arith.constant 48 : index
      %swap3A_598 = tpu.vector_load %arg13[%swap3A_597] {strides = array<i32>} : memref<128xi32, #tpu.memory_space<vmem>>, vector<16xi32>,
      tpu.vector_store %arg13[%swap3A_597], %add3A_596 {strides = array<i32>} : memref<128xi32, #tpu.memory_space<vmem>>, vector<16xi32>,
      %get3A_599 = arith.constant 432 : index
      %get3A_600 = tpu.vector_load %arg8[%get3A_599] {strides = array<i32>} : memref<512xi32, #tpu.memory_space<vmem>>, vector<16xi32>,
      %mul3A_601 = arith.constant 4 : i32
      %mul3A_602 = vector.broadcast %mul3A_601 : i32 to vector<16xi32>
      %mul3A_603 = arith.muli %get3A_600, %mul3A_602 : vector<16xi32>
      %add3A_604 = vector.broadcast %select_n3A : i32 to vector<16xi32>
      %add3A_605 = arith.addi %mul3A_603, %add3A_604 : vector<16xi32>
      %swap3A_606 = arith.constant 48 : index
      %swap3A_607 = tpu.vector_load %arg17[%swap3A_606] {strides = array<i32>} : memref<128xi32, #tpu.memory_space<vmem>>, vector<16xi32>,
      tpu.vector_store %arg17[%swap3A_606], %add3A_605 {strides = array<i32>} : memref<128xi32, #tpu.memory_space<vmem>>, vector<16xi32>,
      %get3A_608 = arith.constant 448 : index
      %get3A_609 = tpu.vector_load %arg9[%get3A_608] {strides = array<i32>} : memref<512xi32, #tpu.memory_space<vmem>>, vector<16xi32>,
      %mul3A_610 = arith.constant 4 : i32
      %mul3A_611 = vector.broadcast %mul3A_610 : i32 to vector<16xi32>
      %mul3A_612 = arith.muli %get3A_609, %mul3A_611 : vector<16xi32>
      %add3A_613 = vector.broadcast %select_n3A : i32 to vector<16xi32>
      %add3A_614 = arith.addi %mul3A_612, %add3A_613 : vector<16xi32>
      %swap3A_615 = arith.constant 64 : index
      %swap3A_616 = tpu.vector_load %arg13[%swap3A_615] {strides = array<i32>} : memref<128xi32, #tpu.memory_space<vmem>>, vector<16xi32>,
      tpu.vector_store %arg13[%swap3A_615], %add3A_614 {strides = array<i32>} : memref<128xi32, #tpu.memory_space<vmem>>, vector<16xi32>,
      %get3A_617 = arith.constant 448 : index
      %get3A_618 = tpu.vector_load %arg8[%get3A_617] {strides = array<i32>} : memref<512xi32, #tpu.memory_space<vmem>>, vector<16xi32>,
      %mul3A_619 = arith.constant 4 : i32
      %mul3A_620 = vector.broadcast %mul3A_619 : i32 to vector<16xi32>
      %mul3A_621 = arith.muli %get3A_618, %mul3A_620 : vector<16xi32>
      %add3A_622 = vector.broadcast %select_n3A : i32 to vector<16xi32>
      %add3A_623 = arith.addi %mul3A_621, %add3A_622 : vector<16xi32>
      %swap3A_624 = arith.constant 64 : index
      %swap3A_625 = tpu.vector_load %arg17[%swap3A_624] {strides = array<i32>} : memref<128xi32, #tpu.memory_space<vmem>>, vector<16xi32>,
      tpu.vector_store %arg17[%swap3A_624], %add3A_623 {strides = array<i32>} : memref<128xi32, #tpu.memory_space<vmem>>, vector<16xi32>,
      %get3A_626 = arith.constant 464 : index
      %get3A_627 = tpu.vector_load %arg9[%get3A_626] {strides = array<i32>} : memref<512xi32, #tpu.memory_space<vmem>>, vector<16xi32>,
      %mul3A_628 = arith.constant 4 : i32
      %mul3A_629 = vector.broadcast %mul3A_628 : i32 to vector<16xi32>
      %mul3A_630 = arith.muli %get3A_627, %mul3A_629 : vector<16xi32>
      %add3A_631 = vector.broadcast %select_n3A : i32 to vector<16xi32>
      %add3A_632 = arith.addi %mul3A_630, %add3A_631 : vector<16xi32>
      %swap3A_633 = arith.constant 80 : index
      %swap3A_634 = tpu.vector_load %arg13[%swap3A_633] {strides = array<i32>} : memref<128xi32, #tpu.memory_space<vmem>>, vector<16xi32>,
      tpu.vector_store %arg13[%swap3A_633], %add3A_632 {strides = array<i32>} : memref<128xi32, #tpu.memory_space<vmem>>, vector<16xi32>,
      %get3A_635 = arith.constant 464 : index
      %get3A_636 = tpu.vector_load %arg8[%get3A_635] {strides = array<i32>} : memref<512xi32, #tpu.memory_space<vmem>>, vector<16xi32>,
      %mul3A_637 = arith.constant 4 : i32
      %mul3A_638 = vector.broadcast %mul3A_637 : i32 to vector<16xi32>
      %mul3A_639 = arith.muli %get3A_636, %mul3A_638 : vector<16xi32>
      %add3A_640 = vector.broadcast %select_n3A : i32 to vector<16xi32>
      %add3A_641 = arith.addi %mul3A_639, %add3A_640 : vector<16xi32>
      %swap3A_642 = arith.constant 80 : index
      %swap3A_643 = tpu.vector_load %arg17[%swap3A_642] {strides = array<i32>} : memref<128xi32, #tpu.memory_space<vmem>>, vector<16xi32>,
      tpu.vector_store %arg17[%swap3A_642], %add3A_641 {strides = array<i32>} : memref<128xi32, #tpu.memory_space<vmem>>, vector<16xi32>,
      %get3A_644 = arith.constant 480 : index
      %get3A_645 = tpu.vector_load %arg9[%get3A_644] {strides = array<i32>} : memref<512xi32, #tpu.memory_space<vmem>>, vector<16xi32>,
      %mul3A_646 = arith.constant 4 : i32
      %mul3A_647 = vector.broadcast %mul3A_646 : i32 to vector<16xi32>
      %mul3A_648 = arith.muli %get3A_645, %mul3A_647 : vector<16xi32>
      %add3A_649 = vector.broadcast %select_n3A : i32 to vector<16xi32>
      %add3A_650 = arith.addi %mul3A_648, %add3A_649 : vector<16xi32>
      %swap3A_651 = arith.constant 96 : index
      %swap3A_652 = tpu.vector_load %arg13[%swap3A_651] {strides = array<i32>} : memref<128xi32, #tpu.memory_space<vmem>>, vector<16xi32>,
      tpu.vector_store %arg13[%swap3A_651], %add3A_650 {strides = array<i32>} : memref<128xi32, #tpu.memory_space<vmem>>, vector<16xi32>,
      %get3A_653 = arith.constant 480 : index
      %get3A_654 = tpu.vector_load %arg8[%get3A_653] {strides = array<i32>} : memref<512xi32, #tpu.memory_space<vmem>>, vector<16xi32>,
      %mul3A_655 = arith.constant 4 : i32
      %mul3A_656 = vector.broadcast %mul3A_655 : i32 to vector<16xi32>
      %mul3A_657 = arith.muli %get3A_654, %mul3A_656 : vector<16xi32>
      %add3A_658 = vector.broadcast %select_n3A : i32 to vector<16xi32>
      %add3A_659 = arith.addi %mul3A_657, %add3A_658 : vector<16xi32>
      %swap3A_660 = arith.constant 96 : index
      %swap3A_661 = tpu.vector_load %arg17[%swap3A_660] {strides = array<i32>} : memref<128xi32, #tpu.memory_space<vmem>>, vector<16xi32>,
      tpu.vector_store %arg17[%swap3A_660], %add3A_659 {strides = array<i32>} : memref<128xi32, #tpu.memory_space<vmem>>, vector<16xi32>,
      %get3A_662 = arith.constant 496 : index
      %get3A_663 = tpu.vector_load %arg9[%get3A_662] {strides = array<i32>} : memref<512xi32, #tpu.memory_space<vmem>>, vector<16xi32>,
      %mul3A_664 = arith.constant 4 : i32
      %mul3A_665 = vector.broadcast %mul3A_664 : i32 to vector<16xi32>
      %mul3A_666 = arith.muli %get3A_663, %mul3A_665 : vector<16xi32>
      %add3A_667 = vector.broadcast %select_n3A : i32 to vector<16xi32>
      %add3A_668 = arith.addi %mul3A_666, %add3A_667 : vector<16xi32>
      %swap3A_669 = arith.constant 112 : index
      %swap3A_670 = tpu.vector_load %arg13[%swap3A_669] {strides = array<i32>} : memref<128xi32, #tpu.memory_space<vmem>>, vector<16xi32>,
      tpu.vector_store %arg13[%swap3A_669], %add3A_668 {strides = array<i32>} : memref<128xi32, #tpu.memory_space<vmem>>, vector<16xi32>,
      %get3A_671 = arith.constant 496 : index
      %get3A_672 = tpu.vector_load %arg8[%get3A_671] {strides = array<i32>} : memref<512xi32, #tpu.memory_space<vmem>>, vector<16xi32>,
      %mul3A_673 = arith.constant 4 : i32
      %mul3A_674 = vector.broadcast %mul3A_673 : i32 to vector<16xi32>
      %mul3A_675 = arith.muli %get3A_672, %mul3A_674 : vector<16xi32>
      %add3A_676 = vector.broadcast %select_n3A : i32 to vector<16xi32>
      %add3A_677 = arith.addi %mul3A_675, %add3A_676 : vector<16xi32>
      %swap3A_678 = arith.constant 112 : index
      %swap3A_679 = tpu.vector_load %arg17[%swap3A_678] {strides = array<i32>} : memref<128xi32, #tpu.memory_space<vmem>>, vector<16xi32>,
      tpu.vector_store %arg17[%swap3A_678], %add3A_677 {strides = array<i32>} : memref<128xi32, #tpu.memory_space<vmem>>, vector<16xi32>,
      %dma_start3A = arith.constant 0 : i32
      %dma_start3A_680 = arith.constant 0 : i32
      %dma_start3A_681 = tpu.memref_slice %arg5[%dma_start3A, %dma_start3A_680] : memref<400000x32xf32, #tpu.memory_space<hbm>> -> memref<400000x32xf32, #tpu.memory_space<hbm>>
      tpu.enqueue_indirect_dma source(%dma_start3A_681 : memref<400000x32xf32, #tpu.memory_space<hbm>>) target(%arg18 : memref<128x32xf32, #tpu.memory_space<vmem>>) offsets(%arg10 : memref<128xi32, #tpu.memory_space<vmem>>) semaphore(%arg24 : memref<!tpu.dma_semaphore, #tpu.memory_space<semaphore_mem>>)
      %dma_start3A_682 = arith.constant 0 : i32
      %dma_start3A_683 = arith.constant 0 : i32
      %dma_start3A_684 = tpu.memref_slice %arg5[%dma_start3A_682, %dma_start3A_683] : memref<400000x32xf32, #tpu.memory_space<hbm>> -> memref<400000x32xf32, #tpu.memory_space<hbm>>
      tpu.enqueue_indirect_dma source(%dma_start3A_684 : memref<400000x32xf32, #tpu.memory_space<hbm>>) target(%arg19 : memref<128x32xf32, #tpu.memory_space<vmem>>) offsets(%arg11 : memref<128xi32, #tpu.memory_space<vmem>>) semaphore(%arg24 : memref<!tpu.dma_semaphore, #tpu.memory_space<semaphore_mem>>)
      %dma_start3A_685 = arith.constant 0 : i32
      %dma_start3A_686 = arith.constant 0 : i32
      %dma_start3A_687 = tpu.memref_slice %arg5[%dma_start3A_685, %dma_start3A_686] : memref<400000x32xf32, #tpu.memory_space<hbm>> -> memref<400000x32xf32, #tpu.memory_space<hbm>>
      tpu.enqueue_indirect_dma source(%dma_start3A_687 : memref<400000x32xf32, #tpu.memory_space<hbm>>) target(%arg20 : memref<128x32xf32, #tpu.memory_space<vmem>>) offsets(%arg12 : memref<128xi32, #tpu.memory_space<vmem>>) semaphore(%arg24 : memref<!tpu.dma_semaphore, #tpu.memory_space<semaphore_mem>>)
      %dma_start3A_688 = arith.constant 0 : i32
      %dma_start3A_689 = arith.constant 0 : i32
      %dma_start3A_690 = tpu.memref_slice %arg5[%dma_start3A_688, %dma_start3A_689] : memref<400000x32xf32, #tpu.memory_space<hbm>> -> memref<400000x32xf32, #tpu.memory_space<hbm>>
      tpu.enqueue_indirect_dma source(%dma_start3A_690 : memref<400000x32xf32, #tpu.memory_space<hbm>>) target(%arg21 : memref<128x32xf32, #tpu.memory_space<vmem>>) offsets(%arg13 : memref<128xi32, #tpu.memory_space<vmem>>) semaphore(%arg24 : memref<!tpu.dma_semaphore, #tpu.memory_space<semaphore_mem>>)
      %dma_wait3A = arith.constant 0 : i32
      %dma_wait3A_691 = arith.constant 0 : i32
      %dma_wait3A_692 = tpu.memref_slice %arg5[%dma_wait3A, %dma_wait3A_691] : memref<400000x32xf32, #tpu.memory_space<hbm>> -> memref<400000x32xf32, #tpu.memory_space<hbm>>
      tpu.wait_indirect_dma semaphore(%arg24 : memref<!tpu.dma_semaphore, #tpu.memory_space<semaphore_mem>>) src(%dma_wait3A_692 : memref<400000x32xf32, #tpu.memory_space<hbm>>) dst(%arg18 : memref<128x32xf32, #tpu.memory_space<vmem>>)
      %dma_wait3A_693 = arith.constant 0 : i32
      %dma_wait3A_694 = arith.constant 0 : i32
      %dma_wait3A_695 = tpu.memref_slice %arg5[%dma_wait3A_693, %dma_wait3A_694] : memref<400000x32xf32, #tpu.memory_space<hbm>> -> memref<400000x32xf32, #tpu.memory_space<hbm>>
      tpu.wait_indirect_dma semaphore(%arg24 : memref<!tpu.dma_semaphore, #tpu.memory_space<semaphore_mem>>) src(%dma_wait3A_695 : memref<400000x32xf32, #tpu.memory_space<hbm>>) dst(%arg19 : memref<128x32xf32, #tpu.memory_space<vmem>>)
      %dma_wait3A_696 = arith.constant 0 : i32
      %dma_wait3A_697 = arith.constant 0 : i32
      %dma_wait3A_698 = tpu.memref_slice %arg5[%dma_wait3A_696, %dma_wait3A_697] : memref<400000x32xf32, #tpu.memory_space<hbm>> -> memref<400000x32xf32, #tpu.memory_space<hbm>>
      tpu.wait_indirect_dma semaphore(%arg24 : memref<!tpu.dma_semaphore, #tpu.memory_space<semaphore_mem>>) src(%dma_wait3A_698 : memref<400000x32xf32, #tpu.memory_space<hbm>>) dst(%arg20 : memref<128x32xf32, #tpu.memory_space<vmem>>)
      %dma_wait3A_699 = arith.constant 0 : i32
      %dma_wait3A_700 = arith.constant 0 : i32
      %dma_wait3A_701 = tpu.memref_slice %arg5[%dma_wait3A_699, %dma_wait3A_700] : memref<400000x32xf32, #tpu.memory_space<hbm>> -> memref<400000x32xf32, #tpu.memory_space<hbm>>
      tpu.wait_indirect_dma semaphore(%arg24 : memref<!tpu.dma_semaphore, #tpu.memory_space<semaphore_mem>>) src(%dma_wait3A_701 : memref<400000x32xf32, #tpu.memory_space<hbm>>) dst(%arg21 : memref<128x32xf32, #tpu.memory_space<vmem>>)
      "tpu.region"() ({
        %run_scoped3A = tpu.sem_alloc : memref<!tpu.dma_semaphore, #tpu.memory_space<semaphore_mem>>
        %dma_start3A_702 = arith.constant 0 : i32
        %dma_start3A_703 = arith.constant 0 : i32
        %dma_start3A_704 = tpu.memref_slice %arg23[%dma_start3A_702, %dma_start3A_703] : memref<32768x32xf32, #tpu.memory_space<vmem_shared>> -> memref<32768x32xf32, #tpu.memory_space<vmem_shared>>
        tpu.enqueue_indirect_dma source(%arg18 : memref<128x32xf32, #tpu.memory_space<vmem>>) target(%dma_start3A_704 : memref<32768x32xf32, #tpu.memory_space<vmem_shared>>) offsets(%arg14 : memref<128xi32, #tpu.memory_space<vmem>>) semaphore(%run_scoped3A : memref<!tpu.dma_semaphore, #tpu.memory_space<semaphore_mem>>) {add = true}
        %dma_wait3A_705 = arith.constant 0 : i32
        %dma_wait3A_706 = arith.constant 0 : i32
        %dma_wait3A_707 = tpu.memref_slice %arg23[%dma_wait3A_705, %dma_wait3A_706] : memref<32768x32xf32, #tpu.memory_space<vmem_shared>> -> memref<32768x32xf32, #tpu.memory_space<vmem_shared>>
        tpu.wait_indirect_dma semaphore(%run_scoped3A : memref<!tpu.dma_semaphore, #tpu.memory_space<semaphore_mem>>) src(%arg18 : memref<128x32xf32, #tpu.memory_space<vmem>>) dst(%dma_wait3A_707 : memref<32768x32xf32, #tpu.memory_space<vmem_shared>>)
        tpu.yield
      }) : () -> ()
      "tpu.region"() ({
        %run_scoped3A = tpu.sem_alloc : memref<!tpu.dma_semaphore, #tpu.memory_space<semaphore_mem>>
        %dma_start3A_702 = arith.constant 0 : i32
        %dma_start3A_703 = arith.constant 0 : i32
        %dma_start3A_704 = tpu.memref_slice %arg23[%dma_start3A_702, %dma_start3A_703] : memref<32768x32xf32, #tpu.memory_space<vmem_shared>> -> memref<32768x32xf32, #tpu.memory_space<vmem_shared>>
        tpu.enqueue_indirect_dma source(%arg19 : memref<128x32xf32, #tpu.memory_space<vmem>>) target(%dma_start3A_704 : memref<32768x32xf32, #tpu.memory_space<vmem_shared>>) offsets(%arg15 : memref<128xi32, #tpu.memory_space<vmem>>) semaphore(%run_scoped3A : memref<!tpu.dma_semaphore, #tpu.memory_space<semaphore_mem>>) {add = true}
        %dma_wait3A_705 = arith.constant 0 : i32
        %dma_wait3A_706 = arith.constant 0 : i32
        %dma_wait3A_707 = tpu.memref_slice %arg23[%dma_wait3A_705, %dma_wait3A_706] : memref<32768x32xf32, #tpu.memory_space<vmem_shared>> -> memref<32768x32xf32, #tpu.memory_space<vmem_shared>>
        tpu.wait_indirect_dma semaphore(%run_scoped3A : memref<!tpu.dma_semaphore, #tpu.memory_space<semaphore_mem>>) src(%arg19 : memref<128x32xf32, #tpu.memory_space<vmem>>) dst(%dma_wait3A_707 : memref<32768x32xf32, #tpu.memory_space<vmem_shared>>)
        tpu.yield
      }) : () -> ()
      "tpu.region"() ({
        %run_scoped3A = tpu.sem_alloc : memref<!tpu.dma_semaphore, #tpu.memory_space<semaphore_mem>>
        %dma_start3A_702 = arith.constant 0 : i32
        %dma_start3A_703 = arith.constant 0 : i32
        %dma_start3A_704 = tpu.memref_slice %arg23[%dma_start3A_702, %dma_start3A_703] : memref<32768x32xf32, #tpu.memory_space<vmem_shared>> -> memref<32768x32xf32, #tpu.memory_space<vmem_shared>>
        tpu.enqueue_indirect_dma source(%arg20 : memref<128x32xf32, #tpu.memory_space<vmem>>) target(%dma_start3A_704 : memref<32768x32xf32, #tpu.memory_space<vmem_shared>>) offsets(%arg16 : memref<128xi32, #tpu.memory_space<vmem>>) semaphore(%run_scoped3A : memref<!tpu.dma_semaphore, #tpu.memory_space<semaphore_mem>>) {add = true}
        %dma_wait3A_705 = arith.constant 0 : i32
        %dma_wait3A_706 = arith.constant 0 : i32
        %dma_wait3A_707 = tpu.memref_slice %arg23[%dma_wait3A_705, %dma_wait3A_706] : memref<32768x32xf32, #tpu.memory_space<vmem_shared>> -> memref<32768x32xf32, #tpu.memory_space<vmem_shared>>
        tpu.wait_indirect_dma semaphore(%run_scoped3A : memref<!tpu.dma_semaphore, #tpu.memory_space<semaphore_mem>>) src(%arg20 : memref<128x32xf32, #tpu.memory_space<vmem>>) dst(%dma_wait3A_707 : memref<32768x32xf32, #tpu.memory_space<vmem_shared>>)
        tpu.yield
      }) : () -> ()
      "tpu.region"() ({
        %run_scoped3A = tpu.sem_alloc : memref<!tpu.dma_semaphore, #tpu.memory_space<semaphore_mem>>
        %dma_start3A_702 = arith.constant 0 : i32
        %dma_start3A_703 = arith.constant 0 : i32
        %dma_start3A_704 = tpu.memref_slice %arg23[%dma_start3A_702, %dma_start3A_703] : memref<32768x32xf32, #tpu.memory_space<vmem_shared>> -> memref<32768x32xf32, #tpu.memory_space<vmem_shared>>
        tpu.enqueue_indirect_dma source(%arg21 : memref<128x32xf32, #tpu.memory_space<vmem>>) target(%dma_start3A_704 : memref<32768x32xf32, #tpu.memory_space<vmem_shared>>) offsets(%arg17 : memref<128xi32, #tpu.memory_space<vmem>>) semaphore(%run_scoped3A : memref<!tpu.dma_semaphore, #tpu.memory_space<semaphore_mem>>) {add = true}
        %dma_wait3A_705 = arith.constant 0 : i32
        %dma_wait3A_706 = arith.constant 0 : i32
        %dma_wait3A_707 = tpu.memref_slice %arg23[%dma_wait3A_705, %dma_wait3A_706] : memref<32768x32xf32, #tpu.memory_space<vmem_shared>> -> memref<32768x32xf32, #tpu.memory_space<vmem_shared>>
        tpu.wait_indirect_dma semaphore(%run_scoped3A : memref<!tpu.dma_semaphore, #tpu.memory_space<semaphore_mem>>) src(%arg21 : memref<128x32xf32, #tpu.memory_space<vmem>>) dst(%dma_wait3A_707 : memref<32768x32xf32, #tpu.memory_space<vmem_shared>>)
        tpu.yield
      }) : () -> ()
    }
    %scan3A_96 = arith.constant 32 : i32
    %barrier3A_97 = arith.constant 0 : index
    tpu.barrier barrier_id(%barrier3A_97)
    %mul3A_98 = arith.constant 2048 : i32
    %mul3A_99 = arith.muli %arg1, %mul3A_98 : i32
    %mul3A_100 = arith.constant 2048 : i32
    %mul3A_101 = arith.muli %arg1, %mul3A_100 : i32
    "tpu.region"() ({
      %run_scoped3A = tpu.sem_alloc : memref<!tpu.dma_semaphore, #tpu.memory_space<semaphore_mem>>
      %dma_start3A = arith.constant 0 : i32
      %dma_start3A_102 = tpu.memref_slice %arg6[%arg0, %mul3A_101, %dma_start3A] : memref<2x32768x32xf32, #tpu.memory_space<hbm>> -> memref<1x2048x32xf32, #tpu.memory_space<hbm>>
      %dma_start3A_103 = tpu.memref_squeeze %dma_start3A_102 : memref<1x2048x32xf32, #tpu.memory_space<hbm>> -> memref<2048x32xf32, #tpu.memory_space<hbm>>
      %dma_start3A_104 = arith.constant 0 : i32
      %dma_start3A_105 = tpu.memref_slice %arg23[%mul3A_99, %dma_start3A_104] : memref<32768x32xf32, #tpu.memory_space<vmem_shared>> -> memref<2048x32xf32, #tpu.memory_space<vmem_shared>>
      tpu.enqueue_dma source(%dma_start3A_105 : memref<2048x32xf32, #tpu.memory_space<vmem_shared>>) target(%dma_start3A_103 : memref<2048x32xf32, #tpu.memory_space<hbm>>) target_semaphore(%run_scoped3A : memref<!tpu.dma_semaphore, #tpu.memory_space<semaphore_mem>>)
      %dma_wait3A = arith.constant 0 : i32
      %dma_wait3A_106 = tpu.memref_slice %arg6[%arg0, %mul3A_101, %dma_wait3A] : memref<2x32768x32xf32, #tpu.memory_space<hbm>> -> memref<1x2048x32xf32, #tpu.memory_space<hbm>>
      %dma_wait3A_107 = tpu.memref_squeeze %dma_wait3A_106 : memref<1x2048x32xf32, #tpu.memory_space<hbm>> -> memref<2048x32xf32, #tpu.memory_space<hbm>>
      %dma_wait3A_108 = arith.constant 0 : i32
      %dma_wait3A_109 = tpu.memref_slice %arg23[%mul3A_99, %dma_wait3A_108] : memref<32768x32xf32, #tpu.memory_space<vmem_shared>> -> memref<2048x32xf32, #tpu.memory_space<vmem_shared>>
      tpu.wait_dma2 semaphore(%run_scoped3A : memref<!tpu.dma_semaphore, #tpu.memory_space<semaphore_mem>>) src(%dma_wait3A_109 : memref<2048x32xf32, #tpu.memory_space<vmem_shared>>) dst(%dma_wait3A_107 : memref<2048x32xf32, #tpu.memory_space<hbm>>)
      tpu.yield
    }) : () -> ()
    return
  }
}

module attributes {stable_mosaic.version = 14 : i64} {
  func.func @_dense_body(%arg0: i32, %arg1: memref<2x1024x128xf32, #tpu.memory_space<vmem>>, %arg2: memref<1024x256xf32, #tpu.memory_space<vmem>>, %arg3: memref<128x128xf32, #tpu.memory_space<vmem>>, %arg4: memref<128x128xf32, #tpu.memory_space<vmem>>, %arg5: memref<128x128xf32, #tpu.memory_space<vmem>>, %arg6: memref<128x1024xf32, #tpu.memory_space<vmem>>, %arg7: memref<1024x4x256xf32, #tpu.memory_space<vmem>>) attributes {dimension_semantics = [#tpu.dimension_semantics<arbitrary>], iteration_bounds = array<i64: 8>, scalar_prefetch = 0 : i64, scratch_operands = 0 : i64, tpu.core_type = #tpu.core_type<tc>, window_params = [{transform_indices = @transform_0, window_bounds = array<i64: 2, 1024, 128>}, {transform_indices = @transform_1, window_bounds = array<i64: 1024, 256>}, {pipeline_mode = #tpu.pipeline_mode<synchronous>, transform_indices = @transform_2, window_bounds = array<i64: 128, 128>}, {pipeline_mode = #tpu.pipeline_mode<synchronous>, transform_indices = @transform_3, window_bounds = array<i64: 128, 128>}, {pipeline_mode = #tpu.pipeline_mode<synchronous>, transform_indices = @transform_4, window_bounds = array<i64: 128, 128>}, {pipeline_mode = #tpu.pipeline_mode<synchronous>, transform_indices = @transform_5, window_bounds = array<i64: 128, 1024>}, {transform_indices = @transform_6, window_bounds = array<i64: 1024, 4, 256>}]} {
    %get3A = arith.constant 0 : index
    %get3A_0 = arith.constant 0 : index
    %get3A_1 = arith.constant 0 : index
    %get3A_2 = vector.load %arg1[%get3A, %get3A_0, %get3A_1] : memref<2x1024x128xf32, #tpu.memory_space<vmem>>, vector<1x1024x128xf32>
    %get3A_3 = vector.shape_cast %get3A_2 : vector<1x1024x128xf32> to vector<1024x128xf32>
    %get3A_4 = arith.constant 1 : index
    %get3A_5 = arith.constant 0 : index
    %get3A_6 = arith.constant 0 : index
    %get3A_7 = vector.load %arg1[%get3A_4, %get3A_5, %get3A_6] : memref<2x1024x128xf32, #tpu.memory_space<vmem>>, vector<1x1024x128xf32>
    %get3A_8 = vector.shape_cast %get3A_7 : vector<1x1024x128xf32> to vector<1024x128xf32>
    %add3A = arith.addf %get3A_3, %get3A_8 : vector<1024x128xf32>
    %get3A_9 = arith.constant 0 : index
    %get3A_10 = arith.constant 0 : index
    %get3A_11 = vector.load %arg3[%get3A_9, %get3A_10] : memref<128x128xf32, #tpu.memory_space<vmem>>, vector<128x128xf32>
    %dot_general3A = arith.constant dense<0.000000e+00> : vector<1024x128xf32>
    %dot_general3A_12 = tpu.matmul %add3A, %get3A_11, %dot_general3A {dimension_numbers = #tpu.dot_dimension_numbers<[1], [0], [0], [1], [0, 0, 1, 1], [], []>, transpose_lhs_hint = false} : vector<1024x128xf32>, vector<128x128xf32>, vector<1024x128xf32> -> vector<1024x128xf32>
    %tanh3A = math.tanh %dot_general3A_12 : vector<1024x128xf32>
    %iota3A = tpu.iota {dimensions = array<i32: 1>} : vector<1x128xi32>
    %lt3A = arith.constant 4 : i32
    %lt3A_13 = vector.broadcast %lt3A : i32 to vector<1x128xi32>
    %lt3A_14 = arith.cmpi slt, %iota3A, %lt3A_13 : vector<1x128xi32>
    %jit3A = arith.constant 0.000000e+00 : f32
    %jit3A_15 = arith.constant -1.000000e+09 : f32
    %broadcast_in_dim3A = vector.broadcast %jit3A : f32 to vector<1x128xf32>
    %broadcast_in_dim3A_16 = vector.broadcast %jit3A_15 : f32 to vector<1x128xf32>
    %select_n3A = arith.select %lt3A_14, %broadcast_in_dim3A, %broadcast_in_dim3A_16 : vector<1x128xi1>, vector<1x128xf32>
    %get3A_17 = arith.constant 0 : index
    %get3A_18 = arith.constant 0 : index
    %get3A_19 = vector.load %arg4[%get3A_17, %get3A_18] : memref<128x128xf32, #tpu.memory_space<vmem>>, vector<128x128xf32>
    %dot_general3A_20 = arith.constant dense<0.000000e+00> : vector<1024x128xf32>
    %dot_general3A_21 = tpu.matmul %tanh3A, %get3A_19, %dot_general3A_20 {dimension_numbers = #tpu.dot_dimension_numbers<[1], [0], [0], [1], [0, 0, 1, 1], [], []>, transpose_lhs_hint = false} : vector<1024x128xf32>, vector<128x128xf32>, vector<1024x128xf32> -> vector<1024x128xf32>
    %add3A_22 = vector.broadcast %select_n3A : vector<1x128xf32> to vector<1024x128xf32>
    %add3A_23 = arith.addf %dot_general3A_21, %add3A_22 : vector<1024x128xf32>
    %reduce_max3A = arith.constant dense<0xFF800000> : vector<1024xf32>
    %reduce_max3A_24 = vector.multi_reduction <maximumf>, %add3A_23, %reduce_max3A [1] : vector<1024x128xf32> to vector<1024xf32>
    %broadcast_in_dim3A_25 = vector.shape_cast %reduce_max3A_24 : vector<1024xf32> to vector<1024x1xf32>
    %sub3A = vector.broadcast %broadcast_in_dim3A_25 : vector<1024x1xf32> to vector<1024x128xf32>
    %sub3A_26 = arith.subf %add3A_23, %sub3A : vector<1024x128xf32>
    %exp3A = math.exp %sub3A_26 : vector<1024x128xf32>
    %reduce_sum3A = arith.constant dense<0.000000e+00> : vector<1024xf32>
    %reduce_sum3A_27 = vector.multi_reduction <add>, %exp3A, %reduce_sum3A [1] : vector<1024x128xf32> to vector<1024xf32>
    %broadcast_in_dim3A_28 = vector.shape_cast %reduce_sum3A_27 : vector<1024xf32> to vector<1024x1xf32>
    %div3A = vector.broadcast %broadcast_in_dim3A_28 : vector<1024x1xf32> to vector<1024x128xf32>
    %div3A_29 = arith.divf %exp3A, %div3A : vector<1024x128xf32>
    %get3A_30 = arith.constant 0 : index
    %get3A_31 = arith.constant 0 : index
    %get3A_32 = vector.load %arg5[%get3A_30, %get3A_31] : memref<128x128xf32, #tpu.memory_space<vmem>>, vector<128x128xf32>
    %dot_general3A_33 = arith.constant dense<0.000000e+00> : vector<1024x128xf32>
    %dot_general3A_34 = tpu.matmul %div3A_29, %get3A_32, %dot_general3A_33 {dimension_numbers = #tpu.dot_dimension_numbers<[1], [0], [0], [1], [0, 0, 1, 1], [], []>, transpose_lhs_hint = false} : vector<1024x128xf32>, vector<128x128xf32>, vector<1024x128xf32> -> vector<1024x128xf32>
    %mul3A = arith.mulf %dot_general3A_34, %add3A : vector<1024x128xf32>
    %get3A_35 = arith.constant 0 : index
    %get3A_36 = arith.constant 0 : index
    %get3A_37 = vector.load %arg6[%get3A_35, %get3A_36] : memref<128x1024xf32, #tpu.memory_space<vmem>>, vector<128x1024xf32>
    %dot_general3A_38 = arith.constant dense<0.000000e+00> : vector<1024x1024xf32>
    %dot_general3A_39 = tpu.matmul %mul3A, %get3A_37, %dot_general3A_38 {dimension_numbers = #tpu.dot_dimension_numbers<[1], [0], [0], [1], [0, 0, 1, 1], [], []>, transpose_lhs_hint = false} : vector<1024x128xf32>, vector<128x1024xf32>, vector<1024x1024xf32> -> vector<1024x1024xf32>
    %get3A_40 = arith.constant 0 : index
    %get3A_41 = arith.constant 0 : index
    %get3A_42 = vector.load %arg2[%get3A_40, %get3A_41] : memref<1024x256xf32, #tpu.memory_space<vmem>>, vector<1024x256xf32>
    %slice3A = vector.extract_strided_slice %dot_general3A_39 {offsets = [0, 0], sizes = [1024, 256], strides = [1, 1]} : vector<1024x1024xf32> to vector<1024x256xf32>
    %add3A_43 = arith.addf %get3A_42, %slice3A : vector<1024x256xf32>
    %mul3A_44 = arith.mulf %add3A_43, %add3A_43 : vector<1024x256xf32>
    %reduce_sum3A_45 = arith.constant dense<0.000000e+00> : vector<1024xf32>
    %reduce_sum3A_46 = vector.multi_reduction <add>, %mul3A_44, %reduce_sum3A_45 [1] : vector<1024x256xf32> to vector<1024xf32>
    %broadcast_in_dim3A_47 = vector.shape_cast %reduce_sum3A_46 : vector<1024xf32> to vector<1024x1xf32>
    %sqrt3A = math.sqrt %broadcast_in_dim3A_47 : vector<1024x1xf32>
    %max3A = arith.constant 9.99999996E-13 : f32
    %max3A_48 = vector.broadcast %max3A : f32 to vector<1024x1xf32>
    %max3A_49 = arith.maximumf %sqrt3A, %max3A_48 : vector<1024x1xf32>
    %div3A_50 = arith.constant 1.000000e+00 : f32
    %div3A_51 = vector.broadcast %div3A_50 : f32 to vector<1024x1xf32>
    %div3A_52 = arith.divf %div3A_51, %max3A_49 : vector<1024x1xf32>
    %mul3A_53 = vector.broadcast %div3A_52 : vector<1024x1xf32> to vector<1024x256xf32>
    %mul3A_54 = arith.mulf %add3A_43, %mul3A_53 : vector<1024x256xf32>
    %swap3A = arith.constant 0 : index
    %swap3A_55 = arith.constant 0 : index
    %swap3A_56 = arith.constant 0 : index
    %swap3A_57 = vector.load %arg7[%swap3A, %swap3A_55, %swap3A_56] : memref<1024x4x256xf32, #tpu.memory_space<vmem>>, vector<1024x1x256xf32>
    %swap3A_58 = vector.shape_cast %swap3A_57 : vector<1024x1x256xf32> to vector<1024x256xf32>
    %swap3A_59 = vector.shape_cast %mul3A_54 : vector<1024x256xf32> to vector<1024x1x256xf32>
    tpu.vector_store %arg7[%swap3A, %swap3A_55, %swap3A_56], %swap3A_59 {strides = array<i32>} : memref<1024x4x256xf32, #tpu.memory_space<vmem>>, vector<1024x1x256xf32>,
    %get3A_60 = arith.constant 0 : index
    %get3A_61 = arith.constant 0 : index
    %get3A_62 = vector.load %arg2[%get3A_60, %get3A_61] : memref<1024x256xf32, #tpu.memory_space<vmem>>, vector<1024x256xf32>
    %slice3A_63 = vector.extract_strided_slice %dot_general3A_39 {offsets = [0, 256], sizes = [1024, 256], strides = [1, 1]} : vector<1024x1024xf32> to vector<1024x256xf32>
    %add3A_64 = arith.addf %get3A_62, %slice3A_63 : vector<1024x256xf32>
    %mul3A_65 = arith.mulf %add3A_64, %add3A_64 : vector<1024x256xf32>
    %reduce_sum3A_66 = arith.constant dense<0.000000e+00> : vector<1024xf32>
    %reduce_sum3A_67 = vector.multi_reduction <add>, %mul3A_65, %reduce_sum3A_66 [1] : vector<1024x256xf32> to vector<1024xf32>
    %broadcast_in_dim3A_68 = vector.shape_cast %reduce_sum3A_67 : vector<1024xf32> to vector<1024x1xf32>
    %sqrt3A_69 = math.sqrt %broadcast_in_dim3A_68 : vector<1024x1xf32>
    %max3A_70 = arith.constant 9.99999996E-13 : f32
    %max3A_71 = vector.broadcast %max3A_70 : f32 to vector<1024x1xf32>
    %max3A_72 = arith.maximumf %sqrt3A_69, %max3A_71 : vector<1024x1xf32>
    %div3A_73 = arith.constant 1.000000e+00 : f32
    %div3A_74 = vector.broadcast %div3A_73 : f32 to vector<1024x1xf32>
    %div3A_75 = arith.divf %div3A_74, %max3A_72 : vector<1024x1xf32>
    %mul3A_76 = vector.broadcast %div3A_75 : vector<1024x1xf32> to vector<1024x256xf32>
    %mul3A_77 = arith.mulf %add3A_64, %mul3A_76 : vector<1024x256xf32>
    %swap3A_78 = arith.constant 0 : index
    %swap3A_79 = arith.constant 1 : index
    %swap3A_80 = arith.constant 0 : index
    %swap3A_81 = vector.load %arg7[%swap3A_78, %swap3A_79, %swap3A_80] : memref<1024x4x256xf32, #tpu.memory_space<vmem>>, vector<1024x1x256xf32>
    %swap3A_82 = vector.shape_cast %swap3A_81 : vector<1024x1x256xf32> to vector<1024x256xf32>
    %swap3A_83 = vector.shape_cast %mul3A_77 : vector<1024x256xf32> to vector<1024x1x256xf32>
    tpu.vector_store %arg7[%swap3A_78, %swap3A_79, %swap3A_80], %swap3A_83 {strides = array<i32>} : memref<1024x4x256xf32, #tpu.memory_space<vmem>>, vector<1024x1x256xf32>,
    %get3A_84 = arith.constant 0 : index
    %get3A_85 = arith.constant 0 : index
    %get3A_86 = vector.load %arg2[%get3A_84, %get3A_85] : memref<1024x256xf32, #tpu.memory_space<vmem>>, vector<1024x256xf32>
    %slice3A_87 = vector.extract_strided_slice %dot_general3A_39 {offsets = [0, 512], sizes = [1024, 256], strides = [1, 1]} : vector<1024x1024xf32> to vector<1024x256xf32>
    %add3A_88 = arith.addf %get3A_86, %slice3A_87 : vector<1024x256xf32>
    %mul3A_89 = arith.mulf %add3A_88, %add3A_88 : vector<1024x256xf32>
    %reduce_sum3A_90 = arith.constant dense<0.000000e+00> : vector<1024xf32>
    %reduce_sum3A_91 = vector.multi_reduction <add>, %mul3A_89, %reduce_sum3A_90 [1] : vector<1024x256xf32> to vector<1024xf32>
    %broadcast_in_dim3A_92 = vector.shape_cast %reduce_sum3A_91 : vector<1024xf32> to vector<1024x1xf32>
    %sqrt3A_93 = math.sqrt %broadcast_in_dim3A_92 : vector<1024x1xf32>
    %max3A_94 = arith.constant 9.99999996E-13 : f32
    %max3A_95 = vector.broadcast %max3A_94 : f32 to vector<1024x1xf32>
    %max3A_96 = arith.maximumf %sqrt3A_93, %max3A_95 : vector<1024x1xf32>
    %div3A_97 = arith.constant 1.000000e+00 : f32
    %div3A_98 = vector.broadcast %div3A_97 : f32 to vector<1024x1xf32>
    %div3A_99 = arith.divf %div3A_98, %max3A_96 : vector<1024x1xf32>
    %mul3A_100 = vector.broadcast %div3A_99 : vector<1024x1xf32> to vector<1024x256xf32>
    %mul3A_101 = arith.mulf %add3A_88, %mul3A_100 : vector<1024x256xf32>
    %swap3A_102 = arith.constant 0 : index
    %swap3A_103 = arith.constant 2 : index
    %swap3A_104 = arith.constant 0 : index
    %swap3A_105 = vector.load %arg7[%swap3A_102, %swap3A_103, %swap3A_104] : memref<1024x4x256xf32, #tpu.memory_space<vmem>>, vector<1024x1x256xf32>
    %swap3A_106 = vector.shape_cast %swap3A_105 : vector<1024x1x256xf32> to vector<1024x256xf32>
    %swap3A_107 = vector.shape_cast %mul3A_101 : vector<1024x256xf32> to vector<1024x1x256xf32>
    tpu.vector_store %arg7[%swap3A_102, %swap3A_103, %swap3A_104], %swap3A_107 {strides = array<i32>} : memref<1024x4x256xf32, #tpu.memory_space<vmem>>, vector<1024x1x256xf32>,
    %get3A_108 = arith.constant 0 : index
    %get3A_109 = arith.constant 0 : index
    %get3A_110 = vector.load %arg2[%get3A_108, %get3A_109] : memref<1024x256xf32, #tpu.memory_space<vmem>>, vector<1024x256xf32>
    %slice3A_111 = vector.extract_strided_slice %dot_general3A_39 {offsets = [0, 768], sizes = [1024, 256], strides = [1, 1]} : vector<1024x1024xf32> to vector<1024x256xf32>
    %add3A_112 = arith.addf %get3A_110, %slice3A_111 : vector<1024x256xf32>
    %mul3A_113 = arith.mulf %add3A_112, %add3A_112 : vector<1024x256xf32>
    %reduce_sum3A_114 = arith.constant dense<0.000000e+00> : vector<1024xf32>
    %reduce_sum3A_115 = vector.multi_reduction <add>, %mul3A_113, %reduce_sum3A_114 [1] : vector<1024x256xf32> to vector<1024xf32>
    %broadcast_in_dim3A_116 = vector.shape_cast %reduce_sum3A_115 : vector<1024xf32> to vector<1024x1xf32>
    %sqrt3A_117 = math.sqrt %broadcast_in_dim3A_116 : vector<1024x1xf32>
    %max3A_118 = arith.constant 9.99999996E-13 : f32
    %max3A_119 = vector.broadcast %max3A_118 : f32 to vector<1024x1xf32>
    %max3A_120 = arith.maximumf %sqrt3A_117, %max3A_119 : vector<1024x1xf32>
    %div3A_121 = arith.constant 1.000000e+00 : f32
    %div3A_122 = vector.broadcast %div3A_121 : f32 to vector<1024x1xf32>
    %div3A_123 = arith.divf %div3A_122, %max3A_120 : vector<1024x1xf32>
    %mul3A_124 = vector.broadcast %div3A_123 : vector<1024x1xf32> to vector<1024x256xf32>
    %mul3A_125 = arith.mulf %add3A_112, %mul3A_124 : vector<1024x256xf32>
    %swap3A_126 = arith.constant 0 : index
    %swap3A_127 = arith.constant 3 : index
    %swap3A_128 = arith.constant 0 : index
    %swap3A_129 = vector.load %arg7[%swap3A_126, %swap3A_127, %swap3A_128] : memref<1024x4x256xf32, #tpu.memory_space<vmem>>, vector<1024x1x256xf32>
    %swap3A_130 = vector.shape_cast %swap3A_129 : vector<1024x1x256xf32> to vector<1024x256xf32>
    %swap3A_131 = vector.shape_cast %mul3A_125 : vector<1024x256xf32> to vector<1024x1x256xf32>
    tpu.vector_store %arg7[%swap3A_126, %swap3A_127, %swap3A_128], %swap3A_131 {strides = array<i32>} : memref<1024x4x256xf32, #tpu.memory_space<vmem>>, vector<1024x1x256xf32>,
    return
  }
  func.func @transform_0(%arg0: i32) -> (i32, i32, i32) {
    %c0_i32 = arith.constant 0 : i32
    %c0_i32_0 = arith.constant 0 : i32
    %c0_i32_1 = arith.constant 0 : i32
    return %c0_i32, %arg0, %c0_i32_0 : i32, i32, i32
  }
  func.func @transform_1(%arg0: i32) -> (i32, i32) {
    %c0_i32 = arith.constant 0 : i32
    %c0_i32_0 = arith.constant 0 : i32
    return %arg0, %c0_i32 : i32, i32
  }
  func.func @transform_2(%arg0: i32) -> (i32, i32) {
    %c0_i32 = arith.constant 0 : i32
    %c0_i32_0 = arith.constant 0 : i32
    %c0_i32_1 = arith.constant 0 : i32
    return %c0_i32, %c0_i32_0 : i32, i32
  }
  func.func @transform_3(%arg0: i32) -> (i32, i32) {
    %c0_i32 = arith.constant 0 : i32
    %c0_i32_0 = arith.constant 0 : i32
    %c0_i32_1 = arith.constant 0 : i32
    return %c0_i32, %c0_i32_0 : i32, i32
  }
  func.func @transform_4(%arg0: i32) -> (i32, i32) {
    %c0_i32 = arith.constant 0 : i32
    %c0_i32_0 = arith.constant 0 : i32
    %c0_i32_1 = arith.constant 0 : i32
    return %c0_i32, %c0_i32_0 : i32, i32
  }
  func.func @transform_5(%arg0: i32) -> (i32, i32) {
    %c0_i32 = arith.constant 0 : i32
    %c0_i32_0 = arith.constant 0 : i32
    %c0_i32_1 = arith.constant 0 : i32
    return %c0_i32, %c0_i32_0 : i32, i32
  }
  func.func @transform_6(%arg0: i32) -> (i32, i32, i32) {
    %c0_i32 = arith.constant 0 : i32
    %c0_i32_0 = arith.constant 0 : i32
    %c0_i32_1 = arith.constant 0 : i32
    return %arg0, %c0_i32, %c0_i32_0 : i32, i32, i32
  }
}

</mosaic_0001>

<sc_bundles>
// kernel: kernel.5.cloned.1.call-start
scs
__scs_entry_jumppad:
0x0: {  	(pc) =	sbr.rel $0x88, $3  }
0x1: {  	(tag) =	ssettag $0x0;
	lr =	simm.s32 $0x1  }
0x2: {  	[smem:$0x3F98] =	sst lr;
	_ =	strace $0xD0000000  }
0x3: {  	_ = 	snop  }
0x4: {  	_ = 	snop  }
0x5: {  	_ = 	snop  }
0x6: {  	_ = 	snop  }
0x7: {  	_ = 	snop  }
__scs_overlays_trampoline_lowered:
0x8: {  	[smem:$0x3FA7] =	sst s0  }
0x9: {  	[smem:$0x3FA8] =	sst s1  }
0xa: {  	[smem:$0x3FA9] =	sst s2  }
0xb: {  	[smem:$0x3FAA] =	sst s3  }
0xc: {  	[smem:$0x3FAB] =	sst s4  }
0xd: {  	[smem:$0x3FAC] =	sst s5  }
0xe: {  	[smem:$0x3FAD] =	sst s6  }
0xf: {  	[smem:$0x3FAE] =	sst s7  }
0x10: {  	[smem:$0x3FAF] =	sst s8  }
0x11: {  	[smem:$0x3FB0] =	sst s9;
	s0 =	simm.s32 @!p0 $0x0  }
0x12: {  	s1 =	sld [smem:$0x3F96];
	s0 =	simm.s32 @p0 $0x1  }
0x13: {  	[smem:$0x3FB1] =	sst s0;
	s0 =	simm.s32 @!p1 $0x0  }
0x14: {  	s2 =	sld [smem:$0x3F95];
	s0 =	simm.s32 @p1 $0x1  }
0x15: {  	[smem:$0x3FB2] =	sst s0;
	s0 =	simm.s32 @!p2 $0x0  }
0x16: {  	s3 =	sld [smem:$0x3FDB];
	s0 =	simm.s32 @p2 $0x1  }
0x17: {  	s4 =	simm.s32 $0x1BF5;
	[smem:$0x3FB4] =	sst s0  }
0x18: {  	s0 =	sld [smem:$0x3F97];
	_ =	swait.ge [sflag:s4], $0x0  }
0x19: {  	s7 =	sld [smem:$0x3F98]  }
0x1a: {  	s8 =	sadd.s32 $0xFFFFE003, lr  }
0x1b: {  	s9 =	sadd.s32 $0xFFFFFEF7, lr;
	s5 =	simm.s32 $0xFFFFFFFF;
	p2 =	slt.u32 s8, $0xFFFFF086  }
0x1c: {  	p1 =	slt.u32 s9, $0xF7A;
	s5 =	simm.s32 @!p2 $0x0  }
0x1d: {  	s5 =	simm.s32 @p1 $0x1;
	p0 =	seq.s32 s7, s2  }
0x1e: {  	s7 =	smul.u32 @!p0 $0xF7A, s2;
	p2 =	seq.s32 @!p0 s5, $0x0  }
0x1f: {  	s9 =	smul.u32 $0xF7A, s1;
	s8 =	simm.s32 @!p0 $0x1BF5;
	p2 =	por !p2, p0  }
0x20: {  	[sflag:s8] =	ssyncset.s32 @!p0 $0xFFFFF086;
	s6 =	sadd.s32 @!p0 s3, s7;
	s7 =	simm.s32 @!p0 $0x108  }
0x21: {  	s3 =	sadd.s32 s3, s9;
	s6 =	sadd.s32 @!p0 $0x88, s6;
	s7 =	simm.s32 @p2 $0x1082  }
0x22: {  	[simem:s7], [sflag:s8] =	dma.local @!p0 [hbm:s6], $0xF7A  }
0x23: {  	s9 =	sor.u32 $0xD0000000, s2;
	s6 =	simm.s32 $0x108;
	_ =	swait.ge @!p0 [sflag:s8], $0x0  }
0x24: {  	s3 =	sadd.s32 $0x88, s3;
	s6 =	simm.s32 @!p1 $0x1082;
	[sflag:s4] =	ssyncset.s32 $0xFFFFF086  }
0x25: {  	[simem:s6], [sflag:s4] =	dma.local [hbm:s3], $0xF7A  }
0x26: {  	[smem:$0x3F98] =	sst s1;
	(tag) =	ssettag s2;
	_ =	strace s9  }
0x27: {  	s1 =	sld [smem:$0x3FA8]  }
0x28: {  	s2 =	sld [smem:$0x3FA9]  }
0x29: {  	s4 =	sld [smem:$0x3FAB]  }
0x2a: {  	p0 =	seq.s32 s5, $0x0;
	s5 =	sld [smem:$0x3FAC]  }
0x2b: {  	s6 =	sld [smem:$0x3FAD]  }
0x2c: {  	s7 =	sld [smem:$0x3FAE]  }
0x2d: {  	s3 =	simm.s32 $0x108;
	s8 =	sld [smem:$0x3FAF]  }
0x2e: {  	s3 =	simm.s32 @!p0 $0x1082;
	s9 =	sld [smem:$0x3FB0]  }
0x2f: {  	lr =	sadd.s32 s0, s3;
	s0 =	sld [smem:$0x3FA7]  }
0x30: {  	s3 =	sld [smem:$0x3FAA]  }
0x31: {  	[smem:$0x3FB3] =	sst s10  }
0x32: {  	s10 =	sld [smem:$0x3FB1];
	_ =	sdelay $0x3  }
0x33: {  	p0 =	seq.s32 s10, $0x1;
	s10 =	sld [smem:$0x3FB3];
	_ =	sdelay $0x3  }
0x34: {  	[smem:$0x3FB3] =	sst s10  }
0x35: {  	s10 =	sld [smem:$0x3FB2];
	_ =	sdelay $0x3  }
0x36: {  	p1 =	seq.s32 s10, $0x1;
	s10 =	sld [smem:$0x3FB3];
	_ =	sdelay $0x3  }
0x37: {  	[smem:$0x3FB3] =	sst s10  }
0x38: {  	s10 =	sld [smem:$0x3FB4]  }
0x39: {  	_ = 	snop;
	(pc) =	sbr.ind lr, $3  }
0x3a: {  	_ = 	snop  }
0x3b: {  	_ = 	snop  }
0x3c: {  	p2 =	seq.s32 s10, $0x1;
	s10 =	sld [smem:$0x3FB3]  }
0x3d: {  	_ =	shalt  }
0x3e: {  	_ =	shalt  }
0x3f: {  	_ =	shalt  }
0x40: {  	_ =	shalt  }
0x41: {  	_ =	shalt  }
0x42: {  	_ =	shalt  }
0x43: {  	_ =	shalt  }
0x44: {  	_ =	shalt  }
0x45: {  	_ =	shalt  }
0x46: {  	_ =	shalt  }
0x47: {  	_ =	shalt  }
0x48: {  	_ =	shalt  }
0x49: {  	_ =	shalt  }
0x4a: {  	_ =	shalt  }
0x4b: {  	_ =	shalt  }
0x4c: {  	_ =	shalt  }
0x4d: {  	_ =	shalt  }
0x4e: {  	_ =	shalt  }
0x4f: {  	_ =	shalt  }
0x50: {  	_ =	shalt  }
0x51: {  	_ =	shalt  }
0x52: {  	_ =	shalt  }
0x53: {  	_ =	shalt  }
0x54: {  	_ =	shalt  }
0x55: {  	_ =	shalt  }
0x56: {  	_ =	shalt  }
0x57: {  	_ =	shalt  }
0x58: {  	_ =	shalt  }
0x59: {  	_ =	shalt  }
0x5a: {  	_ =	shalt  }
0x5b: {  	_ =	shalt  }
0x5c: {  	_ =	shalt  }
0x5d: {  	_ =	shalt  }
0x5e: {  	_ =	shalt  }
0x5f: {  	_ =	shalt  }
0x60: {  	_ =	shalt  }
0x61: {  	_ =	shalt  }
0x62: {  	_ =	shalt  }
0x63: {  	_ =	shalt  }
0x64: {  	_ =	shalt  }
0x65: {  	_ =	shalt  }
0x66: {  	_ =	shalt  }
0x67: {  	_ =	shalt  }
0x68: {  	_ =	shalt  }
0x69: {  	_ =	shalt  }
0x6a: {  	_ =	shalt  }
0x6b: {  	_ =	shalt  }
0x6c: {  	_ =	shalt  }
0x6d: {  	_ =	shalt  }
0x6e: {  	_ =	shalt  }
0x6f: {  	_ =	shalt  }
0x70: {  	_ =	shalt  }
0x71: {  	_ =	shalt  }
0x72: {  	_ =	shalt  }
0x73: {  	_ =	shalt  }
0x74: {  	_ =	shalt  }
0x75: {  	_ =	shalt  }
0x76: {  	_ =	shalt  }
0x77: {  	_ =	shalt  }
0x78: {  	_ =	shalt  }
0x79: {  	_ =	shalt  }
0x7a: {  	_ =	shalt  }
0x7b: {  	_ =	shalt  }
0x7c: {  	_ =	shalt  }
0x7d: {  	_ =	shalt  }
0x7e: {  	_ =	shalt  }
0x7f: {  	_ =	shalt  }
0x80: {  	_ =	shalt  }
0x81: {  	_ =	shalt  }
0x82: {  	_ =	shalt  }
0x83: {  	_ =	shalt  }
0x84: {  	_ =	shalt  }
0x85: {  	_ =	shalt  }
0x86: {  	_ =	shalt  }
0x87: {  	_ =	shalt  }
.Lfunc_end0:
.L_simem_size_0:
called_computation_lowered:
.L_overlay_start_0:
0x88: {  	s2 =	sld [smem:$0x3FD9]  }
0x89: {  	s3 =	sld [smem:$0x3FFE];
	_ =	sdelay $0x1  }
0x8a: {  	s1 =	srdreg.scid  }
0x8b: {  	s0 =	sand.u32 $0x1, s1  }
0x8c: {  	s17 =	sshll.u32 s0, $0xA;
	s2 =	sadd.s32 s3, s2  }
0x8d: {  	s2 =	sadd.s32 s2, s17  }
0x8e: {  	[smem:$0x3FBF] =	sst s2  }
0x8f: {  	_ = 	snop  }
0x90: {  	s2 =	sld [smem:$0x3FC9];
	(tm) =	ssettm $0x1  }
0x91: {  	s18 =	sld [smem:$0x3FFB];
	_ =	sdelay $0x3  }
0x92: {  	_ =	strace s18  }
0x93: {  	s3 =	sld [smem:$0x3FFC];
	_ =	sdelay $0x3  }
0x94: {  	_ =	strace s3  }
0x95: {  	s3 =	sld [smem:$0x3FFD];
	_ =	sdelay $0x3  }
0x96: {  	_ =	strace s3  }
0x97: {  	_ =	strace $0x8FFFFFFF  }
0x98: {  	s19 =	sld [smem:$0x3FDB];
	_ =	sdelay $0x1  }
0x99: {  	s4 =	simm.s32 $_scs_section_size  }
0x9a: {  	s5 =	simm.s32 $_size__tile_overlayer_lowered;
	s6 =	simm.s32 $_tile_overlayer_lowered  }
0x9b: {  	s22 =	simm.s32 $0x1BFF;
	s21 =	sshll.u32 s6, $0x1;
	s3 =	sadd.s32 s4, s19  }
0x9c: {  	s7 =	simm.s32 $0x0;
	s20 =	sshll.u32 s5, $0x1;
	s5 =	sadd.s32 s21, s3  }
0x9d: {  	[timem:s7], [sflag:s22] =	dma.local [hbm:s5], s20  }
0x9e: {  	_ =	swait.ge [sflag:s22], s20  }
0x9f: {  	s4 =	ssub.s32 $0x0, s20;
	[sflag:s22] =	ssyncset.done $0x0  }
0xa0: {  	[sflag:s22] =	ssyncadd.s32 s4;
	_ =	sdelay $0x1  }
0xa1: {  	s23 =	simm.s32 $0x1B8B  }
0xa2: {  	_ =	swait.ge [sflag:s23], $0x1  }
0xa3: {  	[sflag:s23] =	ssyncset.done $0x0  }
0xa4: {  	s25 =	simm.s32 $0x1B8E;
	s24 =	sld [smem:$0x3FFE];
	[sflag:s23] =	ssyncadd.s32 $0xFFFFFFFF  }
0xa5: {  	s26 =	simm.s32 $execute0_lowered;
	[smem:$0x3FD2] =	sst s25  }
0xa6: {  	s5 =	sshll.u32 s26, $0x1;
	_ =	strace $0x80000046;
	[dreg:$0x1] =	wrdreg $0xFFFFFFFF  }
0xa7: {  	s28 =	simm.s32 $_size_execute0_lowered;
	s3 =	sadd.s32 s3, s5;
	[dreg:$0x0] =	wrdreg $0x0  }
0xa8: {  	s5 =	sshll.u32 s28, $0x1;
	[dreg:$0x2] =	wrdreg s3  }
0xa9: {  	[dreg:$0x3] =	wrdreg s5  }
0xaa: {  	[dreg:$0x4] =	wrdreg $0xC0  }
0xab: {  	_ =	task [dreg:s7], $0x5FFFF  }
0xac: {  	[dreg:$0x1] =	wrdreg $0xFFFFFFFF  }
0xad: {  	[dreg:$0x0] =	wrdreg $0x60  }
0xae: {  	[dreg:$0x2] =	wrdreg s2  }
0xaf: {  	[dreg:$0x3] =	wrdreg s24  }
0xb0: {  	[dreg:$0x4] =	wrdreg $0x4A000  }
0xb1: {  	[dreg:$0x5] =	wrdreg $0x56380  }
0xb2: {  	[dreg:$0x6] =	wrdreg $0x9  }
0xb3: {  	_ =	task.clear_ibuf [dreg:s7], $0x7FFFF;
	_ =	strace $0x90000046  }
0xb4: {  	s29 =	simm.s32 $0x9;
	_ =	strace $0x80000048  }
0xb5: {  	_ =	swait.ge [sflag:s29], $0x1  }
0xb6: {  	[sflag:s29] =	ssyncadd.s32 $0xFFFFFFFF  }
0xb7: {  	_ =	strace $0x90000048  }
0xb8: {  	_ =	sfence  }
0xb9: {  	s30 =	sld [smem:$0x0];
	_ =	sdelay $0x2  }
0xba: {  	s31 =	sshll.u32 s1, $0xD;
	s1 =	sshrl.u32 s1, $0x2  }
0xbb: {  	s3 =	sand.u32 $0x4000, s31;
	s1 =	sadd.s32 s1, s30  }
0xbc: {  	s0 =	sor.u32 s3, s0;
	s1 =	sshll.u32 s1, $0x11  }
0xbd: {  	s0 =	sor.u32 s1, s0  }
0xbe: {  	s0 =	sadd.s32 $0x8F2B, s0  }
0xbf: {  	[sflag:s0] =	ssyncadd.remote.s32 $0x1  }
0xc0: {  	_ =	sfence.sel $0xFFFF  }
0xc1: {  	[dreg:$0x0] =	wrdreg $0xFFFFFFFF;
	(pc) =	sbr.abs _section_cstart, $3  }
0xc2: {  	[dreg:$0x1] =	wrdreg $0xFFFFFFFF  }
0xc3: {  	_ =	task.clear_ibuf [dreg:s7], $0x2FFFF;
	_ =	strace $0x9FFFFFFF  }
0xc4: {  	(tm) =	ssettm $0x7FFFFFFF  }
0xc5: {  	_ =	shalt  }
tec
execute0_lowered:
.L_overlay_start_1:
0x0: {  	(tag) =	ssettag $0x1  }
0x1: {  	s0 =	rddreg [dreg:$0x1]  }
0x2: {  	s2 =	rddreg [dreg:$0x2]  }
0x3: {  	s3 =	rddreg [dreg:$0x3];
	s4 =	simm.s32 $0x0;
	s1 =	srdreg.scid  }
0x4: {  	s11 =	stileid.u32;
	s28 =	simm.s32 $0x2;
	s29 =	simm.s32 $0x200  }
0x5: {  	s30 =	simm.s32 $0x80;
	s31 =	simm.s32 $0x400;
	[smem:$0x7FF] =	sst s4  }
0x6: {  	s1 =	sand.u32 $0x1, s1;
	s5 =	sshll.u32 s11, $0x10;
	s7 =	sshll.u32 s11, $0xC  }
0x7: {  	s17 =	sshrl.u32 s11, $0x2;
	p0 =	sne.s32 s11, $0x0;
	s11 =	simm.s32 $0x680  }
0x8: {  	_ =	strace $0x80000047;
	s6 =	sshll.u32 s1, $0x14;
	s22 =	sadd.s32 s5, s3  }
0x9: {  	s6 =	sor.u32 s5, s6;
	s5 =	sadd.s32 $0x1000, s22;
	[dreg:$0x6] =	wrdreg s22  }
0xa: {  	s8 =	ssub.s32 $0x2, s1;
	s26 =	sadd.s32 $0x2000, s22;
	[dreg:$0x7] =	wrdreg s5  }
0xb: {  	s9 =	sadd.s32 s7, s0;
	s7 =	sadd.s32 $0x3000, s22;
	[dreg:$0x8] =	wrdreg s26  }
0xc: {  	s1 =	sshll.u32 s1, $0xB;
	s12 =	sadd.s32 $0x5000, s22;
	[dreg:$0x9] =	wrdreg s7  }
0xd: {  	v0 =	vmov s17;
	s17 =	simm.s32 $0x1;
	s13 =	sadd.s32 $0x6000, s22;
	[dreg:$0xb] =	wrdreg s12  }
0xe: {  	s10 =	sshrl.u32 s8, $0x1;
	s14 =	sadd.s32 $0x7000, s22;
	[dreg:$0xc] =	wrdreg s13  }
0xf: {  	s15 =	sadd.s32 $0x8000, s22;
	s16 =	sadd.s32 $0x9000, s22;
	[dreg:$0xd] =	wrdreg s14  }
0x10: {  	s18 =	sadd.s32 $0xA000, s22;
	s19 =	sadd.s32 $0xB000, s22;
	[dreg:$0xe] =	wrdreg s15  }
0x11: {  	s1 =	sadd.s32 s1, s9;
	s20 =	sadd.s32 $0xC000, s22;
	[dreg:$0xf] =	wrdreg s16  }
0x12: {  	s21 =	sadd.s32 $0xD000, s22;
	s24 =	sadd.s32 $0xE000, s22;
	[dreg:$0x10] =	wrdreg s18  }
0x13: {  	s9 =	simm.s32 $0x580;
	s25 =	sshrl.u32 s6, $0x3;
	[dreg:$0x11] =	wrdreg s19  }
0x14: {  	s6 =	sadd.s32 $0x61C400, s0;
	s8 =	ssub.s32 s8, s10;
	[dreg:$0x12] =	wrdreg s20  }
0x15: {  	s10 =	sadd.s32 $0x4000, s22;
	[dreg:$0x13] =	wrdreg s21;
	s23 =	sadd.s32 $0x1C00, s1  }
0x16: {  	[dreg:$0x14] =	wrdreg s24;
	s24 =	sadd.s32 $0x11C00, s1;
	s26 =	sadd.s32 $0xF000, s22  }
0x17: {  	s1 =	simm.s32 $0x100;
	s5 =	simm.s32 $0x500;
	s12 =	simm.s32 $0x1A00  }
0x18: {  	s13 =	simm.s32 $0x700;
	s14 =	simm.s32 $0x2A00;
	s15 =	simm.s32 $0x780  }
0x19: {  	s16 =	simm.s32 $0x3A00;
	s18 =	simm.s32 $0x800;
	s19 =	simm.s32 $0x880  }
0x1a: {  	s20 =	simm.s32 $0x900;
	s21 =	simm.s32 $0x980;
	[dreg:$0xa] =	wrdreg s10  }
0x1b: {  	s0 =	sadd.s32 s25, s0;
	[dreg:$0x5] =	wrdreg s23;
	s25 =	smax.u32 s8, $0x1  }
0x1c: {  	[dreg:$0x17] =	wrdreg s26;
	s26 =	simm.s32 $0xA00;
	s8 =	simm.s32 $0x180  }
0x1d: {  	s10 =	simm.s32 $0x600;
	s0 =	sadd.s32 $0x21C00, s0;
	[dreg:$0x16] =	wrdreg s25  }
0x1e: {  	v1 =	vlaneseq.u32;
	v2 =	vimm.s32 $0x0;
	v3 =	vimm.f32 $0.0e+00;
	s23 =	simm.s32 $0x0;
	[dreg:$0x15] =	wrdreg s0;
	s0 =	simm.s32 $0x480  }
.LBB2_1:
0x1f: {  	v4 =	vor.u32 s4, v1  }
0x20: {  	v5 =	vmov s4;
	v6 =	vand.u32 $0x1F, v4  }
0x21: {  	vm0 =	veq.s32 v5, v1;
	vm1 =	vne.s32 v6, $0x0  }
0x22: {  	vm0 =	vmand vm0, vm1  }
0x23: {  	v5 =	vsel vm0, $0xFFFFFFFF, v2  }
0x24: {  	[dreg:$0x18] =	wrdreg s23;
	s23 =	simm.s32 $0x10;
	v5 =	vshll.u32 v5, $0x5  }
0x25: {  	s25 =	sshrl.u32 @!p0 s2, $0x3;
	s7 =	simm.s32 @!p0 $0x1C02;
	s22 =	rddreg [dreg:$0x0];
	v4 =	vor.u32 s23, v1;
	v5 =	vadd.s32 s4, v5  }
0x26: {  	[spmem:s25], [sflag:s7] =	dma.local @!p0 [hbm:s22], $0x186A;
	v7 =	vmov s23;
	v4 =	vand.u32 $0x1F, v4;
	v5 =	vand.u32 $0xFFFFFFE0, v5  }
0x27: {  	s7 =	simm.s32 @!p0 $0x2;
	vm14 =	veq.s32 v7, v1;
	vm15 =	vne.s32 v4, $0x0;
	v5 =	vor.u32 v6, v5  }
0x28: {  	_ =	swait.ge @!p0 [sflag:s7], $0x186A;
	vm0 =	vmand vm14, vm15  }
0x29: {  	[sflag:s7] =	ssyncset.done @!p0 $0x0;
	v7 =	vsel vm0, $0xFFFFFFFF, v2  }
0x2a: {  	s25 =	simm.s32 $0x20;
	[sflag:s7] =	ssyncadd.s32 @!p0 $0xFFFFE796;
	v6 =	vshll.u32 v7, $0x5  }
.LBB2_2:
0x2b: {  	v7 =	vor.u32 s25, v1;
	p1 =	sne.s32 s25, $0xFF0;
	v6 =	vadd.s32 s23, v6;
	s23 =	smov.u32 s25;
	s25 =	sadd.s32 $0x10, s25  }
.Ltmp0:
0x2c: {  	v8 =	vmov s23;
	v7 =	vand.u32 $0x1F, v7;
	v6 =	vand.u32 $0xFFFFFFE0, v6;
	[tilespmem:v5+s26+$0x0] =	vst.idx.msk $0xffff, v3;
	(pc) =	sbr.rel @p1 .LBB2_2-.Ltmp0, $4  }
0x2d: {  	vm0 =	veq.s32 v8, v1;
	vm1 =	vne.s32 v7, $0x0;
	v5 =	vor.u32 v4, v6;
	v4 =	vmovc v7  }
0x2e: {  	vm0 =	vmand vm0, vm1  }
0x2f: {  	v6 =	vsel vm0, $0xFFFFFFFF, v2  }
0x30: {  	v6 =	vshll.u32 v6, $0x5  }
0x31: {  	v6 =	vadd.s32 s23, v6  }
0x32: {  	v6 =	vand.u32 $0xFFFFFFE0, v6  }
0x33: {  	v4 =	vor.u32 v4, v6;
	_ =	sdelay $0x3  }
0x34: {  	[tilespmem:v5+s26+$0x0] =	vst.idx.msk $0xffff, v3  }
0x35: {  	s22 =	rddreg [dreg:$0x6];
	[tilespmem:v4+s26+$0x0] =	vst.idx.msk $0xffff, v3  }
0x36: {  	[spmem:s22] =	stream.linear.scatter [tilespmem:s26], [sflag:$0x2], $0x1000, $0x38;
	[tilespmem:$0x15638] =	vst v63  }
0x37: {  	_ =	swait.ge [sflag:s28], $0x1000  }
0x38: {  	[sflag:s28] =	ssyncset.done $0x0  }
0x39: {  	s7 =	rddreg [dreg:$0x7];
	[sflag:s28] =	ssyncadd.s32 $0xFFFFF000  }
0x3a: {  	[spmem:s7] =	stream.linear.scatter [tilespmem:s26], [sflag:$0x2], $0x1000, $0x38;
	[tilespmem:$0x15638] =	vst v63  }
0x3b: {  	_ =	swait.ge [sflag:s28], $0x1000  }
0x3c: {  	[sflag:s28] =	ssyncset.done $0x0  }
0x3d: {  	s23 =	rddreg [dreg:$0x8];
	[sflag:s28] =	ssyncadd.s32 $0xFFFFF000  }
0x3e: {  	[spmem:s23] =	stream.linear.scatter [tilespmem:s26], [sflag:$0x2], $0x1000, $0x38;
	[tilespmem:$0x15638] =	vst v63  }
0x3f: {  	_ =	swait.ge [sflag:s28], $0x1000  }
0x40: {  	[sflag:s28] =	ssyncset.done $0x0  }
0x41: {  	s25 =	rddreg [dreg:$0x9];
	[sflag:s28] =	ssyncadd.s32 $0xFFFFF000  }
0x42: {  	[spmem:s25] =	stream.linear.scatter [tilespmem:s26], [sflag:$0x2], $0x1000, $0x38;
	[tilespmem:$0x15638] =	vst v63  }
0x43: {  	_ =	swait.ge [sflag:s28], $0x1000  }
0x44: {  	[sflag:s28] =	ssyncset.done $0x0  }
0x45: {  	s23 =	rddreg [dreg:$0xa];
	[sflag:s28] =	ssyncadd.s32 $0xFFFFF000  }
0x46: {  	[spmem:s23] =	stream.linear.scatter [tilespmem:s26], [sflag:$0x2], $0x1000, $0x38;
	[tilespmem:$0x15638] =	vst v63  }
0x47: {  	_ =	swait.ge [sflag:s28], $0x1000  }
0x48: {  	[sflag:s28] =	ssyncset.done $0x0  }
0x49: {  	s25 =	rddreg [dreg:$0xb];
	[sflag:s28] =	ssyncadd.s32 $0xFFFFF000  }
0x4a: {  	[spmem:s25] =	stream.linear.scatter [tilespmem:s26], [sflag:$0x2], $0x1000, $0x38;
	[tilespmem:$0x15638] =	vst v63  }
0x4b: {  	_ =	swait.ge [sflag:s28], $0x1000  }
0x4c: {  	[sflag:s28] =	ssyncset.done $0x0  }
0x4d: {  	s23 =	rddreg [dreg:$0xc];
	[sflag:s28] =	ssyncadd.s32 $0xFFFFF000  }
0x4e: {  	[spmem:s23] =	stream.linear.scatter [tilespmem:s26], [sflag:$0x2], $0x1000, $0x38;
	[tilespmem:$0x15638] =	vst v63  }
0x4f: {  	_ =	swait.ge [sflag:s28], $0x1000  }
0x50: {  	[sflag:s28] =	ssyncset.done $0x0  }
0x51: {  	s25 =	rddreg [dreg:$0xd];
	[sflag:s28] =	ssyncadd.s32 $0xFFFFF000  }
0x52: {  	[spmem:s25] =	stream.linear.scatter [tilespmem:s26], [sflag:$0x2], $0x1000, $0x38;
	[tilespmem:$0x15638] =	vst v63  }
0x53: {  	_ =	swait.ge [sflag:s28], $0x1000  }
0x54: {  	[sflag:s28] =	ssyncset.done $0x0  }
0x55: {  	s23 =	rddreg [dreg:$0xe];
	[sflag:s28] =	ssyncadd.s32 $0xFFFFF000  }
0x56: {  	[spmem:s23] =	stream.linear.scatter [tilespmem:s26], [sflag:$0x2], $0x1000, $0x38;
	[tilespmem:$0x15638] =	vst v63  }
0x57: {  	_ =	swait.ge [sflag:s28], $0x1000  }
0x58: {  	[sflag:s28] =	ssyncset.done $0x0  }
0x59: {  	s25 =	rddreg [dreg:$0xf];
	[sflag:s28] =	ssyncadd.s32 $0xFFFFF000  }
0x5a: {  	[spmem:s25] =	stream.linear.scatter [tilespmem:s26], [sflag:$0x2], $0x1000, $0x38;
	[tilespmem:$0x15638] =	vst v63  }
0x5b: {  	_ =	swait.ge [sflag:s28], $0x1000  }
0x5c: {  	[sflag:s28] =	ssyncset.done $0x0  }
0x5d: {  	s23 =	rddreg [dreg:$0x10];
	[sflag:s28] =	ssyncadd.s32 $0xFFFFF000  }
0x5e: {  	[spmem:s23] =	stream.linear.scatter [tilespmem:s26], [sflag:$0x2], $0x1000, $0x38;
	[tilespmem:$0x15638] =	vst v63  }
0x5f: {  	_ =	swait.ge [sflag:s28], $0x1000  }
0x60: {  	[sflag:s28] =	ssyncset.done $0x0  }
0x61: {  	s25 =	rddreg [dreg:$0x11];
	[sflag:s28] =	ssyncadd.s32 $0xFFFFF000  }
0x62: {  	[spmem:s25] =	stream.linear.scatter [tilespmem:s26], [sflag:$0x2], $0x1000, $0x38;
	[tilespmem:$0x15638] =	vst v63  }
0x63: {  	_ =	swait.ge [sflag:s28], $0x1000  }
0x64: {  	[sflag:s28] =	ssyncset.done $0x0  }
0x65: {  	s23 =	rddreg [dreg:$0x12];
	[sflag:s28] =	ssyncadd.s32 $0xFFFFF000  }
0x66: {  	[spmem:s23] =	stream.linear.scatter [tilespmem:s26], [sflag:$0x2], $0x1000, $0x38;
	[tilespmem:$0x15638] =	vst v63  }
0x67: {  	_ =	swait.ge [sflag:s28], $0x1000  }
0x68: {  	[sflag:s28] =	ssyncset.done $0x0  }
0x69: {  	s25 =	rddreg [dreg:$0x13];
	[sflag:s28] =	ssyncadd.s32 $0xFFFFF000  }
0x6a: {  	[spmem:s25] =	stream.linear.scatter [tilespmem:s26], [sflag:$0x2], $0x1000, $0x38;
	[tilespmem:$0x15638] =	vst v63  }
0x6b: {  	_ =	swait.ge [sflag:s28], $0x1000  }
0x6c: {  	[sflag:s28] =	ssyncset.done $0x0  }
0x6d: {  	s23 =	rddreg [dreg:$0x14];
	[sflag:s28] =	ssyncadd.s32 $0xFFFFF000  }
0x6e: {  	[spmem:s23] =	stream.linear.scatter [tilespmem:s26], [sflag:$0x2], $0x1000, $0x38;
	[tilespmem:$0x15638] =	vst v63  }
0x6f: {  	_ =	swait.ge [sflag:s28], $0x1000  }
0x70: {  	[sflag:s28] =	ssyncset.done $0x0  }
0x71: {  	s25 =	rddreg [dreg:$0x17];
	[sflag:s28] =	ssyncadd.s32 $0xFFFFF000  }
0x72: {  	[spmem:s25] =	stream.linear.scatter [tilespmem:s26], [sflag:$0x2], $0x1000, $0x38;
	[tilespmem:$0x15638] =	vst v63  }
0x73: {  	_ =	swait.ge [sflag:s28], $0x1000  }
0x74: {  	[sflag:s28] =	ssyncset.done $0x0  }
0x75: {  	[sflag:s28] =	ssyncadd.s32 $0xFFFFF000  }
0x76: {  	s23 =	simm.s32 $0x0;
	[bflag:$0x0] =	sbarrier.arrive $0xFFFF  }
.LBB2_4:
0x77: {  	s7 =	sadd.s32 s23, s24  }
0x78: {  	[tilespmem:s4], [sflag:$0x2] =	stream.linear.gather [hbm4b:s7+s4], $0x200, $0x38;
	[tilespmem:$0x15638] =	vst v63  }
0x79: {  	_ =	swait.ge [sflag:s28], $0x200  }
0x7a: {  	s25 =	rddreg [dreg:$0x5];
	[sflag:s28] =	ssyncset.done $0x0  }
0x7b: {  	[sflag:s28] =	ssyncadd.s32 $0xFFFFFE00;
	s7 =	sadd.s32 s23, s25  }
0x7c: {  	[tilespmem:s29], [sflag:$0x2] =	stream.linear.gather [hbm4b:s7+s4], $0x200, $0x38;
	[tilespmem:$0x15638] =	vst v63  }
0x7d: {  	_ =	swait.ge [sflag:s28], $0x200  }
0x7e: {  	[sflag:s28] =	ssyncset.done $0x0  }
0x7f: {  	[sflag:s28] =	ssyncadd.s32 $0xFFFFFE00  }
0x80: {  	[tilespmem:s31], [sflag:$0x2] =	stream.indirect.gather [spmem:s2], $0x1, s4, s30, $0xb8;
	[tilespmem:$0x15638] =	vst v63  }
0x81: {  	_ =	swait.ge [sflag:s28], $0x80  }
0x82: {  	[sflag:s28] =	ssyncset.done $0x0  }
0x83: {  	[sflag:s28] =	ssyncadd.s32 $0xFFFFFF80  }
0x84: {  	[tilespmem:s0], [sflag:$0x2] =	stream.indirect.gather [spmem:s2], $0x1, s30, s30, $0xb8;
	[tilespmem:$0x15638] =	vst v63  }
0x85: {  	_ =	swait.ge [sflag:s28], $0x80  }
0x86: {  	[sflag:s28] =	ssyncset.done $0x0  }
0x87: {  	[sflag:s28] =	ssyncadd.s32 $0xFFFFFF80  }
0x88: {  	[tilespmem:s5], [sflag:$0x2] =	stream.indirect.gather [spmem:s2], $0x1, s1, s30, $0xb8;
	[tilespmem:$0x15638] =	vst v63  }
0x89: {  	_ =	swait.ge [sflag:s28], $0x80  }
0x8a: {  	[sflag:s28] =	ssyncset.done $0x0  }
0x8b: {  	[sflag:s28] =	ssyncadd.s32 $0xFFFFFF80  }
0x8c: {  	[tilespmem:s9], [sflag:$0x2] =	stream.indirect.gather [spmem:s2], $0x1, s8, s30, $0xb8;
	[tilespmem:$0x15638] =	vst v63  }
0x8d: {  	_ =	swait.ge [sflag:s28], $0x80  }
0x8e: {  	[sflag:s28] =	ssyncset.done $0x0  }
0x8f: {  	[sflag:s28] =	ssyncadd.s32 $0xFFFFFF80  }
0x90: {  	v4 =	vld [tilespmem:$0x400]  }
0x91: {  	v5 =	vld [tilespmem:$0x200]  }
0x92: {  	v6 =	vld [tilespmem:$0x410]  }
0x93: {  	v7 =	vld [tilespmem:$0x210]  }
0x94: {  	v8 =	vld [tilespmem:$0x420]  }
0x95: {  	v9 =	vld [tilespmem:$0x220];
	v4 =	vshll.u32 v4, $0x2  }
0x96: {  	v10 =	vld [tilespmem:$0x430];
	v5 =	vshll.u32 v5, $0x2;
	v4 =	vor.u32 v0, v4  }
0x97: {  	v59 =	vld [tilespmem:$0x230];
	[tilespmem:$0x600] =	vst v4;
	v4 =	vor.u32 v0, v5;
	v5 =	vshll.u32 v6, $0x2  }
0x98: {  	v60 =	vld [tilespmem:$0x440];
	[tilespmem:$0x800] =	vst v4;
	v4 =	vor.u32 v0, v5;
	v5 =	vshll.u32 v7, $0x2  }
0x99: {  	v61 =	vld [tilespmem:$0x240];
	[tilespmem:$0x610] =	vst v4;
	v4 =	vor.u32 v0, v5;
	v5 =	vshll.u32 v8, $0x2  }
0x9a: {  	v62 =	vld [tilespmem:$0x450];
	[tilespmem:$0x810] =	vst v4;
	v4 =	vor.u32 v0, v5;
	v5 =	vshll.u32 v9, $0x2  }
0x9b: {  	v63 =	vld [tilespmem:$0x250];
	[tilespmem:$0x620] =	vst v4;
	v4 =	vor.u32 v0, v5;
	v5 =	vshll.u32 v10, $0x2  }
0x9c: {  	v12 =	vld [tilespmem:$0x460];
	[tilespmem:$0x820] =	vst v4;
	v4 =	vor.u32 v0, v5;
	v5 =	vshll.u32 v59, $0x2  }
0x9d: {  	v13 =	vld [tilespmem:$0x260];
	[tilespmem:$0x630] =	vst v4;
	v4 =	vor.u32 v0, v5;
	v5 =	vshll.u32 v60, $0x2  }
0x9e: {  	v14 =	vld [tilespmem:$0x470];
	[tilespmem:$0x830] =	vst v4;
	v4 =	vor.u32 v0, v5;
	v5 =	vshll.u32 v61, $0x2  }
0x9f: {  	v15 =	vld [tilespmem:$0x270];
	[tilespmem:$0x640] =	vst v4;
	v4 =	vor.u32 v0, v5;
	v5 =	vshll.u32 v62, $0x2  }
0xa0: {  	v16 =	vld [tilespmem:$0x480];
	[tilespmem:$0x840] =	vst v4;
	v4 =	vor.u32 v0, v5;
	v5 =	vshll.u32 v63, $0x2  }
0xa1: {  	v17 =	vld [tilespmem:$0x280];
	[tilespmem:$0x650] =	vst v4;
	v4 =	vor.u32 v0, v5;
	v5 =	vshll.u32 v12, $0x2  }
0xa2: {  	v18 =	vld [tilespmem:$0x490];
	[tilespmem:$0x850] =	vst v4;
	v4 =	vor.u32 v0, v5;
	v5 =	vshll.u32 v13, $0x2  }
0xa3: {  	v19 =	vld [tilespmem:$0x290];
	[tilespmem:$0x660] =	vst v4;
	v4 =	vor.u32 v0, v5;
	v5 =	vshll.u32 v14, $0x2  }
0xa4: {  	v20 =	vld [tilespmem:$0x4A0];
	[tilespmem:$0x860] =	vst v4;
	v4 =	vor.u32 v0, v5;
	v5 =	vshll.u32 v15, $0x2  }
0xa5: {  	v21 =	vld [tilespmem:$0x2A0];
	[tilespmem:$0x670] =	vst v4;
	v4 =	vor.u32 v0, v5;
	v5 =	vshll.u32 v16, $0x2  }
0xa6: {  	v22 =	vld [tilespmem:$0x4B0];
	[tilespmem:$0x870] =	vst v4;
	v4 =	vor.u32 v0, v5;
	v5 =	vshll.u32 v17, $0x2  }
0xa7: {  	v23 =	vld [tilespmem:$0x2B0];
	[tilespmem:$0x680] =	vst v4;
	v4 =	vor.u32 v0, v5;
	v5 =	vshll.u32 v18, $0x2  }
0xa8: {  	v24 =	vld [tilespmem:$0x4C0];
	[tilespmem:$0x880] =	vst v4;
	v4 =	vor.u32 v0, v5;
	v5 =	vshll.u32 v19, $0x2  }
0xa9: {  	v25 =	vld [tilespmem:$0x2C0];
	[tilespmem:$0x690] =	vst v4;
	v4 =	vor.u32 v0, v5;
	v5 =	vshll.u32 v20, $0x2  }
0xaa: {  	v26 =	vld [tilespmem:$0x4D0];
	[tilespmem:$0x890] =	vst v4;
	v4 =	vor.u32 v0, v5;
	v5 =	vshll.u32 v21, $0x2  }
0xab: {  	v27 =	vld [tilespmem:$0x2D0];
	[tilespmem:$0x6A0] =	vst v4;
	v4 =	vor.u32 v0, v5;
	v5 =	vshll.u32 v22, $0x2  }
0xac: {  	v28 =	vld [tilespmem:$0x4E0];
	[tilespmem:$0x8A0] =	vst v4;
	v4 =	vor.u32 v0, v5;
	v5 =	vshll.u32 v23, $0x2  }
0xad: {  	v29 =	vld [tilespmem:$0x2E0];
	[tilespmem:$0x6B0] =	vst v4;
	v4 =	vor.u32 v0, v5;
	v5 =	vshll.u32 v24, $0x2  }
0xae: {  	v30 =	vld [tilespmem:$0x4F0];
	[tilespmem:$0x8B0] =	vst v4;
	v4 =	vor.u32 v0, v5;
	v5 =	vshll.u32 v25, $0x2  }
0xaf: {  	v31 =	vld [tilespmem:$0x2F0];
	[tilespmem:$0x6C0] =	vst v4;
	v4 =	vor.u32 v0, v5;
	v5 =	vshll.u32 v26, $0x2  }
0xb0: {  	v32 =	vld [tilespmem:$0x500];
	[tilespmem:$0x8C0] =	vst v4;
	v4 =	vor.u32 v0, v5;
	v5 =	vshll.u32 v27, $0x2  }
0xb1: {  	v33 =	vld [tilespmem:$0x300];
	[tilespmem:$0x6D0] =	vst v4;
	v4 =	vor.u32 v0, v5;
	v5 =	vshll.u32 v28, $0x2  }
0xb2: {  	v34 =	vld [tilespmem:$0x510];
	[tilespmem:$0x8D0] =	vst v4;
	v4 =	vor.u32 v0, v5;
	v5 =	vshll.u32 v29, $0x2  }
0xb3: {  	v35 =	vld [tilespmem:$0x310];
	[tilespmem:$0x6E0] =	vst v4;
	v4 =	vor.u32 v0, v5;
	v5 =	vshll.u32 v30, $0x2  }
0xb4: {  	v36 =	vld [tilespmem:$0x520];
	[tilespmem:$0x8E0] =	vst v4;
	v4 =	vor.u32 v0, v5;
	v5 =	vshll.u32 v31, $0x2  }
0xb5: {  	v37 =	vld [tilespmem:$0x320];
	[tilespmem:$0x6F0] =	vst v4;
	v4 =	vor.u32 v0, v5;
	v5 =	vshll.u32 v32, $0x2  }
0xb6: {  	v38 =	vld [tilespmem:$0x530];
	[tilespmem:$0x8F0] =	vst v4;
	v4 =	vor.u32 v0, v5;
	v5 =	vshll.u32 v33, $0x2  }
0xb7: {  	v39 =	vld [tilespmem:$0x330];
	[tilespmem:$0x700] =	vst v4;
	v4 =	vor.u32 v0, v5;
	v5 =	vshll.u32 v34, $0x2  }
0xb8: {  	v40 =	vld [tilespmem:$0x540];
	[tilespmem:$0x900] =	vst v4;
	v4 =	vor.u32 v0, v5;
	v5 =	vshll.u32 v35, $0x2  }
0xb9: {  	v41 =	vld [tilespmem:$0x340];
	[tilespmem:$0x710] =	vst v4;
	v4 =	vor.u32 v0, v5;
	v5 =	vshll.u32 v36, $0x2  }
0xba: {  	v42 =	vld [tilespmem:$0x550];
	[tilespmem:$0x910] =	vst v4;
	v4 =	vor.u32 v0, v5;
	v5 =	vshll.u32 v37, $0x2  }
0xbb: {  	v43 =	vld [tilespmem:$0x350];
	[tilespmem:$0x720] =	vst v4;
	v4 =	vor.u32 v0, v5;
	v5 =	vshll.u32 v38, $0x2  }
0xbc: {  	v44 =	vld [tilespmem:$0x560];
	[tilespmem:$0x920] =	vst v4;
	v4 =	vor.u32 v0, v5;
	v5 =	vshll.u32 v39, $0x2  }
0xbd: {  	v45 =	vld [tilespmem:$0x360];
	[tilespmem:$0x730] =	vst v4;
	v4 =	vor.u32 v0, v5;
	v5 =	vshll.u32 v40, $0x2  }
0xbe: {  	v46 =	vld [tilespmem:$0x570];
	[tilespmem:$0x930] =	vst v4;
	v4 =	vor.u32 v0, v5;
	v5 =	vshll.u32 v41, $0x2  }
0xbf: {  	v47 =	vld [tilespmem:$0x370];
	[tilespmem:$0x740] =	vst v4;
	v4 =	vor.u32 v0, v5;
	v5 =	vshll.u32 v42, $0x2  }
0xc0: {  	v48 =	vld [tilespmem:$0x580];
	[tilespmem:$0x940] =	vst v4;
	v4 =	vor.u32 v0, v5;
	v5 =	vshll.u32 v43, $0x2  }
0xc1: {  	v49 =	vld [tilespmem:$0x380];
	[tilespmem:$0x750] =	vst v4;
	v4 =	vor.u32 v0, v5;
	v5 =	vshll.u32 v44, $0x2  }
0xc2: {  	v50 =	vld [tilespmem:$0x590];
	[tilespmem:$0x950] =	vst v4;
	v4 =	vor.u32 v0, v5;
	v5 =	vshll.u32 v45, $0x2  }
0xc3: {  	v51 =	vld [tilespmem:$0x390];
	[tilespmem:$0x760] =	vst v4;
	v4 =	vor.u32 v0, v5;
	v5 =	vshll.u32 v46, $0x2  }
0xc4: {  	v52 =	vld [tilespmem:$0x5A0];
	[tilespmem:$0x960] =	vst v4;
	v4 =	vor.u32 v0, v5;
	v5 =	vshll.u32 v47, $0x2  }
0xc5: {  	v53 =	vld [tilespmem:$0x3A0];
	[tilespmem:$0x770] =	vst v4;
	v4 =	vor.u32 v0, v5;
	v5 =	vshll.u32 v48, $0x2  }
0xc6: {  	v54 =	vld [tilespmem:$0x5B0];
	[tilespmem:$0x970] =	vst v4;
	v4 =	vor.u32 v0, v5;
	v5 =	vshll.u32 v49, $0x2  }
0xc7: {  	v55 =	vld [tilespmem:$0x3B0];
	[tilespmem:$0x780] =	vst v4;
	v4 =	vor.u32 v0, v5;
	v5 =	vshll.u32 v50, $0x2  }
0xc8: {  	v56 =	vld [tilespmem:$0x5C0];
	[tilespmem:$0x980] =	vst v4;
	v4 =	vor.u32 v0, v5;
	v5 =	vshll.u32 v51, $0x2  }
0xc9: {  	v57 =	vld [tilespmem:$0x3C0];
	[tilespmem:$0x790] =	vst v4;
	v4 =	vor.u32 v0, v5;
	v5 =	vshll.u32 v52, $0x2  }
0xca: {  	v58 =	vld [tilespmem:$0x5D0];
	[tilespmem:$0x990] =	vst v4;
	v4 =	vor.u32 v0, v5;
	v5 =	vshll.u32 v53, $0x2  }
0xcb: {  	v59 =	vld [tilespmem:$0x3D0];
	[tilespmem:$0x7A0] =	vst v4;
	v4 =	vor.u32 v0, v5;
	v5 =	vshll.u32 v54, $0x2  }
0xcc: {  	v60 =	vld [tilespmem:$0x5E0];
	[tilespmem:$0x9A0] =	vst v4;
	v4 =	vor.u32 v0, v5;
	v5 =	vshll.u32 v55, $0x2  }
0xcd: {  	v61 =	vld [tilespmem:$0x3E0];
	[tilespmem:$0x7B0] =	vst v4;
	v4 =	vor.u32 v0, v5;
	v5 =	vshll.u32 v56, $0x2  }
0xce: {  	v62 =	vld [tilespmem:$0x5F0];
	[tilespmem:$0x9B0] =	vst v4;
	v4 =	vor.u32 v0, v5;
	v5 =	vshll.u32 v57, $0x2  }
0xcf: {  	v63 =	vld [tilespmem:$0x3F0];
	[tilespmem:$0x7C0] =	vst v4;
	v4 =	vor.u32 v0, v5;
	v5 =	vshll.u32 v58, $0x2  }
0xd0: {  	[tilespmem:$0x9C0] =	vst v4;
	v4 =	vor.u32 v0, v5;
	v5 =	vshll.u32 v59, $0x2  }
0xd1: {  	[tilespmem:$0x7D0] =	vst v4;
	v4 =	vor.u32 v0, v5;
	v5 =	vshll.u32 v60, $0x2  }
0xd2: {  	[tilespmem:$0x9D0] =	vst v4;
	v4 =	vor.u32 v0, v5;
	v5 =	vshll.u32 v61, $0x2  }
0xd3: {  	[tilespmem:$0x7E0] =	vst v4;
	v4 =	vor.u32 v0, v5;
	v5 =	vshll.u32 v62, $0x2  }
0xd4: {  	[tilespmem:$0x9E0] =	vst v4;
	v4 =	vor.u32 v0, v5;
	v5 =	vshll.u32 v63, $0x2  }
0xd5: {  	[tilespmem:$0x7F0] =	vst v4;
	v4 =	vor.u32 v0, v5  }
0xd6: {  	[tilespmem:$0x9F0] =	vst v4  }
0xd7: {  	[tilespmem:s26], [sflag:$0x1] =	stream.indirect.gather [hbm4b:s6+s30], $0x20, s10, s30, $0xb8;
	[tilespmem:$0x15638] =	vst v63  }
0xd8: {  	_ = 	snop  }
0xd9: {  	[tilespmem:s12], [sflag:$0x1] =	stream.indirect.gather [hbm4b:s6+s30], $0x20, s11, s30, $0xb8;
	[tilespmem:$0x15638] =	vst v63  }
0xda: {  	_ = 	snop  }
0xdb: {  	[tilespmem:s14], [sflag:$0x1] =	stream.indirect.gather [hbm4b:s6+s30], $0x20, s13, s30, $0xb8;
	[tilespmem:$0x15638] =	vst v63  }
0xdc: {  	_ = 	snop  }
0xdd: {  	[tilespmem:s16], [sflag:$0x1] =	stream.indirect.gather [hbm4b:s6+s30], $0x20, s15, s30, $0xb8;
	[tilespmem:$0x15638] =	vst v63  }
0xde: {  	_ =	swait.ge [sflag:s17], $0x1000  }
0xdf: {  	[sflag:s17] =	ssyncset.done $0x0  }
0xe0: {  	[sflag:s17] =	ssyncadd.s32 $0xFFFFF000  }
0xe1: {  	_ =	swait.ge [sflag:s17], $0x1000  }
0xe2: {  	[sflag:s17] =	ssyncset.done $0x0  }
0xe3: {  	[sflag:s17] =	ssyncadd.s32 $0xFFFFF000  }
0xe4: {  	_ =	swait.ge [sflag:s17], $0x1000  }
0xe5: {  	[sflag:s17] =	ssyncset.done $0x0  }
0xe6: {  	[sflag:s17] =	ssyncadd.s32 $0xFFFFF000  }
0xe7: {  	_ =	swait.ge [sflag:s17], $0x1000  }
0xe8: {  	[sflag:s17] =	ssyncset.done $0x0  }
0xe9: {  	[sflag:s17] =	ssyncadd.s32 $0xFFFFF000  }
0xea: {  	[spmem:s3] =	stream.indirect.scatter.add.f32 [tilespmem:s26], [sflag:$0x2], $0x20, s18, s30, $0xb8;
	[tilespmem:$0x15638] =	vst v63  }
0xeb: {  	_ =	swait.ge [sflag:s28], $0x1000  }
0xec: {  	[sflag:s28] =	ssyncset.done $0x0  }
0xed: {  	[sflag:s28] =	ssyncadd.s32 $0xFFFFF000  }
0xee: {  	[spmem:s3] =	stream.indirect.scatter.add.f32 [tilespmem:s12], [sflag:$0x2], $0x20, s19, s30, $0xb8;
	[tilespmem:$0x15638] =	vst v63  }
0xef: {  	_ =	swait.ge [sflag:s28], $0x1000  }
0xf0: {  	[sflag:s28] =	ssyncset.done $0x0  }
0xf1: {  	[sflag:s28] =	ssyncadd.s32 $0xFFFFF000  }
0xf2: {  	[spmem:s3] =	stream.indirect.scatter.add.f32 [tilespmem:s14], [sflag:$0x2], $0x20, s20, s30, $0xb8;
	[tilespmem:$0x15638] =	vst v63  }
0xf3: {  	_ =	swait.ge [sflag:s28], $0x1000  }
0xf4: {  	p1 =	sne.s32 s23, $0x7C0;
	[sflag:s28] =	ssyncset.done $0x0  }
.Ltmp1:
0xf5: {  	[sflag:s28] =	ssyncadd.s32 $0xFFFFF000;
	(pc) =	sbr.rel @p1 .LBB2_4-.Ltmp1, $4  }
0xf6: {  	[spmem:s3] =	stream.indirect.scatter.add.f32 [tilespmem:s16], [sflag:$0x2], $0x20, s21, s30, $0xb8;
	[tilespmem:$0x15638] =	vst v63  }
0xf7: {  	_ =	swait.ge [sflag:s28], $0x1000  }
0xf8: {  	[sflag:s28] =	ssyncset.done $0x0  }
0xf9: {  	s23 =	sadd.s32 $0x40, s23;
	[sflag:s28] =	ssyncadd.s32 $0xFFFFF000  }
0xfa: {  	s7 =	stileid.u32  }
0xfb: {  	[bflag:$0x0] =	sbarrier.arrive $0xFFFF;
	s7 =	sshll.u32 s7, $0x6  }
0xfc: {  	s23 =	sshrl.u32 s22, $0x3;
	s25 =	rddreg [dreg:$0x15];
	s7 =	sor.u32 $0x1C02, s7  }
0xfd: {  	[hbm:s25], [sflag:s7] =	dma.local [spmem:s23], $0x2000  }
0xfe: {  	_ =	swait.ge [sflag:s28], $0x2000  }
0xff: {  	s22 =	rddreg [dreg:$0x18]  }
0x100: {  	s25 =	rddreg [dreg:$0x16];
	s23 =	sadd.s32 $0x1, s22  }
0x101: {  	p1 =	sne.s32 s23, s25  }
.Ltmp2:
0x102: {  	_ = 	snop;
	(pc) =	sbr.rel @p1 .LBB2_1-.Ltmp2, $3  }
0x103: {  	_ =	sdelay $0x1  }
0x104: {  	[sflag:s28] =	ssyncset.done $0x0  }
0x105: {  	[sflag:s28] =	ssyncadd.s32 $0xFFFFE000  }
0x106: {  	_ =	sfence.sel $0x180000  }
0x107: {  	[bflag:$0x0] =	sbarrier.arrive $0xFFFF  }
0x108: {  	_ =	strace $0x90000047  }
0x109: {  	[bflag:$0x2] =	sbarrier.arrive $0xFFFF  }
0x10a: {  	s0 =	rddreg [dreg:$0x4]  }
0x10b: {  	s0 =	sadd.s32 @!p0 $0x100000, s0  }
0x10c: {  	[sflag:s0] =	ssyncadd.tile.s32 @!p0 $0x1;
	_ =	shalt  }
.Lfunc_end2:
_tile_overlayer_lowered:
.L_overlay_start_2:
0x10d: {  	(tag) =	ssettag $0x2  }
0x10e: {  	s0 =	rddreg [dreg:$0x0];
	s2 =	stileid.u32  }
0x10f: {  	s1 =	rddreg [dreg:$0x1];
	p0 =	sne.s32 s2, $0x0  }
0x110: {  	s3 =	rddreg [dreg:$0x2];
	[bflag:$0x3] =	sbarrier.arrive $0xFFFF;
	s2 =	simm.s32 @!p0 $0x1C02  }
0x111: {  	[timem:s3], [sflag:s2] =	dma.local @!p0 [hbm:s0], s1  }
0x112: {  	s0 =	simm.s32 @!p0 $0x2  }
0x113: {  	_ =	swait.ge @!p0 [sflag:s0], s1  }
0x114: {  	s1 =	ssub.s32 @!p0 $0x0, s1;
	[sflag:s0] =	ssyncset.done @!p0 $0x0  }
0x115: {  	[sflag:s0] =	ssyncadd.s32 @!p0 s1  }
0x116: {  	[bflag:$0x3] =	sbarrier.arrive $0xFFFF  }
0x117: {  	_ =	shalt  }

// kernel: kernel.8.cloned.1.call-start
scs
__scs_entry_jumppad:
0x0: {  	(pc) =	sbr.rel $0x88, $3  }
0x1: {  	(tag) =	ssettag $0x0;
	lr =	simm.s32 $0x1  }
0x2: {  	[smem:$0x3F98] =	sst lr;
	_ =	strace $0xD0000000  }
0x3: {  	_ = 	snop  }
0x4: {  	_ = 	snop  }
0x5: {  	_ = 	snop  }
0x6: {  	_ = 	snop  }
0x7: {  	_ = 	snop  }
__scs_overlays_trampoline_lowered:
0x8: {  	[smem:$0x3FA7] =	sst s0  }
0x9: {  	[smem:$0x3FA8] =	sst s1  }
0xa: {  	[smem:$0x3FA9] =	sst s2  }
0xb: {  	[smem:$0x3FAA] =	sst s3  }
0xc: {  	[smem:$0x3FAB] =	sst s4  }
0xd: {  	[smem:$0x3FAC] =	sst s5  }
0xe: {  	[smem:$0x3FAD] =	sst s6  }
0xf: {  	[smem:$0x3FAE] =	sst s7  }
0x10: {  	[smem:$0x3FAF] =	sst s8  }
0x11: {  	[smem:$0x3FB0] =	sst s9;
	s0 =	simm.s32 @!p0 $0x0  }
0x12: {  	s1 =	sld [smem:$0x3F96];
	s0 =	simm.s32 @p0 $0x1  }
0x13: {  	[smem:$0x3FB1] =	sst s0;
	s0 =	simm.s32 @!p1 $0x0  }
0x14: {  	s2 =	sld [smem:$0x3F95];
	s0 =	simm.s32 @p1 $0x1  }
0x15: {  	[smem:$0x3FB2] =	sst s0;
	s0 =	simm.s32 @!p2 $0x0  }
0x16: {  	s3 =	sld [smem:$0x3FDB];
	s0 =	simm.s32 @p2 $0x1  }
0x17: {  	s4 =	simm.s32 $0x1BF5;
	[smem:$0x3FB4] =	sst s0  }
0x18: {  	s0 =	sld [smem:$0x3F97];
	_ =	swait.ge [sflag:s4], $0x0  }
0x19: {  	s7 =	sld [smem:$0x3F98]  }
0x1a: {  	s8 =	sadd.s32 $0xFFFFE003, lr  }
0x1b: {  	s9 =	sadd.s32 $0xFFFFFEF7, lr;
	s5 =	simm.s32 $0xFFFFFFFF;
	p2 =	slt.u32 s8, $0xFFFFF086  }
0x1c: {  	p1 =	slt.u32 s9, $0xF7A;
	s5 =	simm.s32 @!p2 $0x0  }
0x1d: {  	s5 =	simm.s32 @p1 $0x1;
	p0 =	seq.s32 s7, s2  }
0x1e: {  	s7 =	smul.u32 @!p0 $0xF7A, s2;
	p2 =	seq.s32 @!p0 s5, $0x0  }
0x1f: {  	s9 =	smul.u32 $0xF7A, s1;
	s8 =	simm.s32 @!p0 $0x1BF5;
	p2 =	por !p2, p0  }
0x20: {  	[sflag:s8] =	ssyncset.s32 @!p0 $0xFFFFF086;
	s6 =	sadd.s32 @!p0 s3, s7;
	s7 =	simm.s32 @!p0 $0x108  }
0x21: {  	s3 =	sadd.s32 s3, s9;
	s6 =	sadd.s32 @!p0 $0x88, s6;
	s7 =	simm.s32 @p2 $0x1082  }
0x22: {  	[simem:s7], [sflag:s8] =	dma.local @!p0 [hbm:s6], $0xF7A  }
0x23: {  	s9 =	sor.u32 $0xD0000000, s2;
	s6 =	simm.s32 $0x108;
	_ =	swait.ge @!p0 [sflag:s8], $0x0  }
0x24: {  	s3 =	sadd.s32 $0x88, s3;
	s6 =	simm.s32 @!p1 $0x1082;
	[sflag:s4] =	ssyncset.s32 $0xFFFFF086  }
0x25: {  	[simem:s6], [sflag:s4] =	dma.local [hbm:s3], $0xF7A  }
0x26: {  	[smem:$0x3F98] =	sst s1;
	(tag) =	ssettag s2;
	_ =	strace s9  }
0x27: {  	s1 =	sld [smem:$0x3FA8]  }
0x28: {  	s2 =	sld [smem:$0x3FA9]  }
0x29: {  	s4 =	sld [smem:$0x3FAB]  }
0x2a: {  	p0 =	seq.s32 s5, $0x0;
	s5 =	sld [smem:$0x3FAC]  }
0x2b: {  	s6 =	sld [smem:$0x3FAD]  }
0x2c: {  	s7 =	sld [smem:$0x3FAE]  }
0x2d: {  	s3 =	simm.s32 $0x108;
	s8 =	sld [smem:$0x3FAF]  }
0x2e: {  	s3 =	simm.s32 @!p0 $0x1082;
	s9 =	sld [smem:$0x3FB0]  }
0x2f: {  	lr =	sadd.s32 s0, s3;
	s0 =	sld [smem:$0x3FA7]  }
0x30: {  	s3 =	sld [smem:$0x3FAA]  }
0x31: {  	[smem:$0x3FB3] =	sst s10  }
0x32: {  	s10 =	sld [smem:$0x3FB1];
	_ =	sdelay $0x3  }
0x33: {  	p0 =	seq.s32 s10, $0x1;
	s10 =	sld [smem:$0x3FB3];
	_ =	sdelay $0x3  }
0x34: {  	[smem:$0x3FB3] =	sst s10  }
0x35: {  	s10 =	sld [smem:$0x3FB2];
	_ =	sdelay $0x3  }
0x36: {  	p1 =	seq.s32 s10, $0x1;
	s10 =	sld [smem:$0x3FB3];
	_ =	sdelay $0x3  }
0x37: {  	[smem:$0x3FB3] =	sst s10  }
0x38: {  	s10 =	sld [smem:$0x3FB4]  }
0x39: {  	_ = 	snop;
	(pc) =	sbr.ind lr, $3  }
0x3a: {  	_ = 	snop  }
0x3b: {  	_ = 	snop  }
0x3c: {  	p2 =	seq.s32 s10, $0x1;
	s10 =	sld [smem:$0x3FB3]  }
0x3d: {  	_ =	shalt  }
0x3e: {  	_ =	shalt  }
0x3f: {  	_ =	shalt  }
0x40: {  	_ =	shalt  }
0x41: {  	_ =	shalt  }
0x42: {  	_ =	shalt  }
0x43: {  	_ =	shalt  }
0x44: {  	_ =	shalt  }
0x45: {  	_ =	shalt  }
0x46: {  	_ =	shalt  }
0x47: {  	_ =	shalt  }
0x48: {  	_ =	shalt  }
0x49: {  	_ =	shalt  }
0x4a: {  	_ =	shalt  }
0x4b: {  	_ =	shalt  }
0x4c: {  	_ =	shalt  }
0x4d: {  	_ =	shalt  }
0x4e: {  	_ =	shalt  }
0x4f: {  	_ =	shalt  }
0x50: {  	_ =	shalt  }
0x51: {  	_ =	shalt  }
0x52: {  	_ =	shalt  }
0x53: {  	_ =	shalt  }
0x54: {  	_ =	shalt  }
0x55: {  	_ =	shalt  }
0x56: {  	_ =	shalt  }
0x57: {  	_ =	shalt  }
0x58: {  	_ =	shalt  }
0x59: {  	_ =	shalt  }
0x5a: {  	_ =	shalt  }
0x5b: {  	_ =	shalt  }
0x5c: {  	_ =	shalt  }
0x5d: {  	_ =	shalt  }
0x5e: {  	_ =	shalt  }
0x5f: {  	_ =	shalt  }
0x60: {  	_ =	shalt  }
0x61: {  	_ =	shalt  }
0x62: {  	_ =	shalt  }
0x63: {  	_ =	shalt  }
0x64: {  	_ =	shalt  }
0x65: {  	_ =	shalt  }
0x66: {  	_ =	shalt  }
0x67: {  	_ =	shalt  }
0x68: {  	_ =	shalt  }
0x69: {  	_ =	shalt  }
0x6a: {  	_ =	shalt  }
0x6b: {  	_ =	shalt  }
0x6c: {  	_ =	shalt  }
0x6d: {  	_ =	shalt  }
0x6e: {  	_ =	shalt  }
0x6f: {  	_ =	shalt  }
0x70: {  	_ =	shalt  }
0x71: {  	_ =	shalt  }
0x72: {  	_ =	shalt  }
0x73: {  	_ =	shalt  }
0x74: {  	_ =	shalt  }
0x75: {  	_ =	shalt  }
0x76: {  	_ =	shalt  }
0x77: {  	_ =	shalt  }
0x78: {  	_ =	shalt  }
0x79: {  	_ =	shalt  }
0x7a: {  	_ =	shalt  }
0x7b: {  	_ =	shalt  }
0x7c: {  	_ =	shalt  }
0x7d: {  	_ =	shalt  }
0x7e: {  	_ =	shalt  }
0x7f: {  	_ =	shalt  }
0x80: {  	_ =	shalt  }
0x81: {  	_ =	shalt  }
0x82: {  	_ =	shalt  }
0x83: {  	_ =	shalt  }
0x84: {  	_ =	shalt  }
0x85: {  	_ =	shalt  }
0x86: {  	_ =	shalt  }
0x87: {  	_ =	shalt  }
.Lfunc_end0:
.L_simem_size_0:
called_computation.1_lowered:
.L_overlay_start_0:
0x88: {  	s2 =	sld [smem:$0x3FD9]  }
0x89: {  	s3 =	sld [smem:$0x3FFE];
	_ =	sdelay $0x1  }
0x8a: {  	s1 =	srdreg.scid  }
0x8b: {  	s0 =	sand.u32 $0x1, s1  }
0x8c: {  	s18 =	sshll.u32 s0, $0xA;
	s2 =	sadd.s32 s3, s2  }
0x8d: {  	s2 =	sadd.s32 s2, s18  }
0x8e: {  	[smem:$0x3FBF] =	sst s2  }
0x8f: {  	_ = 	snop  }
0x90: {  	s19 =	sld [smem:$0x3FC8]  }
0x91: {  	s4 =	sld [smem:$0x3FC5]  }
0x92: {  	s5 =	sld [smem:$0x3FD0];
	(tm) =	ssettm $0x1  }
0x93: {  	s20 =	sld [smem:$0x3FFB];
	_ =	sdelay $0x3  }
0x94: {  	_ =	strace s20  }
0x95: {  	s2 =	sld [smem:$0x3FFC];
	_ =	sdelay $0x3  }
0x96: {  	_ =	strace s2  }
0x97: {  	s2 =	sld [smem:$0x3FFD];
	_ =	sdelay $0x3  }
0x98: {  	_ =	strace s2  }
0x99: {  	_ =	strace $0x8FFFFFFF  }
0x9a: {  	s21 =	sld [smem:$0x3FDB];
	_ =	sdelay $0x1  }
0x9b: {  	s6 =	simm.s32 $_scs_section_size  }
0x9c: {  	s7 =	simm.s32 $_size__tile_overlayer_lowered;
	s8 =	simm.s32 $_tile_overlayer_lowered  }
0x9d: {  	s9 =	simm.s32 $0x1BFF;
	s22 =	sshll.u32 s8, $0x1;
	s6 =	sadd.s32 s6, s21  }
0x9e: {  	s23 =	simm.s32 $0x0;
	s7 =	sshll.u32 s7, $0x1;
	s8 =	sadd.s32 s22, s6  }
0x9f: {  	[timem:s23], [sflag:s9] =	dma.local [hbm:s8], s7  }
0xa0: {  	_ =	swait.ge [sflag:s9], s7  }
0xa1: {  	s7 =	ssub.s32 $0x0, s7;
	[sflag:s9] =	ssyncset.done $0x0  }
0xa2: {  	[sflag:s9] =	ssyncadd.s32 s7;
	_ =	sdelay $0x1  }
0xa3: {  	s24 =	simm.s32 $0x1B8B  }
0xa4: {  	_ =	swait.ge [sflag:s24], $0x1  }
0xa5: {  	[sflag:s24] =	ssyncset.done $0x0  }
0xa6: {  	[sflag:s24] =	ssyncadd.s32 $0xFFFFFFFF  }
0xa7: {  	s7 =	sld [smem:$0x0]  }
0xa8: {  	s8 =	sand.u32 $0xFFFFFFFE, s1  }
0xa9: {  	p0 =	sne.s32 s1, s8  }
0xaa: {  	s8 =	sshll.u32 @p0 s8, $0xE  }
0xab: {  	s8 =	sadd.s32 @p0 $0x11B8D, s8;
	s9 =	sshll.u32 @p0 s7, $0x11  }
0xac: {  	s8 =	sor.u32 @p0 s9, s8  }
0xad: {  	[sflag:s8] =	ssyncadd.remote.s32 @p0 $0x1;
	_ =	sdelay $0x1  }
0xae: {  	s8 =	simm.s32 @p0 $0x1B8D  }
0xaf: {  	_ =	swait.eq @p0 [sflag:s8], $0x1  }
0xb0: {  	[sflag:s8] =	ssyncadd.s32 @p0 $0xFFFFFFFF  }
0xb1: {  	s9 =	sshll.u32 @!p0 s1, $0xE  }
0xb2: {  	s9 =	sor.u32 @!p0 $0x4000, s9;
	s8 =	simm.s32 @!p0 $0x1B8D  }
0xb3: {  	s7 =	sshll.u32 @!p0 s7, $0x11;
	s9 =	sadd.s32 @!p0 $0x11B8D, s9;
	_ =	swait.eq @!p0 [sflag:s8], $0x1  }
0xb4: {  	s7 =	sor.u32 @!p0 s7, s9;
	[sflag:s8] =	ssyncadd.s32 @!p0 $0xFFFFFFFF  }
0xb5: {  	s25 =	simm.s32 $0x1B8E;
	[sflag:s7] =	ssyncadd.remote.s32 @!p0 $0x1  }
0xb6: {  	s26 =	simm.s32 $execute0_lowered;
	[smem:$0x3FD2] =	sst s25  }
0xb7: {  	s7 =	sshll.u32 s26, $0x1;
	_ =	strace $0x80000049;
	[dreg:$0x1] =	wrdreg $0xFFFFFFFF  }
0xb8: {  	s28 =	simm.s32 $_size_execute0_lowered;
	s6 =	sadd.s32 s6, s7;
	[dreg:$0x0] =	wrdreg $0x0  }
0xb9: {  	s7 =	sshll.u32 s28, $0x1;
	[dreg:$0x2] =	wrdreg s6  }
0xba: {  	[dreg:$0x3] =	wrdreg s7  }
0xbb: {  	[dreg:$0x4] =	wrdreg $0xC0  }
0xbc: {  	_ =	task [dreg:s23], $0x5FFFF  }
0xbd: {  	[dreg:$0x1] =	wrdreg $0xFFFFFFFF  }
0xbe: {  	[dreg:$0x0] =	wrdreg $0x60  }
0xbf: {  	[dreg:$0x2] =	wrdreg s19  }
0xc0: {  	[dreg:$0x3] =	wrdreg s4  }
0xc1: {  	[dreg:$0x4] =	wrdreg s5  }
0xc2: {  	[dreg:$0x5] =	wrdreg $0xA  }
0xc3: {  	_ =	task.clear_ibuf [dreg:s23], $0x6FFFF;
	_ =	strace $0x90000049  }
0xc4: {  	s29 =	simm.s32 $0xA;
	_ =	strace $0x8000004B  }
0xc5: {  	_ =	swait.ge [sflag:s29], $0x1  }
0xc6: {  	[sflag:s29] =	ssyncadd.s32 $0xFFFFFFFF  }
0xc7: {  	_ =	strace $0x9000004B  }
0xc8: {  	_ =	sfence  }
0xc9: {  	s30 =	sld [smem:$0x0];
	_ =	sdelay $0x2  }
0xca: {  	s31 =	sshll.u32 s1, $0xD;
	s1 =	sshrl.u32 s1, $0x2  }
0xcb: {  	s4 =	sand.u32 $0x4000, s31;
	s1 =	sadd.s32 s1, s30  }
0xcc: {  	s0 =	sor.u32 s4, s0;
	s1 =	sshll.u32 s1, $0x11  }
0xcd: {  	s0 =	sor.u32 s1, s0  }
0xce: {  	s0 =	sadd.s32 $0x8F2B, s0  }
0xcf: {  	[sflag:s0] =	ssyncadd.remote.s32 $0x1  }
0xd0: {  	_ =	sfence.sel $0xFFFF  }
0xd1: {  	[dreg:$0x0] =	wrdreg $0xFFFFFFFF;
	(pc) =	sbr.abs _section_cstart, $3  }
0xd2: {  	[dreg:$0x1] =	wrdreg $0xFFFFFFFF  }
0xd3: {  	_ =	task.clear_ibuf [dreg:s23], $0x2FFFF;
	_ =	strace $0x9FFFFFFF  }
0xd4: {  	(tm) =	ssettm $0x7FFFFFFF  }
0xd5: {  	_ =	shalt  }
tec
execute0_lowered:
.L_overlay_start_1:
0x0: {  	(tag) =	ssettag $0x1  }
0x1: {  	s6 =	rddreg [dreg:$0x0]  }
0x2: {  	s1 =	rddreg [dreg:$0x1]  }
0x3: {  	s7 =	rddreg [dreg:$0x2]  }
0x4: {  	s0 =	rddreg [dreg:$0x3];
	s4 =	srdreg.scid  }
0x5: {  	s3 =	simm.s32 $0x0;
	s2 =	stileid.u32;
	s11 =	simm.s32 $0x880  }
0x6: {  	s12 =	simm.s32 $0x1080;
	s13 =	simm.s32 $0x1880;
	s14 =	simm.s32 $0x2080  }
0x7: {  	s15 =	simm.s32 $0x2880;
	s16 =	simm.s32 $0x3080;
	s17 =	simm.s32 $0x3880  }
0x8: {  	s18 =	simm.s32 $0x4080;
	s19 =	simm.s32 $0x4880;
	s20 =	simm.s32 $0x5080  }
0x9: {  	s21 =	simm.s32 $0x5880;
	s22 =	simm.s32 $0x6080;
	s23 =	simm.s32 $0x6880  }
0xa: {  	s24 =	simm.s32 $0x7080;
	s25 =	simm.s32 $0x7880;
	s4 =	sand.u32 $0x1, s4  }
0xb: {  	s26 =	simm.s32 $0x1;
	s8 =	sshll.u32 s2, $0x9;
	s5 =	ssub.s32 $0x2, s4  }
0xc: {  	[smem:$0x7FF] =	sst s3;
	s4 =	sshll.u32 s4, $0x8;
	s9 =	sshrl.u32 s5, $0x1  }
0xd: {  	_ =	strace $0x8000004A;
	s8 =	sor.u32 s4, s8;
	s9 =	ssub.s32 s5, s9  }
0xe: {  	s4 =	sshrl.u32 s8, $0x3;
	s31 =	sshll.u32 s8, $0x5;
	s8 =	sor.u32 $0x80, s8  }
0xf: {  	v2 =	vlaneseq.u32;
	s4 =	sadd.s32 s6, s4;
	s10 =	sshrl.u32 s8, $0x3;
	s8 =	sshll.u32 s8, $0x5  }
0x10: {  	vm0 =	vmmov $0xffff;
	v1 =	vshrl.u32 v2, $0x3;
	s5 =	sadd.s32 s7, s31;
	s6 =	sadd.s32 s6, s10;
	s7 =	sadd.s32 s7, s8  }
0x11: {  	v0 =	vand.u32 $0x7, v2;
	v2 =	vor.u32 $0x8, v2;
	v1 =	vmul.u32 $0x8, v1;
	s8 =	smax.u32 s9, $0x1;
	s9 =	simm.s32 $0x2;
	s10 =	simm.s32 $0x80  }
.LBB2_1:
0x12: {  	[tilespmem:s3], [sflag:$0x2] =	stream.linear.gather [hbm4b:s4+s3], $0x80, $0x38;
	[tilespmem:$0x8080] =	vst v63  }
0x13: {  	_ =	swait.ge [sflag:s9], $0x80  }
0x14: {  	[sflag:s9] =	ssyncset.done $0x0  }
0x15: {  	[sflag:s9] =	ssyncadd.s32 $0xFFFFFF80  }
0x16: {  	v3 =	vld [tilespmem:$0x0];
	_ =	sdelay $0x4  }
0x17: {  	v4 =	vshll.u32 v3, $0x1  }
0x18: {  	v3 =	vand.u32 $0x7, v3;
	v4 =	vand.u32 $0xFFFFFFF0, v4  }
0x19: {  	v3 =	vor.u32 v3, v4  }
0x1a: {  	v4 =	vperm.xlane v3, v0;
	_ =	sdelay $0x1  }
0x1b: {  	v3 =	vperm.xlane v3, v2;
	v4 =	vadd.s32 v1, v4;
	_ =	sdelay $0x1  }
0x1c: {  	v3 =	vadd.s32 v1, v3;
	_ =	sdelay $0x2  }
0x1d: {  	[tilespmem:s10], [sflag:$0x1] =	stream.indirect_vreg.gather [hbm4b:s1+s3], $0x80, v4, vm0, $0xb8;
	[tilespmem:$0x8080] =	vst v63  }
0x1e: {  	_ = 	snop  }
0x1f: {  	[tilespmem:s11], [sflag:$0x1] =	stream.indirect_vreg.gather [hbm4b:s1+s3], $0x80, v3, vm0, $0xb8;
	[tilespmem:$0x8080] =	vst v63  }
0x20: {  	v3 =	vld [tilespmem:$0x10];
	_ =	sdelay $0x4  }
0x21: {  	v49 =	vshll.u32 v3, $0x1  }
0x22: {  	v3 =	vand.u32 $0x7, v3;
	v4 =	vand.u32 $0xFFFFFFF0, v49  }
0x23: {  	v3 =	vor.u32 v3, v4  }
0x24: {  	v4 =	vperm.xlane v3, v0;
	_ =	sdelay $0x1  }
0x25: {  	v3 =	vperm.xlane v3, v2;
	v4 =	vadd.s32 v1, v4;
	_ =	sdelay $0x1  }
0x26: {  	v3 =	vadd.s32 v1, v3;
	_ =	sdelay $0x2  }
0x27: {  	[tilespmem:s12], [sflag:$0x1] =	stream.indirect_vreg.gather [hbm4b:s1+s3], $0x80, v4, vm0, $0xb8;
	[tilespmem:$0x8080] =	vst v63  }
0x28: {  	_ = 	snop  }
0x29: {  	[tilespmem:s13], [sflag:$0x1] =	stream.indirect_vreg.gather [hbm4b:s1+s3], $0x80, v3, vm0, $0xb8;
	[tilespmem:$0x8080] =	vst v63  }
0x2a: {  	v3 =	vld [tilespmem:$0x20];
	_ =	sdelay $0x4  }
0x2b: {  	v50 =	vshll.u32 v3, $0x1  }
0x2c: {  	v3 =	vand.u32 $0x7, v3;
	v4 =	vand.u32 $0xFFFFFFF0, v50  }
0x2d: {  	v3 =	vor.u32 v3, v4  }
0x2e: {  	v4 =	vperm.xlane v3, v0;
	_ =	sdelay $0x1  }
0x2f: {  	v3 =	vperm.xlane v3, v2;
	v4 =	vadd.s32 v1, v4;
	_ =	sdelay $0x1  }
0x30: {  	v3 =	vadd.s32 v1, v3;
	_ =	sdelay $0x2  }
0x31: {  	[tilespmem:s14], [sflag:$0x1] =	stream.indirect_vreg.gather [hbm4b:s1+s3], $0x80, v4, vm0, $0xb8;
	[tilespmem:$0x8080] =	vst v63  }
0x32: {  	_ = 	snop  }
0x33: {  	[tilespmem:s15], [sflag:$0x1] =	stream.indirect_vreg.gather [hbm4b:s1+s3], $0x80, v3, vm0, $0xb8;
	[tilespmem:$0x8080] =	vst v63  }
0x34: {  	v3 =	vld [tilespmem:$0x30];
	_ =	sdelay $0x4  }
0x35: {  	v51 =	vshll.u32 v3, $0x1  }
0x36: {  	v3 =	vand.u32 $0x7, v3;
	v4 =	vand.u32 $0xFFFFFFF0, v51  }
0x37: {  	v3 =	vor.u32 v3, v4  }
0x38: {  	v4 =	vperm.xlane v3, v0;
	_ =	sdelay $0x1  }
0x39: {  	v3 =	vperm.xlane v3, v2;
	v4 =	vadd.s32 v1, v4;
	_ =	sdelay $0x1  }
0x3a: {  	v3 =	vadd.s32 v1, v3;
	_ =	sdelay $0x2  }
0x3b: {  	[tilespmem:s16], [sflag:$0x1] =	stream.indirect_vreg.gather [hbm4b:s1+s3], $0x80, v4, vm0, $0xb8;
	[tilespmem:$0x8080] =	vst v63  }
0x3c: {  	_ = 	snop  }
0x3d: {  	[tilespmem:s17], [sflag:$0x1] =	stream.indirect_vreg.gather [hbm4b:s1+s3], $0x80, v3, vm0, $0xb8;
	[tilespmem:$0x8080] =	vst v63  }
0x3e: {  	v3 =	vld [tilespmem:$0x40];
	_ =	sdelay $0x4  }
0x3f: {  	v52 =	vshll.u32 v3, $0x1  }
0x40: {  	v3 =	vand.u32 $0x7, v3;
	v4 =	vand.u32 $0xFFFFFFF0, v52  }
0x41: {  	v3 =	vor.u32 v3, v4  }
0x42: {  	v4 =	vperm.xlane v3, v0;
	_ =	sdelay $0x1  }
0x43: {  	v3 =	vperm.xlane v3, v2;
	v4 =	vadd.s32 v1, v4;
	_ =	sdelay $0x1  }
0x44: {  	v3 =	vadd.s32 v1, v3;
	_ =	sdelay $0x2  }
0x45: {  	[tilespmem:s18], [sflag:$0x1] =	stream.indirect_vreg.gather [hbm4b:s1+s3], $0x80, v4, vm0, $0xb8;
	[tilespmem:$0x8080] =	vst v63  }
0x46: {  	_ = 	snop  }
0x47: {  	[tilespmem:s19], [sflag:$0x1] =	stream.indirect_vreg.gather [hbm4b:s1+s3], $0x80, v3, vm0, $0xb8;
	[tilespmem:$0x8080] =	vst v63  }
0x48: {  	v3 =	vld [tilespmem:$0x50];
	_ =	sdelay $0x4  }
0x49: {  	v53 =	vshll.u32 v3, $0x1  }
0x4a: {  	v3 =	vand.u32 $0x7, v3;
	v4 =	vand.u32 $0xFFFFFFF0, v53  }
0x4b: {  	v3 =	vor.u32 v3, v4  }
0x4c: {  	v4 =	vperm.xlane v3, v0;
	_ =	sdelay $0x1  }
0x4d: {  	v3 =	vperm.xlane v3, v2;
	v4 =	vadd.s32 v1, v4;
	_ =	sdelay $0x1  }
0x4e: {  	v3 =	vadd.s32 v1, v3;
	_ =	sdelay $0x2  }
0x4f: {  	[tilespmem:s20], [sflag:$0x1] =	stream.indirect_vreg.gather [hbm4b:s1+s3], $0x80, v4, vm0, $0xb8;
	[tilespmem:$0x8080] =	vst v63  }
0x50: {  	_ = 	snop  }
0x51: {  	[tilespmem:s21], [sflag:$0x1] =	stream.indirect_vreg.gather [hbm4b:s1+s3], $0x80, v3, vm0, $0xb8;
	[tilespmem:$0x8080] =	vst v63  }
0x52: {  	v3 =	vld [tilespmem:$0x60];
	_ =	sdelay $0x4  }
0x53: {  	v54 =	vshll.u32 v3, $0x1  }
0x54: {  	v3 =	vand.u32 $0x7, v3;
	v4 =	vand.u32 $0xFFFFFFF0, v54  }
0x55: {  	v3 =	vor.u32 v3, v4  }
0x56: {  	v4 =	vperm.xlane v3, v0;
	_ =	sdelay $0x1  }
0x57: {  	v3 =	vperm.xlane v3, v2;
	v4 =	vadd.s32 v1, v4;
	_ =	sdelay $0x1  }
0x58: {  	v3 =	vadd.s32 v1, v3;
	_ =	sdelay $0x2  }
0x59: {  	[tilespmem:s22], [sflag:$0x1] =	stream.indirect_vreg.gather [hbm4b:s1+s3], $0x80, v4, vm0, $0xb8;
	[tilespmem:$0x8080] =	vst v63  }
0x5a: {  	_ = 	snop  }
0x5b: {  	[tilespmem:s23], [sflag:$0x1] =	stream.indirect_vreg.gather [hbm4b:s1+s3], $0x80, v3, vm0, $0xb8;
	[tilespmem:$0x8080] =	vst v63  }
0x5c: {  	v3 =	vld [tilespmem:$0x70];
	_ =	sdelay $0x4  }
0x5d: {  	v55 =	vshll.u32 v3, $0x1  }
0x5e: {  	v3 =	vand.u32 $0x7, v3;
	v4 =	vand.u32 $0xFFFFFFF0, v55  }
0x5f: {  	v3 =	vor.u32 v3, v4  }
0x60: {  	v4 =	vperm.xlane v3, v0;
	_ =	sdelay $0x1  }
0x61: {  	v3 =	vperm.xlane v3, v2;
	v4 =	vadd.s32 v1, v4;
	_ =	sdelay $0x1  }
0x62: {  	v3 =	vadd.s32 v1, v3;
	_ =	sdelay $0x2  }
0x63: {  	[tilespmem:s24], [sflag:$0x1] =	stream.indirect_vreg.gather [hbm4b:s1+s3], $0x80, v4, vm0, $0xb8;
	[tilespmem:$0x8080] =	vst v63  }
0x64: {  	_ = 	snop  }
0x65: {  	[tilespmem:s25], [sflag:$0x1] =	stream.indirect_vreg.gather [hbm4b:s1+s3], $0x80, v3, vm0, $0xb8;
	[tilespmem:$0x8080] =	vst v63  }
0x66: {  	_ =	swait.ge [sflag:s26], $0x8000  }
0x67: {  	[sflag:s26] =	ssyncset.done $0x0  }
0x68: {  	[sflag:s26] =	ssyncadd.s32 $0xFFFF8000  }
0x69: {  	[hbm4b:s5+s3] =	stream.linear.scatter [tilespmem:s10], [sflag:$0x2], $0x8000, $0x38;
	[tilespmem:$0x8080] =	vst v63  }
0x6a: {  	_ =	swait.ge [sflag:s9], $0x8000  }
0x6b: {  	[sflag:s9] =	ssyncset.done $0x0  }
0x6c: {  	[sflag:s9] =	ssyncadd.s32 $0xFFFF8000  }
0x6d: {  	[tilespmem:s3], [sflag:$0x2] =	stream.linear.gather [hbm4b:s6+s3], $0x80, $0x38;
	[tilespmem:$0x8080] =	vst v63  }
0x6e: {  	_ =	swait.ge [sflag:s9], $0x80  }
0x6f: {  	[sflag:s9] =	ssyncset.done $0x0  }
0x70: {  	[sflag:s9] =	ssyncadd.s32 $0xFFFFFF80  }
0x71: {  	v3 =	vld [tilespmem:$0x0];
	_ =	sdelay $0x4  }
0x72: {  	v56 =	vshll.u32 v3, $0x1  }
0x73: {  	v3 =	vand.u32 $0x7, v3;
	v4 =	vand.u32 $0xFFFFFFF0, v56  }
0x74: {  	v3 =	vor.u32 v3, v4  }
0x75: {  	v4 =	vperm.xlane v3, v0;
	_ =	sdelay $0x1  }
0x76: {  	v3 =	vperm.xlane v3, v2;
	v4 =	vadd.s32 v1, v4;
	_ =	sdelay $0x1  }
0x77: {  	v3 =	vadd.s32 v1, v3;
	_ =	sdelay $0x2  }
0x78: {  	[tilespmem:s10], [sflag:$0x1] =	stream.indirect_vreg.gather [hbm4b:s1+s3], $0x80, v4, vm0, $0xb8;
	[tilespmem:$0x8080] =	vst v63  }
0x79: {  	_ = 	snop  }
0x7a: {  	[tilespmem:s11], [sflag:$0x1] =	stream.indirect_vreg.gather [hbm4b:s1+s3], $0x80, v3, vm0, $0xb8;
	[tilespmem:$0x8080] =	vst v63  }
0x7b: {  	v3 =	vld [tilespmem:$0x10];
	_ =	sdelay $0x4  }
0x7c: {  	v57 =	vshll.u32 v3, $0x1  }
0x7d: {  	v3 =	vand.u32 $0x7, v3;
	v4 =	vand.u32 $0xFFFFFFF0, v57  }
0x7e: {  	v3 =	vor.u32 v3, v4  }
0x7f: {  	v4 =	vperm.xlane v3, v0;
	_ =	sdelay $0x1  }
0x80: {  	v3 =	vperm.xlane v3, v2;
	v4 =	vadd.s32 v1, v4;
	_ =	sdelay $0x1  }
0x81: {  	v3 =	vadd.s32 v1, v3;
	_ =	sdelay $0x2  }
0x82: {  	[tilespmem:s12], [sflag:$0x1] =	stream.indirect_vreg.gather [hbm4b:s1+s3], $0x80, v4, vm0, $0xb8;
	[tilespmem:$0x8080] =	vst v63  }
0x83: {  	_ = 	snop  }
0x84: {  	[tilespmem:s13], [sflag:$0x1] =	stream.indirect_vreg.gather [hbm4b:s1+s3], $0x80, v3, vm0, $0xb8;
	[tilespmem:$0x8080] =	vst v63  }
0x85: {  	v3 =	vld [tilespmem:$0x20];
	_ =	sdelay $0x4  }
0x86: {  	v58 =	vshll.u32 v3, $0x1  }
0x87: {  	v3 =	vand.u32 $0x7, v3;
	v4 =	vand.u32 $0xFFFFFFF0, v58  }
0x88: {  	v3 =	vor.u32 v3, v4  }
0x89: {  	v4 =	vperm.xlane v3, v0;
	_ =	sdelay $0x1  }
0x8a: {  	v3 =	vperm.xlane v3, v2;
	v4 =	vadd.s32 v1, v4;
	_ =	sdelay $0x1  }
0x8b: {  	v3 =	vadd.s32 v1, v3;
	_ =	sdelay $0x2  }
0x8c: {  	[tilespmem:s14], [sflag:$0x1] =	stream.indirect_vreg.gather [hbm4b:s1+s3], $0x80, v4, vm0, $0xb8;
	[tilespmem:$0x8080] =	vst v63  }
0x8d: {  	_ = 	snop  }
0x8e: {  	[tilespmem:s15], [sflag:$0x1] =	stream.indirect_vreg.gather [hbm4b:s1+s3], $0x80, v3, vm0, $0xb8;
	[tilespmem:$0x8080] =	vst v63  }
0x8f: {  	v3 =	vld [tilespmem:$0x30];
	_ =	sdelay $0x4  }
0x90: {  	v59 =	vshll.u32 v3, $0x1  }
0x91: {  	v3 =	vand.u32 $0x7, v3;
	v4 =	vand.u32 $0xFFFFFFF0, v59  }
0x92: {  	v3 =	vor.u32 v3, v4  }
0x93: {  	v4 =	vperm.xlane v3, v0;
	_ =	sdelay $0x1  }
0x94: {  	v3 =	vperm.xlane v3, v2;
	v4 =	vadd.s32 v1, v4;
	_ =	sdelay $0x1  }
0x95: {  	v3 =	vadd.s32 v1, v3;
	_ =	sdelay $0x2  }
0x96: {  	[tilespmem:s16], [sflag:$0x1] =	stream.indirect_vreg.gather [hbm4b:s1+s3], $0x80, v4, vm0, $0xb8;
	[tilespmem:$0x8080] =	vst v63  }
0x97: {  	_ = 	snop  }
0x98: {  	[tilespmem:s17], [sflag:$0x1] =	stream.indirect_vreg.gather [hbm4b:s1+s3], $0x80, v3, vm0, $0xb8;
	[tilespmem:$0x8080] =	vst v63  }
0x99: {  	v3 =	vld [tilespmem:$0x40];
	_ =	sdelay $0x4  }
0x9a: {  	v60 =	vshll.u32 v3, $0x1  }
0x9b: {  	v3 =	vand.u32 $0x7, v3;
	v4 =	vand.u32 $0xFFFFFFF0, v60  }
0x9c: {  	v3 =	vor.u32 v3, v4  }
0x9d: {  	v4 =	vperm.xlane v3, v0;
	_ =	sdelay $0x1  }
0x9e: {  	v3 =	vperm.xlane v3, v2;
	v4 =	vadd.s32 v1, v4;
	_ =	sdelay $0x1  }
0x9f: {  	v3 =	vadd.s32 v1, v3;
	_ =	sdelay $0x2  }
0xa0: {  	[tilespmem:s18], [sflag:$0x1] =	stream.indirect_vreg.gather [hbm4b:s1+s3], $0x80, v4, vm0, $0xb8;
	[tilespmem:$0x8080] =	vst v63  }
0xa1: {  	_ = 	snop  }
0xa2: {  	[tilespmem:s19], [sflag:$0x1] =	stream.indirect_vreg.gather [hbm4b:s1+s3], $0x80, v3, vm0, $0xb8;
	[tilespmem:$0x8080] =	vst v63  }
0xa3: {  	v3 =	vld [tilespmem:$0x50];
	_ =	sdelay $0x4  }
0xa4: {  	v61 =	vshll.u32 v3, $0x1  }
0xa5: {  	v3 =	vand.u32 $0x7, v3;
	v4 =	vand.u32 $0xFFFFFFF0, v61  }
0xa6: {  	v3 =	vor.u32 v3, v4  }
0xa7: {  	v4 =	vperm.xlane v3, v0;
	_ =	sdelay $0x1  }
0xa8: {  	v3 =	vperm.xlane v3, v2;
	v4 =	vadd.s32 v1, v4;
	_ =	sdelay $0x1  }
0xa9: {  	v3 =	vadd.s32 v1, v3;
	_ =	sdelay $0x2  }
0xaa: {  	[tilespmem:s20], [sflag:$0x1] =	stream.indirect_vreg.gather [hbm4b:s1+s3], $0x80, v4, vm0, $0xb8;
	[tilespmem:$0x8080] =	vst v63  }
0xab: {  	_ = 	snop  }
0xac: {  	[tilespmem:s21], [sflag:$0x1] =	stream.indirect_vreg.gather [hbm4b:s1+s3], $0x80, v3, vm0, $0xb8;
	[tilespmem:$0x8080] =	vst v63  }
0xad: {  	v3 =	vld [tilespmem:$0x60];
	_ =	sdelay $0x4  }
0xae: {  	v62 =	vshll.u32 v3, $0x1  }
0xaf: {  	v3 =	vand.u32 $0x7, v3;
	v4 =	vand.u32 $0xFFFFFFF0, v62  }
0xb0: {  	v3 =	vor.u32 v3, v4  }
0xb1: {  	v4 =	vperm.xlane v3, v0;
	_ =	sdelay $0x1  }
0xb2: {  	v3 =	vperm.xlane v3, v2;
	v4 =	vadd.s32 v1, v4;
	_ =	sdelay $0x1  }
0xb3: {  	v3 =	vadd.s32 v1, v3;
	_ =	sdelay $0x2  }
0xb4: {  	[tilespmem:s22], [sflag:$0x1] =	stream.indirect_vreg.gather [hbm4b:s1+s3], $0x80, v4, vm0, $0xb8;
	[tilespmem:$0x8080] =	vst v63  }
0xb5: {  	_ = 	snop  }
0xb6: {  	[tilespmem:s23], [sflag:$0x1] =	stream.indirect_vreg.gather [hbm4b:s1+s3], $0x80, v3, vm0, $0xb8;
	[tilespmem:$0x8080] =	vst v63  }
0xb7: {  	v3 =	vld [tilespmem:$0x70];
	_ =	sdelay $0x4  }
0xb8: {  	v63 =	vshll.u32 v3, $0x1  }
0xb9: {  	v3 =	vand.u32 $0x7, v3;
	v4 =	vand.u32 $0xFFFFFFF0, v63  }
0xba: {  	v3 =	vor.u32 v3, v4  }
0xbb: {  	v4 =	vperm.xlane v3, v0;
	_ =	sdelay $0x1  }
0xbc: {  	v3 =	vperm.xlane v3, v2;
	v4 =	vadd.s32 v1, v4;
	_ =	sdelay $0x1  }
0xbd: {  	v3 =	vadd.s32 v1, v3;
	_ =	sdelay $0x2  }
0xbe: {  	[tilespmem:s24], [sflag:$0x1] =	stream.indirect_vreg.gather [hbm4b:s1+s3], $0x80, v4, vm0, $0xb8;
	[tilespmem:$0x8080] =	vst v63  }
0xbf: {  	_ = 	snop  }
0xc0: {  	[tilespmem:s25], [sflag:$0x1] =	stream.indirect_vreg.gather [hbm4b:s1+s3], $0x80, v3, vm0, $0xb8;
	[tilespmem:$0x8080] =	vst v63  }
0xc1: {  	_ =	swait.ge [sflag:s26], $0x8000  }
0xc2: {  	p0 =	sne.s32 s8, $0x1;
	[sflag:s26] =	ssyncset.done $0x0  }
.Ltmp0:
0xc3: {  	[sflag:s26] =	ssyncadd.s32 $0xFFFF8000;
	(pc) =	sbr.rel @p0 .LBB2_1-.Ltmp0, $4  }
0xc4: {  	[hbm4b:s7+s3] =	stream.linear.scatter [tilespmem:s10], [sflag:$0x2], $0x8000, $0x38;
	[tilespmem:$0x8080] =	vst v63  }
0xc5: {  	_ =	swait.ge [sflag:s9], $0x8000  }
0xc6: {  	[sflag:s9] =	ssyncset.done $0x0  }
0xc7: {  	s8 =	sadd.s32 $0xFFFFFFFF, s8;
	[sflag:s9] =	ssyncadd.s32 $0xFFFF8000  }
0xc8: {  	_ =	sfence.sel $0x180000  }
0xc9: {  	[bflag:$0x0] =	sbarrier.arrive $0xFFFF  }
0xca: {  	p0 =	sne.s32 s2, $0x0;
	_ =	strace $0x9000004A  }
0xcb: {  	s0 =	sadd.s32 @!p0 $0x100000, s0;
	[bflag:$0x2] =	sbarrier.arrive $0xFFFF  }
0xcc: {  	[sflag:s0] =	ssyncadd.tile.s32 @!p0 $0x1;
	_ =	shalt  }
.Lfunc_end2:
_tile_overlayer_lowered:
.L_overlay_start_2:
0xcd: {  	(tag) =	ssettag $0x2  }
0xce: {  	s0 =	rddreg [dreg:$0x0];
	s2 =	stileid.u32  }
0xcf: {  	s1 =	rddreg [dreg:$0x1];
	p0 =	sne.s32 s2, $0x0  }
0xd0: {  	s3 =	rddreg [dreg:$0x2];
	[bflag:$0x3] =	sbarrier.arrive $0xFFFF;
	s2 =	simm.s32 @!p0 $0x1C02  }
0xd1: {  	[timem:s3], [sflag:s2] =	dma.local @!p0 [hbm:s0], s1  }
0xd2: {  	s0 =	simm.s32 @!p0 $0x2  }
0xd3: {  	_ =	swait.ge @!p0 [sflag:s0], s1  }
0xd4: {  	s1 =	ssub.s32 @!p0 $0x0, s1;
	[sflag:s0] =	ssyncset.done @!p0 $0x0  }
0xd5: {  	[sflag:s0] =	ssyncadd.s32 @!p0 s1  }
0xd6: {  	[bflag:$0x3] =	sbarrier.arrive $0xFFFF  }
0xd7: {  	_ =	shalt  }

</sc_bundles>
